<compile_context>
chip_gen: v7x
topology: tpu7x:2x2x1
jax: 0.10.2.dev20260603
libtpu: 0.0.44.dev20260713+nightly
codegen_flags: <defaults>
</compile_context>

<pallas_src>
import functools

import jax
import jax.numpy as jnp
from jax import lax
from jax.experimental import pallas as pl
from jax.experimental.pallas import tpu as pltpu
from jax.experimental.pallas import tpu_sc as plsc

_NC = 2
_NS = 16

_B = 125


def _mesh(nc):
    return plsc.VectorSubcoreMesh(core_axis_name="c", subcore_axis_name="s",
                                  num_cores=nc)


def _scatter_loop(gref, src_v, dst_v, rows_v, acc_sh, gsems, ssems, nb):
    for j in range(3):
        pltpu.async_copy(gref.at[src_v.at[j]], rows_v.at[j], gsems[j])

    def step4(g, carry):
        for b in range(4):
            j = 4 * g + b
            pltpu.async_copy(gref.at[src_v.at[j + 3]],
                             rows_v.at[(b + 3) % 4], gsems[(b + 3) % 4])
            pltpu.make_async_copy(gref.at[src_v.at[j]], rows_v.at[b],
                                  gsems[b]).wait()
            pltpu.sync_copy(rows_v.at[b], acc_sh.at[dst_v.at[j]], add=True)
        return carry

    lax.fori_loop(0, (nb - 4) // 4, step4, 0)
    for b in range(4):
        j = nb - 4 + b
        if b == 0:
            pltpu.async_copy(gref.at[src_v.at[nb - 1]], rows_v.at[3],
                             gsems[3])
        pltpu.make_async_copy(gref.at[src_v.at[j]], rows_v.at[b],
                              gsems[b]).wait()
        pltpu.sync_copy(rows_v.at[b], acc_sh.at[dst_v.at[j]], add=True)


def _sc_degree(dst3, n):
    nb = dst3.shape[1]
    rps = n // _NS

    @functools.partial(
        pl.kernel,
        out_type=jax.ShapeDtypeStruct((n, 16), jnp.float32),
        mesh=_mesh(1),
        compiler_params=pltpu.CompilerParams(use_tc_tiling_on_sc=False),
        scratch_types=[
            pltpu.VMEM((nb, _B), jnp.int32),
            pltpu.VMEM((_B, 16), jnp.float32),
            pltpu.VMEM_SHARED((n, 16), jnp.float32),
        ],
    )
    def k(dst_hbm, out_hbm, dst_v, ones_v, acc_sh):
        sid = lax.axis_index("s")
        r0 = sid * rps

        def ostep(i, carry):
            ones_v[i, pl.ds(0, 16)] = jnp.ones((16,), jnp.float32)
            return carry

        lax.fori_loop(0, _B, ostep, 0)
        for t in range(rps // _B):
            pltpu.sync_copy(ones_v, acc_sh.at[pl.ds(r0 + t * _B, _B)])
        pltpu.sync_copy(dst_hbm.at[sid], dst_v)
        plsc.subcore_barrier()

        def step(j, carry):
            pltpu.sync_copy(ones_v, acc_sh.at[dst_v.at[j]], add=True)
            return carry

        lax.fori_loop(0, nb, step, 0)
        plsc.subcore_barrier()
        pltpu.sync_copy(acc_sh.at[pl.ds(r0, rps)], out_hbm.at[pl.ds(r0, rps)])

    return k(dst3)


def _sc_aggregate(hs_view, src4, dst3, split_out):
    n2, dh = hs_view.shape
    n = n2 // 2
    nb = src4.shape[2]
    rps = n // _NS
    out_t = (jax.ShapeDtypeStruct((_NC, n, dh), jnp.float32) if split_out
             else jax.ShapeDtypeStruct((n, 2 * dh), jnp.float32))

    @functools.partial(
        pl.kernel,
        out_type=out_t,
        mesh=_mesh(_NC),
        compiler_params=pltpu.CompilerParams(use_tc_tiling_on_sc=False),
        scratch_types=[
            pltpu.VMEM((nb, _B), jnp.int32),
            pltpu.VMEM((nb, _B), jnp.int32),
            pltpu.VMEM((4, _B, dh), jnp.float32),
            pltpu.VMEM_SHARED((n, dh), jnp.float32),
            [pltpu.SemaphoreType.DMA] * 4,
            [pltpu.SemaphoreType.DMA] * 4,
        ],
    )
    def k(hs_hbm, src_hbm, dst_hbm, out_hbm, src_v, dst_v, rows_v,
          acc_sh, gsems, ssems):
        cid = lax.axis_index("c")
        sid = lax.axis_index("s")
        r0 = sid * rps
        def zstep(i, carry):
            for q in range(-(-dh // 16)):
                off = min(q * 16, dh - 16)
                rows_v[0, i, pl.ds(off, 16)] = jnp.zeros((16,), jnp.float32)
            return carry

        lax.fori_loop(0, _B, zstep, 0)
        assert rps % _B == 0 and nb % 4 == 0
        for t in range(rps // _B):
            pltpu.sync_copy(rows_v.at[0], acc_sh.at[pl.ds(r0 + t * _B, _B)])
        pltpu.sync_copy(src_hbm.at[cid, sid], src_v)
        pltpu.sync_copy(dst_hbm.at[sid], dst_v)
        plsc.subcore_barrier()
        _scatter_loop(hs_hbm, src_v, dst_v, rows_v, acc_sh, gsems, ssems, nb)
        plsc.subcore_barrier()
        if split_out:
            pltpu.sync_copy(acc_sh.at[pl.ds(r0, rps)],
                            out_hbm.at[cid, pl.ds(r0, rps)])
        else:
            pltpu.sync_copy(acc_sh.at[pl.ds(r0, rps)],
                            out_hbm.at[pl.ds(r0, rps), pl.ds(cid * dh, dh)])

    return k(hs_view, src4, dst3)


def _dinv_from(deg_ref):
    return lax.rsqrt(deg_ref[:, :1])


def _tc_matmul(x, w1):

    def body(x_ref, w1_ref, out_ref):
        out_ref[...] = jnp.dot(x_ref[...], w1_ref[...],
                               preferred_element_type=jnp.float32,
                               precision=lax.Precision.HIGHEST)

    return pl.pallas_call(
        body,
        out_shape=jax.ShapeDtypeStruct((x.shape[0], w1.shape[1]),
                                       jnp.float32),
    )(x, w1)


def _tc_scale(xw, deg):

    def body(xw_ref, deg_ref, out_ref):
        out_ref[...] = xw_ref[...] * _dinv_from(deg_ref)

    return pl.pallas_call(
        body,
        out_shape=jax.ShapeDtypeStruct(xw.shape, jnp.float32),
    )(xw, deg)


def _tc_bn_relu_matmul(p, hs, deg, gamma, beta, b1, w2p):
    n = hs.shape[0]
    d2 = w2p.shape[1]

    def body(p_ref, hs_ref, deg_ref, g_ref, be_ref, b1_ref, w2_ref, out_ref):
        dinv = _dinv_from(deg_ref)
        agg = p_ref[...] + hs_ref[...]
        h = agg * dinv + b1_ref[...][None, :]
        mean = jnp.mean(h, axis=0)
        var = jnp.mean((h - mean[None, :]) ** 2, axis=0)
        hn = (h - mean[None, :]) / jnp.sqrt(var + 1e-5)[None, :]
        hr = jnp.maximum(g_ref[...][None, :] * hn + be_ref[...][None, :], 0.0)
        h2 = jnp.dot(hr, w2_ref[...],
                     preferred_element_type=jnp.float32,
                     precision=lax.Precision.HIGHEST)
        out_ref[...] = h2 * dinv

    return pl.pallas_call(
        body,
        out_shape=jax.ShapeDtypeStruct((n, d2), jnp.float32),
    )(p, hs, deg, gamma, beta, b1, w2p)


def _tc_finish(p2, hs2, deg, b2, d_out):

    def body(p_ref, hs_ref, deg_ref, b2_ref, out_ref):
        agg = p_ref[...] + hs_ref[...]
        sc = agg * _dinv_from(deg_ref)
        out_ref[...] = sc[:, :d_out] + b2_ref[...][None, :]

    return pl.pallas_call(
        body,
        out_shape=jax.ShapeDtypeStruct((hs2.shape[0], d_out), jnp.float32),
    )(p2, hs2, deg, b2)


def kernel(x, adj_t, W1, b1, gamma1, beta1, W2, b2):
    n = x.shape[0]
    e = adj_t.shape[1]
    ept = e // _NS
    nb = ept // _B
    assert ept == nb * _B and n % _NS == 0

    src3 = adj_t[0].astype(jnp.int32).reshape(_NS, nb, _B)
    dst3 = adj_t[1].astype(jnp.int32).reshape(_NS, nb, _B)
    src4 = jnp.stack([2 * src3, 2 * src3 + 1], axis=0)

    deg = _sc_degree(dst3, n)

    xw = _tc_matmul(x, W1)
    hs = _tc_scale(xw, deg)
    p1 = _sc_aggregate(hs.reshape(2 * n, -1), src4, dst3,
                       split_out=False)

    d2pad = 48
    w2p = jnp.zeros((W2.shape[0], d2pad), jnp.float32).at[:, :W2.shape[1]].set(W2)

    hs2 = _tc_bn_relu_matmul(p1, hs, deg, gamma1, beta1, b1, w2p)
    p2 = _sc_aggregate(hs2.reshape(2 * n, -1), src4, dst3,
                       split_out=False)
    return _tc_finish(p2, hs2, deg, b2, W2.shape[1])

# --- scband reference (transcript-rebuilt; emitter-appended) ---
"""Pipeline reference for scband-indi-gcn-p-1623497638156 (READ-ONLY COPY).

The authoritative reference and input builder live on the scoring server;
editing this copy changes nothing except your own understanding.
"""

import jax, jax.numpy as jnp
import numpy as np

N = 10000
E = 320000
D_IN = 128
D_HID = 128
N_CLS = 40


def setup_inputs(seed: int = 0) -> dict:
    key = jax.random.key(seed)
    ks = jax.random.split(key, 8)
    x = jax.random.normal(ks[0], (N, D_IN), dtype=jnp.float32)
    adj_t = jax.random.randint(ks[1], (2, E), 0, N)
    # GCNConv layer 1 params (glorot-ish init)
    W1 = jax.random.normal(ks[2], (D_IN, D_HID), dtype=jnp.float32) * (1.0 / np.sqrt(D_IN))
    b1 = jnp.zeros((D_HID,), dtype=jnp.float32)
    # BatchNorm1d params
    gamma1 = jnp.ones((D_HID,), dtype=jnp.float32)
    beta1 = jnp.zeros((D_HID,), dtype=jnp.float32)
    # GCNConv layer 2 params
    W2 = jax.random.normal(ks[3], (D_HID, N_CLS), dtype=jnp.float32) * (1.0 / np.sqrt(D_HID))
    b2 = jnp.zeros((N_CLS,), dtype=jnp.float32)
    return {"x": x, "adj_t": adj_t, "W1": W1, "b1": b1, "gamma1": gamma1, "beta1": beta1, "W2": W2, "b2": b2}


def _gcn_conv(x, edge_index, W, b):
    # GCNConv with self loops and symmetric normalization: D^-1/2 (A+I) D^-1/2 X W + b
    n = x.shape[0]
    loops = jnp.arange(n, dtype=edge_index.dtype)
    src = jnp.concatenate([edge_index[0], loops])
    dst = jnp.concatenate([edge_index[1], loops])
    deg = jax.ops.segment_sum(jnp.ones(src.shape[0], dtype=x.dtype), dst, num_segments=n)
    deg_inv_sqrt = jnp.where(deg > 0, 1.0 / jnp.sqrt(jnp.maximum(deg, 1e-12)), 0.0)
    norm = deg_inv_sqrt[src] * deg_inv_sqrt[dst]
    h = x @ W
    msg = jnp.take(h, src, axis=0) * norm[:, None]
    out = jax.ops.segment_sum(msg, dst, num_segments=n)
    return out + b


def _batch_norm(h, gamma, beta, eps=1e-5):
    mean = jnp.mean(h, axis=0)
    var = jnp.var(h, axis=0)
    hn = (h - mean) / jnp.sqrt(var + eps)
    return gamma * hn + beta


def reference(x, adj_t, W1, b1, gamma1, beta1, W2, b2):
    # layer 1: GCNConv -> BN -> ReLU (dropout is identity in eval)
    h = _gcn_conv(x, adj_t, W1, b1)
    h = _batch_norm(h, gamma1, beta1)
    h = jax.nn.relu(h)
    # final layer
    out = _gcn_conv(h, adj_t, W2, b2)
    return out

if __name__ == "__main__":
    import jax
    _d = setup_inputs()
    print(jax.jit(kernel)(*tuple(_d.values())))

</pallas_src>

<mosaic_0001>
#map = affine_map<(d0, d1) -> (0, 0)>
#map1 = affine_map<(d0, d1) -> (0, 0, 0, 0)>
#map2 = affine_map<(d0, d1) -> (0, 0, 0)>
module attributes {stable_mosaic.version = 14 : i64} {
  func.func @k(%arg0: i32, %arg1: i32, %arg2: memref<20000x24xf32, #tpu.memory_space<hbm>>, %arg3: memref<2x16x160x125xi32, #tpu.memory_space<hbm>>, %arg4: memref<16x160x125xi32, #tpu.memory_space<hbm>>, %arg5: memref<10000x48xf32, #tpu.memory_space<hbm>>, %arg6: memref<160x125xi32, #tpu.memory_space<vmem>>, %arg7: memref<160x125xi32, #tpu.memory_space<vmem>>, %arg8: memref<4x125x24xf32, #tpu.memory_space<vmem>>, %arg9: memref<10000x24xf32, #tpu.memory_space<vmem_shared>>, %arg10: memref<!tpu.dma_semaphore, #tpu.memory_space<semaphore_mem>>, %arg11: memref<!tpu.dma_semaphore, #tpu.memory_space<semaphore_mem>>, %arg12: memref<!tpu.dma_semaphore, #tpu.memory_space<semaphore_mem>>, %arg13: memref<!tpu.dma_semaphore, #tpu.memory_space<semaphore_mem>>, %arg14: memref<!tpu.dma_semaphore, #tpu.memory_space<semaphore_mem>>, %arg15: memref<!tpu.dma_semaphore, #tpu.memory_space<semaphore_mem>>, %arg16: memref<!tpu.dma_semaphore, #tpu.memory_space<semaphore_mem>>, %arg17: memref<!tpu.dma_semaphore, #tpu.memory_space<semaphore_mem>>) attributes {dimension_semantics = [#tpu.dimension_semantics<core_parallel>, #tpu.dimension_semantics<subcore_parallel>], iteration_bounds = array<i64: 2, 16>, scalar_prefetch = 0 : i64, scratch_operands = 12 : i64, tpu.core_type = #tpu.core_type<sc_vector_subcore>, window_params = [{transform_indices = #map}, {transform_indices = #map1}, {transform_indices = #map2}, {transform_indices = #map}]} {
    %mul3A = arith.constant 625 : i32
    %mul3A_0 = arith.muli %arg1, %mul3A : i32
    %scan3A = arith.constant 0 : i32
    %scan3A_1 = arith.constant 0 : i32
    %scan3A_2 = arith.constant 125 : i32
    %scan3A_3 = arith.addi %scan3A_1, %scan3A_2 : i32
    %scan3A_4 = arith.constant 1 : i32
    scf.for %scan3A_130 = %scan3A_1 to %scan3A_3 step %scan3A_4  : i32 {
      %broadcast_in_dim3A = arith.constant 0.000000e+00 : f32
      %broadcast_in_dim3A_131 = vector.broadcast %broadcast_in_dim3A : f32 to vector<16xf32>
      %swap3A = arith.constant 0 : i32
      %swap3A_132 = arith.index_cast %swap3A : i32 to index
      %swap3A_133 = arith.index_cast %scan3A_130 : i32 to index
      %swap3A_134 = arith.constant 0 : index
      %swap3A_135 = tpu.vector_load %arg8[%swap3A_132, %swap3A_133, %swap3A_134] {strides = array<i32>} : memref<4x125x24xf32, #tpu.memory_space<vmem>>, vector<1x1x16xf32>,
      %swap3A_136 = vector.shape_cast %swap3A_135 : vector<1x1x16xf32> to vector<16xf32>
      %swap3A_137 = vector.shape_cast %broadcast_in_dim3A_131 : vector<16xf32> to vector<1x1x16xf32>
      tpu.vector_store %arg8[%swap3A_132, %swap3A_133, %swap3A_134], %swap3A_137 {strides = array<i32>} : memref<4x125x24xf32, #tpu.memory_space<vmem>>, vector<1x1x16xf32>,
      %broadcast_in_dim3A_138 = arith.constant 0.000000e+00 : f32
      %broadcast_in_dim3A_139 = vector.broadcast %broadcast_in_dim3A_138 : f32 to vector<16xf32>
      %swap3A_140 = arith.constant 0 : i32
      %swap3A_141 = arith.index_cast %swap3A_140 : i32 to index
      %swap3A_142 = arith.index_cast %scan3A_130 : i32 to index
      %swap3A_143 = arith.constant 8 : index
      %swap3A_144 = tpu.vector_load %arg8[%swap3A_141, %swap3A_142, %swap3A_143] {strides = array<i32>} : memref<4x125x24xf32, #tpu.memory_space<vmem>>, vector<1x1x16xf32>,
      %swap3A_145 = vector.shape_cast %swap3A_144 : vector<1x1x16xf32> to vector<16xf32>
      %swap3A_146 = vector.shape_cast %broadcast_in_dim3A_139 : vector<16xf32> to vector<1x1x16xf32>
      tpu.vector_store %arg8[%swap3A_141, %swap3A_142, %swap3A_143], %swap3A_146 {strides = array<i32>} : memref<4x125x24xf32, #tpu.memory_space<vmem>>, vector<1x1x16xf32>,
    }
    %scan3A_5 = arith.constant 125 : i32
    %add3A = arith.constant 0 : i32
    %add3A_6 = arith.addi %mul3A_0, %add3A : i32
    %run_scoped3A = arith.constant 0 : i32
    "tpu.region"() ({
      %run_scoped3A_130 = tpu.sem_alloc : memref<!tpu.dma_semaphore, #tpu.memory_space<semaphore_mem>>
      %dma_start3A_131 = arith.constant 0 : i32
      %dma_start3A_132 = arith.constant 0 : i32
      %dma_start3A_133 = tpu.memref_slice %arg8[%run_scoped3A, %dma_start3A_131, %dma_start3A_132] : memref<4x125x24xf32, #tpu.memory_space<vmem>> -> memref<1x125x24xf32, #tpu.memory_space<vmem>>
      %dma_start3A_134 = tpu.memref_squeeze %dma_start3A_133 : memref<1x125x24xf32, #tpu.memory_space<vmem>> -> memref<125x24xf32, #tpu.memory_space<vmem>>
      %dma_start3A_135 = arith.constant 0 : i32
      %dma_start3A_136 = tpu.memref_slice %arg9[%add3A_6, %dma_start3A_135] : memref<10000x24xf32, #tpu.memory_space<vmem_shared>> -> memref<125x24xf32, #tpu.memory_space<vmem_shared>>
      %dma_start3A_137 = arith.constant 0 : i32
      %dma_start3A_138 = tpu.memref_slice %arg9[%add3A_6, %dma_start3A_137] : memref<10000x24xf32, #tpu.memory_space<vmem_shared>> -> memref<125x24xf32, #tpu.memory_space<vmem_shared>>
      %dma_start3A_139 = arith.constant 0 : i32
      %dma_start3A_140 = arith.constant 0 : i32
      %dma_start3A_141 = tpu.memref_slice %arg8[%run_scoped3A, %dma_start3A_139, %dma_start3A_140] : memref<4x125x24xf32, #tpu.memory_space<vmem>> -> memref<1x125x24xf32, #tpu.memory_space<vmem>>
      %dma_start3A_142 = tpu.memref_squeeze %dma_start3A_141 : memref<1x125x24xf32, #tpu.memory_space<vmem>> -> memref<125x24xf32, #tpu.memory_space<vmem>>
      tpu.enqueue_dma source(%dma_start3A_142 : memref<125x24xf32, #tpu.memory_space<vmem>>) target(%dma_start3A_138 : memref<125x24xf32, #tpu.memory_space<vmem_shared>>) target_semaphore(%run_scoped3A_130 : memref<!tpu.dma_semaphore, #tpu.memory_space<semaphore_mem>>)
      %dma_wait3A_143 = arith.constant 0 : i32
      %dma_wait3A_144 = arith.constant 0 : i32
      %dma_wait3A_145 = tpu.memref_slice %arg8[%run_scoped3A, %dma_wait3A_143, %dma_wait3A_144] : memref<4x125x24xf32, #tpu.memory_space<vmem>> -> memref<1x125x24xf32, #tpu.memory_space<vmem>>
      %dma_wait3A_146 = tpu.memref_squeeze %dma_wait3A_145 : memref<1x125x24xf32, #tpu.memory_space<vmem>> -> memref<125x24xf32, #tpu.memory_space<vmem>>
      %dma_wait3A_147 = arith.constant 0 : i32
      %dma_wait3A_148 = tpu.memref_slice %arg9[%add3A_6, %dma_wait3A_147] : memref<10000x24xf32, #tpu.memory_space<vmem_shared>> -> memref<125x24xf32, #tpu.memory_space<vmem_shared>>
      %dma_wait3A_149 = arith.constant 0 : i32
      %dma_wait3A_150 = tpu.memref_slice %arg9[%add3A_6, %dma_wait3A_149] : memref<10000x24xf32, #tpu.memory_space<vmem_shared>> -> memref<125x24xf32, #tpu.memory_space<vmem_shared>>
      %dma_wait3A_151 = arith.constant 0 : i32
      %dma_wait3A_152 = arith.constant 0 : i32
      %dma_wait3A_153 = tpu.memref_slice %arg8[%run_scoped3A, %dma_wait3A_151, %dma_wait3A_152] : memref<4x125x24xf32, #tpu.memory_space<vmem>> -> memref<1x125x24xf32, #tpu.memory_space<vmem>>
      %dma_wait3A_154 = tpu.memref_squeeze %dma_wait3A_153 : memref<1x125x24xf32, #tpu.memory_space<vmem>> -> memref<125x24xf32, #tpu.memory_space<vmem>>
      tpu.wait_dma2 semaphore(%run_scoped3A_130 : memref<!tpu.dma_semaphore, #tpu.memory_space<semaphore_mem>>) src(%dma_wait3A_154 : memref<125x24xf32, #tpu.memory_space<vmem>>) dst(%dma_wait3A_150 : memref<125x24xf32, #tpu.memory_space<vmem_shared>>)
      tpu.yield
    }) : () -> ()
    %add3A_7 = arith.constant 125 : i32
    %add3A_8 = arith.addi %mul3A_0, %add3A_7 : i32
    %run_scoped3A_9 = arith.constant 0 : i32
    "tpu.region"() ({
      %run_scoped3A_130 = tpu.sem_alloc : memref<!tpu.dma_semaphore, #tpu.memory_space<semaphore_mem>>
      %dma_start3A_131 = arith.constant 0 : i32
      %dma_start3A_132 = arith.constant 0 : i32
      %dma_start3A_133 = tpu.memref_slice %arg8[%run_scoped3A_9, %dma_start3A_131, %dma_start3A_132] : memref<4x125x24xf32, #tpu.memory_space<vmem>> -> memref<1x125x24xf32, #tpu.memory_space<vmem>>
      %dma_start3A_134 = tpu.memref_squeeze %dma_start3A_133 : memref<1x125x24xf32, #tpu.memory_space<vmem>> -> memref<125x24xf32, #tpu.memory_space<vmem>>
      %dma_start3A_135 = arith.constant 0 : i32
      %dma_start3A_136 = tpu.memref_slice %arg9[%add3A_8, %dma_start3A_135] : memref<10000x24xf32, #tpu.memory_space<vmem_shared>> -> memref<125x24xf32, #tpu.memory_space<vmem_shared>>
      %dma_start3A_137 = arith.constant 0 : i32
      %dma_start3A_138 = tpu.memref_slice %arg9[%add3A_8, %dma_start3A_137] : memref<10000x24xf32, #tpu.memory_space<vmem_shared>> -> memref<125x24xf32, #tpu.memory_space<vmem_shared>>
      %dma_start3A_139 = arith.constant 0 : i32
      %dma_start3A_140 = arith.constant 0 : i32
      %dma_start3A_141 = tpu.memref_slice %arg8[%run_scoped3A_9, %dma_start3A_139, %dma_start3A_140] : memref<4x125x24xf32, #tpu.memory_space<vmem>> -> memref<1x125x24xf32, #tpu.memory_space<vmem>>
      %dma_start3A_142 = tpu.memref_squeeze %dma_start3A_141 : memref<1x125x24xf32, #tpu.memory_space<vmem>> -> memref<125x24xf32, #tpu.memory_space<vmem>>
      tpu.enqueue_dma source(%dma_start3A_142 : memref<125x24xf32, #tpu.memory_space<vmem>>) target(%dma_start3A_138 : memref<125x24xf32, #tpu.memory_space<vmem_shared>>) target_semaphore(%run_scoped3A_130 : memref<!tpu.dma_semaphore, #tpu.memory_space<semaphore_mem>>)
      %dma_wait3A_143 = arith.constant 0 : i32
      %dma_wait3A_144 = arith.constant 0 : i32
      %dma_wait3A_145 = tpu.memref_slice %arg8[%run_scoped3A_9, %dma_wait3A_143, %dma_wait3A_144] : memref<4x125x24xf32, #tpu.memory_space<vmem>> -> memref<1x125x24xf32, #tpu.memory_space<vmem>>
      %dma_wait3A_146 = tpu.memref_squeeze %dma_wait3A_145 : memref<1x125x24xf32, #tpu.memory_space<vmem>> -> memref<125x24xf32, #tpu.memory_space<vmem>>
      %dma_wait3A_147 = arith.constant 0 : i32
      %dma_wait3A_148 = tpu.memref_slice %arg9[%add3A_8, %dma_wait3A_147] : memref<10000x24xf32, #tpu.memory_space<vmem_shared>> -> memref<125x24xf32, #tpu.memory_space<vmem_shared>>
      %dma_wait3A_149 = arith.constant 0 : i32
      %dma_wait3A_150 = tpu.memref_slice %arg9[%add3A_8, %dma_wait3A_149] : memref<10000x24xf32, #tpu.memory_space<vmem_shared>> -> memref<125x24xf32, #tpu.memory_space<vmem_shared>>
      %dma_wait3A_151 = arith.constant 0 : i32
      %dma_wait3A_152 = arith.constant 0 : i32
      %dma_wait3A_153 = tpu.memref_slice %arg8[%run_scoped3A_9, %dma_wait3A_151, %dma_wait3A_152] : memref<4x125x24xf32, #tpu.memory_space<vmem>> -> memref<1x125x24xf32, #tpu.memory_space<vmem>>
      %dma_wait3A_154 = tpu.memref_squeeze %dma_wait3A_153 : memref<1x125x24xf32, #tpu.memory_space<vmem>> -> memref<125x24xf32, #tpu.memory_space<vmem>>
      tpu.wait_dma2 semaphore(%run_scoped3A_130 : memref<!tpu.dma_semaphore, #tpu.memory_space<semaphore_mem>>) src(%dma_wait3A_154 : memref<125x24xf32, #tpu.memory_space<vmem>>) dst(%dma_wait3A_150 : memref<125x24xf32, #tpu.memory_space<vmem_shared>>)
      tpu.yield
    }) : () -> ()
    %add3A_10 = arith.constant 250 : i32
    %add3A_11 = arith.addi %mul3A_0, %add3A_10 : i32
    %run_scoped3A_12 = arith.constant 0 : i32
    "tpu.region"() ({
      %run_scoped3A_130 = tpu.sem_alloc : memref<!tpu.dma_semaphore, #tpu.memory_space<semaphore_mem>>
      %dma_start3A_131 = arith.constant 0 : i32
      %dma_start3A_132 = arith.constant 0 : i32
      %dma_start3A_133 = tpu.memref_slice %arg8[%run_scoped3A_12, %dma_start3A_131, %dma_start3A_132] : memref<4x125x24xf32, #tpu.memory_space<vmem>> -> memref<1x125x24xf32, #tpu.memory_space<vmem>>
      %dma_start3A_134 = tpu.memref_squeeze %dma_start3A_133 : memref<1x125x24xf32, #tpu.memory_space<vmem>> -> memref<125x24xf32, #tpu.memory_space<vmem>>
      %dma_start3A_135 = arith.constant 0 : i32
      %dma_start3A_136 = tpu.memref_slice %arg9[%add3A_11, %dma_start3A_135] : memref<10000x24xf32, #tpu.memory_space<vmem_shared>> -> memref<125x24xf32, #tpu.memory_space<vmem_shared>>
      %dma_start3A_137 = arith.constant 0 : i32
      %dma_start3A_138 = tpu.memref_slice %arg9[%add3A_11, %dma_start3A_137] : memref<10000x24xf32, #tpu.memory_space<vmem_shared>> -> memref<125x24xf32, #tpu.memory_space<vmem_shared>>
      %dma_start3A_139 = arith.constant 0 : i32
      %dma_start3A_140 = arith.constant 0 : i32
      %dma_start3A_141 = tpu.memref_slice %arg8[%run_scoped3A_12, %dma_start3A_139, %dma_start3A_140] : memref<4x125x24xf32, #tpu.memory_space<vmem>> -> memref<1x125x24xf32, #tpu.memory_space<vmem>>
      %dma_start3A_142 = tpu.memref_squeeze %dma_start3A_141 : memref<1x125x24xf32, #tpu.memory_space<vmem>> -> memref<125x24xf32, #tpu.memory_space<vmem>>
      tpu.enqueue_dma source(%dma_start3A_142 : memref<125x24xf32, #tpu.memory_space<vmem>>) target(%dma_start3A_138 : memref<125x24xf32, #tpu.memory_space<vmem_shared>>) target_semaphore(%run_scoped3A_130 : memref<!tpu.dma_semaphore, #tpu.memory_space<semaphore_mem>>)
      %dma_wait3A_143 = arith.constant 0 : i32
      %dma_wait3A_144 = arith.constant 0 : i32
      %dma_wait3A_145 = tpu.memref_slice %arg8[%run_scoped3A_12, %dma_wait3A_143, %dma_wait3A_144] : memref<4x125x24xf32, #tpu.memory_space<vmem>> -> memref<1x125x24xf32, #tpu.memory_space<vmem>>
      %dma_wait3A_146 = tpu.memref_squeeze %dma_wait3A_145 : memref<1x125x24xf32, #tpu.memory_space<vmem>> -> memref<125x24xf32, #tpu.memory_space<vmem>>
      %dma_wait3A_147 = arith.constant 0 : i32
      %dma_wait3A_148 = tpu.memref_slice %arg9[%add3A_11, %dma_wait3A_147] : memref<10000x24xf32, #tpu.memory_space<vmem_shared>> -> memref<125x24xf32, #tpu.memory_space<vmem_shared>>
      %dma_wait3A_149 = arith.constant 0 : i32
      %dma_wait3A_150 = tpu.memref_slice %arg9[%add3A_11, %dma_wait3A_149] : memref<10000x24xf32, #tpu.memory_space<vmem_shared>> -> memref<125x24xf32, #tpu.memory_space<vmem_shared>>
      %dma_wait3A_151 = arith.constant 0 : i32
      %dma_wait3A_152 = arith.constant 0 : i32
      %dma_wait3A_153 = tpu.memref_slice %arg8[%run_scoped3A_12, %dma_wait3A_151, %dma_wait3A_152] : memref<4x125x24xf32, #tpu.memory_space<vmem>> -> memref<1x125x24xf32, #tpu.memory_space<vmem>>
      %dma_wait3A_154 = tpu.memref_squeeze %dma_wait3A_153 : memref<1x125x24xf32, #tpu.memory_space<vmem>> -> memref<125x24xf32, #tpu.memory_space<vmem>>
      tpu.wait_dma2 semaphore(%run_scoped3A_130 : memref<!tpu.dma_semaphore, #tpu.memory_space<semaphore_mem>>) src(%dma_wait3A_154 : memref<125x24xf32, #tpu.memory_space<vmem>>) dst(%dma_wait3A_150 : memref<125x24xf32, #tpu.memory_space<vmem_shared>>)
      tpu.yield
    }) : () -> ()
    %add3A_13 = arith.constant 375 : i32
    %add3A_14 = arith.addi %mul3A_0, %add3A_13 : i32
    %run_scoped3A_15 = arith.constant 0 : i32
    "tpu.region"() ({
      %run_scoped3A_130 = tpu.sem_alloc : memref<!tpu.dma_semaphore, #tpu.memory_space<semaphore_mem>>
      %dma_start3A_131 = arith.constant 0 : i32
      %dma_start3A_132 = arith.constant 0 : i32
      %dma_start3A_133 = tpu.memref_slice %arg8[%run_scoped3A_15, %dma_start3A_131, %dma_start3A_132] : memref<4x125x24xf32, #tpu.memory_space<vmem>> -> memref<1x125x24xf32, #tpu.memory_space<vmem>>
      %dma_start3A_134 = tpu.memref_squeeze %dma_start3A_133 : memref<1x125x24xf32, #tpu.memory_space<vmem>> -> memref<125x24xf32, #tpu.memory_space<vmem>>
      %dma_start3A_135 = arith.constant 0 : i32
      %dma_start3A_136 = tpu.memref_slice %arg9[%add3A_14, %dma_start3A_135] : memref<10000x24xf32, #tpu.memory_space<vmem_shared>> -> memref<125x24xf32, #tpu.memory_space<vmem_shared>>
      %dma_start3A_137 = arith.constant 0 : i32
      %dma_start3A_138 = tpu.memref_slice %arg9[%add3A_14, %dma_start3A_137] : memref<10000x24xf32, #tpu.memory_space<vmem_shared>> -> memref<125x24xf32, #tpu.memory_space<vmem_shared>>
      %dma_start3A_139 = arith.constant 0 : i32
      %dma_start3A_140 = arith.constant 0 : i32
      %dma_start3A_141 = tpu.memref_slice %arg8[%run_scoped3A_15, %dma_start3A_139, %dma_start3A_140] : memref<4x125x24xf32, #tpu.memory_space<vmem>> -> memref<1x125x24xf32, #tpu.memory_space<vmem>>
      %dma_start3A_142 = tpu.memref_squeeze %dma_start3A_141 : memref<1x125x24xf32, #tpu.memory_space<vmem>> -> memref<125x24xf32, #tpu.memory_space<vmem>>
      tpu.enqueue_dma source(%dma_start3A_142 : memref<125x24xf32, #tpu.memory_space<vmem>>) target(%dma_start3A_138 : memref<125x24xf32, #tpu.memory_space<vmem_shared>>) target_semaphore(%run_scoped3A_130 : memref<!tpu.dma_semaphore, #tpu.memory_space<semaphore_mem>>)
      %dma_wait3A_143 = arith.constant 0 : i32
      %dma_wait3A_144 = arith.constant 0 : i32
      %dma_wait3A_145 = tpu.memref_slice %arg8[%run_scoped3A_15, %dma_wait3A_143, %dma_wait3A_144] : memref<4x125x24xf32, #tpu.memory_space<vmem>> -> memref<1x125x24xf32, #tpu.memory_space<vmem>>
      %dma_wait3A_146 = tpu.memref_squeeze %dma_wait3A_145 : memref<1x125x24xf32, #tpu.memory_space<vmem>> -> memref<125x24xf32, #tpu.memory_space<vmem>>
      %dma_wait3A_147 = arith.constant 0 : i32
      %dma_wait3A_148 = tpu.memref_slice %arg9[%add3A_14, %dma_wait3A_147] : memref<10000x24xf32, #tpu.memory_space<vmem_shared>> -> memref<125x24xf32, #tpu.memory_space<vmem_shared>>
      %dma_wait3A_149 = arith.constant 0 : i32
      %dma_wait3A_150 = tpu.memref_slice %arg9[%add3A_14, %dma_wait3A_149] : memref<10000x24xf32, #tpu.memory_space<vmem_shared>> -> memref<125x24xf32, #tpu.memory_space<vmem_shared>>
      %dma_wait3A_151 = arith.constant 0 : i32
      %dma_wait3A_152 = arith.constant 0 : i32
      %dma_wait3A_153 = tpu.memref_slice %arg8[%run_scoped3A_15, %dma_wait3A_151, %dma_wait3A_152] : memref<4x125x24xf32, #tpu.memory_space<vmem>> -> memref<1x125x24xf32, #tpu.memory_space<vmem>>
      %dma_wait3A_154 = tpu.memref_squeeze %dma_wait3A_153 : memref<1x125x24xf32, #tpu.memory_space<vmem>> -> memref<125x24xf32, #tpu.memory_space<vmem>>
      tpu.wait_dma2 semaphore(%run_scoped3A_130 : memref<!tpu.dma_semaphore, #tpu.memory_space<semaphore_mem>>) src(%dma_wait3A_154 : memref<125x24xf32, #tpu.memory_space<vmem>>) dst(%dma_wait3A_150 : memref<125x24xf32, #tpu.memory_space<vmem_shared>>)
      tpu.yield
    }) : () -> ()
    %add3A_16 = arith.constant 500 : i32
    %add3A_17 = arith.addi %mul3A_0, %add3A_16 : i32
    %run_scoped3A_18 = arith.constant 0 : i32
    "tpu.region"() ({
      %run_scoped3A_130 = tpu.sem_alloc : memref<!tpu.dma_semaphore, #tpu.memory_space<semaphore_mem>>
      %dma_start3A_131 = arith.constant 0 : i32
      %dma_start3A_132 = arith.constant 0 : i32
      %dma_start3A_133 = tpu.memref_slice %arg8[%run_scoped3A_18, %dma_start3A_131, %dma_start3A_132] : memref<4x125x24xf32, #tpu.memory_space<vmem>> -> memref<1x125x24xf32, #tpu.memory_space<vmem>>
      %dma_start3A_134 = tpu.memref_squeeze %dma_start3A_133 : memref<1x125x24xf32, #tpu.memory_space<vmem>> -> memref<125x24xf32, #tpu.memory_space<vmem>>
      %dma_start3A_135 = arith.constant 0 : i32
      %dma_start3A_136 = tpu.memref_slice %arg9[%add3A_17, %dma_start3A_135] : memref<10000x24xf32, #tpu.memory_space<vmem_shared>> -> memref<125x24xf32, #tpu.memory_space<vmem_shared>>
      %dma_start3A_137 = arith.constant 0 : i32
      %dma_start3A_138 = tpu.memref_slice %arg9[%add3A_17, %dma_start3A_137] : memref<10000x24xf32, #tpu.memory_space<vmem_shared>> -> memref<125x24xf32, #tpu.memory_space<vmem_shared>>
      %dma_start3A_139 = arith.constant 0 : i32
      %dma_start3A_140 = arith.constant 0 : i32
      %dma_start3A_141 = tpu.memref_slice %arg8[%run_scoped3A_18, %dma_start3A_139, %dma_start3A_140] : memref<4x125x24xf32, #tpu.memory_space<vmem>> -> memref<1x125x24xf32, #tpu.memory_space<vmem>>
      %dma_start3A_142 = tpu.memref_squeeze %dma_start3A_141 : memref<1x125x24xf32, #tpu.memory_space<vmem>> -> memref<125x24xf32, #tpu.memory_space<vmem>>
      tpu.enqueue_dma source(%dma_start3A_142 : memref<125x24xf32, #tpu.memory_space<vmem>>) target(%dma_start3A_138 : memref<125x24xf32, #tpu.memory_space<vmem_shared>>) target_semaphore(%run_scoped3A_130 : memref<!tpu.dma_semaphore, #tpu.memory_space<semaphore_mem>>)
      %dma_wait3A_143 = arith.constant 0 : i32
      %dma_wait3A_144 = arith.constant 0 : i32
      %dma_wait3A_145 = tpu.memref_slice %arg8[%run_scoped3A_18, %dma_wait3A_143, %dma_wait3A_144] : memref<4x125x24xf32, #tpu.memory_space<vmem>> -> memref<1x125x24xf32, #tpu.memory_space<vmem>>
      %dma_wait3A_146 = tpu.memref_squeeze %dma_wait3A_145 : memref<1x125x24xf32, #tpu.memory_space<vmem>> -> memref<125x24xf32, #tpu.memory_space<vmem>>
      %dma_wait3A_147 = arith.constant 0 : i32
      %dma_wait3A_148 = tpu.memref_slice %arg9[%add3A_17, %dma_wait3A_147] : memref<10000x24xf32, #tpu.memory_space<vmem_shared>> -> memref<125x24xf32, #tpu.memory_space<vmem_shared>>
      %dma_wait3A_149 = arith.constant 0 : i32
      %dma_wait3A_150 = tpu.memref_slice %arg9[%add3A_17, %dma_wait3A_149] : memref<10000x24xf32, #tpu.memory_space<vmem_shared>> -> memref<125x24xf32, #tpu.memory_space<vmem_shared>>
      %dma_wait3A_151 = arith.constant 0 : i32
      %dma_wait3A_152 = arith.constant 0 : i32
      %dma_wait3A_153 = tpu.memref_slice %arg8[%run_scoped3A_18, %dma_wait3A_151, %dma_wait3A_152] : memref<4x125x24xf32, #tpu.memory_space<vmem>> -> memref<1x125x24xf32, #tpu.memory_space<vmem>>
      %dma_wait3A_154 = tpu.memref_squeeze %dma_wait3A_153 : memref<1x125x24xf32, #tpu.memory_space<vmem>> -> memref<125x24xf32, #tpu.memory_space<vmem>>
      tpu.wait_dma2 semaphore(%run_scoped3A_130 : memref<!tpu.dma_semaphore, #tpu.memory_space<semaphore_mem>>) src(%dma_wait3A_154 : memref<125x24xf32, #tpu.memory_space<vmem>>) dst(%dma_wait3A_150 : memref<125x24xf32, #tpu.memory_space<vmem_shared>>)
      tpu.yield
    }) : () -> ()
    "tpu.region"() ({
      %run_scoped3A_130 = tpu.sem_alloc : memref<!tpu.dma_semaphore, #tpu.memory_space<semaphore_mem>>
      %dma_start3A_131 = arith.constant 0 : i32
      %dma_start3A_132 = arith.constant 0 : i32
      %dma_start3A_133 = tpu.memref_slice %arg3[%arg0, %arg1, %dma_start3A_131, %dma_start3A_132] : memref<2x16x160x125xi32, #tpu.memory_space<hbm>> -> memref<1x1x160x125xi32, #tpu.memory_space<hbm>>
      %dma_start3A_134 = tpu.memref_squeeze %dma_start3A_133 : memref<1x1x160x125xi32, #tpu.memory_space<hbm>> -> memref<160x125xi32, #tpu.memory_space<hbm>>
      %dma_start3A_135 = arith.constant 0 : i32
      %dma_start3A_136 = arith.constant 0 : i32
      %dma_start3A_137 = tpu.memref_slice %arg3[%arg0, %arg1, %dma_start3A_135, %dma_start3A_136] : memref<2x16x160x125xi32, #tpu.memory_space<hbm>> -> memref<1x1x160x125xi32, #tpu.memory_space<hbm>>
      %dma_start3A_138 = tpu.memref_squeeze %dma_start3A_137 : memref<1x1x160x125xi32, #tpu.memory_space<hbm>> -> memref<160x125xi32, #tpu.memory_space<hbm>>
      tpu.enqueue_dma source(%dma_start3A_138 : memref<160x125xi32, #tpu.memory_space<hbm>>) target(%arg6 : memref<160x125xi32, #tpu.memory_space<vmem>>) target_semaphore(%run_scoped3A_130 : memref<!tpu.dma_semaphore, #tpu.memory_space<semaphore_mem>>)
      %dma_wait3A_139 = arith.constant 0 : i32
      %dma_wait3A_140 = arith.constant 0 : i32
      %dma_wait3A_141 = tpu.memref_slice %arg3[%arg0, %arg1, %dma_wait3A_139, %dma_wait3A_140] : memref<2x16x160x125xi32, #tpu.memory_space<hbm>> -> memref<1x1x160x125xi32, #tpu.memory_space<hbm>>
      %dma_wait3A_142 = tpu.memref_squeeze %dma_wait3A_141 : memref<1x1x160x125xi32, #tpu.memory_space<hbm>> -> memref<160x125xi32, #tpu.memory_space<hbm>>
      %dma_wait3A_143 = arith.constant 0 : i32
      %dma_wait3A_144 = arith.constant 0 : i32
      %dma_wait3A_145 = tpu.memref_slice %arg3[%arg0, %arg1, %dma_wait3A_143, %dma_wait3A_144] : memref<2x16x160x125xi32, #tpu.memory_space<hbm>> -> memref<1x1x160x125xi32, #tpu.memory_space<hbm>>
      %dma_wait3A_146 = tpu.memref_squeeze %dma_wait3A_145 : memref<1x1x160x125xi32, #tpu.memory_space<hbm>> -> memref<160x125xi32, #tpu.memory_space<hbm>>
      tpu.wait_dma2 semaphore(%run_scoped3A_130 : memref<!tpu.dma_semaphore, #tpu.memory_space<semaphore_mem>>) src(%dma_wait3A_146 : memref<160x125xi32, #tpu.memory_space<hbm>>) dst(%arg6 : memref<160x125xi32, #tpu.memory_space<vmem>>)
      tpu.yield
    }) : () -> ()
    "tpu.region"() ({
      %run_scoped3A_130 = tpu.sem_alloc : memref<!tpu.dma_semaphore, #tpu.memory_space<semaphore_mem>>
      %dma_start3A_131 = arith.constant 0 : i32
      %dma_start3A_132 = arith.constant 0 : i32
      %dma_start3A_133 = tpu.memref_slice %arg4[%arg1, %dma_start3A_131, %dma_start3A_132] : memref<16x160x125xi32, #tpu.memory_space<hbm>> -> memref<1x160x125xi32, #tpu.memory_space<hbm>>
      %dma_start3A_134 = tpu.memref_squeeze %dma_start3A_133 : memref<1x160x125xi32, #tpu.memory_space<hbm>> -> memref<160x125xi32, #tpu.memory_space<hbm>>
      %dma_start3A_135 = arith.constant 0 : i32
      %dma_start3A_136 = arith.constant 0 : i32
      %dma_start3A_137 = tpu.memref_slice %arg4[%arg1, %dma_start3A_135, %dma_start3A_136] : memref<16x160x125xi32, #tpu.memory_space<hbm>> -> memref<1x160x125xi32, #tpu.memory_space<hbm>>
      %dma_start3A_138 = tpu.memref_squeeze %dma_start3A_137 : memref<1x160x125xi32, #tpu.memory_space<hbm>> -> memref<160x125xi32, #tpu.memory_space<hbm>>
      tpu.enqueue_dma source(%dma_start3A_138 : memref<160x125xi32, #tpu.memory_space<hbm>>) target(%arg7 : memref<160x125xi32, #tpu.memory_space<vmem>>) target_semaphore(%run_scoped3A_130 : memref<!tpu.dma_semaphore, #tpu.memory_space<semaphore_mem>>)
      %dma_wait3A_139 = arith.constant 0 : i32
      %dma_wait3A_140 = arith.constant 0 : i32
      %dma_wait3A_141 = tpu.memref_slice %arg4[%arg1, %dma_wait3A_139, %dma_wait3A_140] : memref<16x160x125xi32, #tpu.memory_space<hbm>> -> memref<1x160x125xi32, #tpu.memory_space<hbm>>
      %dma_wait3A_142 = tpu.memref_squeeze %dma_wait3A_141 : memref<1x160x125xi32, #tpu.memory_space<hbm>> -> memref<160x125xi32, #tpu.memory_space<hbm>>
      %dma_wait3A_143 = arith.constant 0 : i32
      %dma_wait3A_144 = arith.constant 0 : i32
      %dma_wait3A_145 = tpu.memref_slice %arg4[%arg1, %dma_wait3A_143, %dma_wait3A_144] : memref<16x160x125xi32, #tpu.memory_space<hbm>> -> memref<1x160x125xi32, #tpu.memory_space<hbm>>
      %dma_wait3A_146 = tpu.memref_squeeze %dma_wait3A_145 : memref<1x160x125xi32, #tpu.memory_space<hbm>> -> memref<160x125xi32, #tpu.memory_space<hbm>>
      tpu.wait_dma2 semaphore(%run_scoped3A_130 : memref<!tpu.dma_semaphore, #tpu.memory_space<semaphore_mem>>) src(%dma_wait3A_146 : memref<160x125xi32, #tpu.memory_space<hbm>>) dst(%arg7 : memref<160x125xi32, #tpu.memory_space<vmem>>)
      tpu.yield
    }) : () -> ()
    %barrier3A = arith.constant 0 : index
    tpu.barrier barrier_id(%barrier3A)
    %dma_start3A = arith.constant 0 : i32
    %dma_start3A_19 = arith.constant 0 : i32
    %dma_start3A_20 = arith.constant 0 : i32
    %dma_start3A_21 = arith.constant 0 : i32
    %dma_start3A_22 = tpu.memref_slice %arg8[%dma_start3A_19, %dma_start3A_20, %dma_start3A_21] : memref<4x125x24xf32, #tpu.memory_space<vmem>> -> memref<1x125x24xf32, #tpu.memory_space<vmem>>
    %dma_start3A_23 = tpu.memref_squeeze %dma_start3A_22 : memref<1x125x24xf32, #tpu.memory_space<vmem>> -> memref<125x24xf32, #tpu.memory_space<vmem>>
    %dma_start3A_24 = arith.constant 0 : i32
    %dma_start3A_25 = tpu.memref_slice %arg6[%dma_start3A, %dma_start3A_24] : memref<160x125xi32, #tpu.memory_space<vmem>> -> memref<1x125xi32, #tpu.memory_space<vmem>>
    %dma_start3A_26 = tpu.memref_squeeze %dma_start3A_25 : memref<1x125xi32, #tpu.memory_space<vmem>> -> memref<125xi32, #tpu.memory_space<vmem>>
    %dma_start3A_27 = arith.constant 0 : i32
    %dma_start3A_28 = arith.constant 0 : i32
    %dma_start3A_29 = tpu.memref_slice %arg2[%dma_start3A_27, %dma_start3A_28] : memref<20000x24xf32, #tpu.memory_space<hbm>> -> memref<20000x24xf32, #tpu.memory_space<hbm>>
    tpu.enqueue_indirect_dma source(%dma_start3A_29 : memref<20000x24xf32, #tpu.memory_space<hbm>>) target(%dma_start3A_23 : memref<125x24xf32, #tpu.memory_space<vmem>>) offsets(%dma_start3A_26 : memref<125xi32, #tpu.memory_space<vmem>>) semaphore(%arg10 : memref<!tpu.dma_semaphore, #tpu.memory_space<semaphore_mem>>)
    %dma_start3A_30 = arith.constant 1 : i32
    %dma_start3A_31 = arith.constant 1 : i32
    %dma_start3A_32 = arith.constant 0 : i32
    %dma_start3A_33 = arith.constant 0 : i32
    %dma_start3A_34 = tpu.memref_slice %arg8[%dma_start3A_31, %dma_start3A_32, %dma_start3A_33] : memref<4x125x24xf32, #tpu.memory_space<vmem>> -> memref<1x125x24xf32, #tpu.memory_space<vmem>>
    %dma_start3A_35 = tpu.memref_squeeze %dma_start3A_34 : memref<1x125x24xf32, #tpu.memory_space<vmem>> -> memref<125x24xf32, #tpu.memory_space<vmem>>
    %dma_start3A_36 = arith.constant 0 : i32
    %dma_start3A_37 = tpu.memref_slice %arg6[%dma_start3A_30, %dma_start3A_36] : memref<160x125xi32, #tpu.memory_space<vmem>> -> memref<1x125xi32, #tpu.memory_space<vmem>>
    %dma_start3A_38 = tpu.memref_squeeze %dma_start3A_37 : memref<1x125xi32, #tpu.memory_space<vmem>> -> memref<125xi32, #tpu.memory_space<vmem>>
    %dma_start3A_39 = arith.constant 0 : i32
    %dma_start3A_40 = arith.constant 0 : i32
    %dma_start3A_41 = tpu.memref_slice %arg2[%dma_start3A_39, %dma_start3A_40] : memref<20000x24xf32, #tpu.memory_space<hbm>> -> memref<20000x24xf32, #tpu.memory_space<hbm>>
    tpu.enqueue_indirect_dma source(%dma_start3A_41 : memref<20000x24xf32, #tpu.memory_space<hbm>>) target(%dma_start3A_35 : memref<125x24xf32, #tpu.memory_space<vmem>>) offsets(%dma_start3A_38 : memref<125xi32, #tpu.memory_space<vmem>>) semaphore(%arg11 : memref<!tpu.dma_semaphore, #tpu.memory_space<semaphore_mem>>)
    %dma_start3A_42 = arith.constant 2 : i32
    %dma_start3A_43 = arith.constant 2 : i32
    %dma_start3A_44 = arith.constant 0 : i32
    %dma_start3A_45 = arith.constant 0 : i32
    %dma_start3A_46 = tpu.memref_slice %arg8[%dma_start3A_43, %dma_start3A_44, %dma_start3A_45] : memref<4x125x24xf32, #tpu.memory_space<vmem>> -> memref<1x125x24xf32, #tpu.memory_space<vmem>>
    %dma_start3A_47 = tpu.memref_squeeze %dma_start3A_46 : memref<1x125x24xf32, #tpu.memory_space<vmem>> -> memref<125x24xf32, #tpu.memory_space<vmem>>
    %dma_start3A_48 = arith.constant 0 : i32
    %dma_start3A_49 = tpu.memref_slice %arg6[%dma_start3A_42, %dma_start3A_48] : memref<160x125xi32, #tpu.memory_space<vmem>> -> memref<1x125xi32, #tpu.memory_space<vmem>>
    %dma_start3A_50 = tpu.memref_squeeze %dma_start3A_49 : memref<1x125xi32, #tpu.memory_space<vmem>> -> memref<125xi32, #tpu.memory_space<vmem>>
    %dma_start3A_51 = arith.constant 0 : i32
    %dma_start3A_52 = arith.constant 0 : i32
    %dma_start3A_53 = tpu.memref_slice %arg2[%dma_start3A_51, %dma_start3A_52] : memref<20000x24xf32, #tpu.memory_space<hbm>> -> memref<20000x24xf32, #tpu.memory_space<hbm>>
    tpu.enqueue_indirect_dma source(%dma_start3A_53 : memref<20000x24xf32, #tpu.memory_space<hbm>>) target(%dma_start3A_47 : memref<125x24xf32, #tpu.memory_space<vmem>>) offsets(%dma_start3A_50 : memref<125xi32, #tpu.memory_space<vmem>>) semaphore(%arg12 : memref<!tpu.dma_semaphore, #tpu.memory_space<semaphore_mem>>)
    %scan3A_54 = arith.constant 0 : i32
    %scan3A_55 = arith.constant 0 : i32
    %scan3A_56 = arith.constant 39 : i32
    %scan3A_57 = arith.addi %scan3A_55, %scan3A_56 : i32
    %scan3A_58 = arith.constant 1 : i32
    scf.for %scan3A_130 = %scan3A_55 to %scan3A_57 step %scan3A_58  : i32 {
      %mul3A_131 = arith.constant 4 : i32
      %mul3A_132 = arith.muli %mul3A_131, %scan3A_130 : i32
      %add3A_133 = arith.constant 0 : i32
      %add3A_134 = arith.addi %mul3A_132, %add3A_133 : i32
      %add3A_135 = arith.constant 3 : i32
      %add3A_136 = arith.addi %add3A_134, %add3A_135 : i32
      %dma_start3A_137 = arith.constant 3 : i32
      %dma_start3A_138 = arith.constant 0 : i32
      %dma_start3A_139 = arith.constant 0 : i32
      %dma_start3A_140 = tpu.memref_slice %arg8[%dma_start3A_137, %dma_start3A_138, %dma_start3A_139] : memref<4x125x24xf32, #tpu.memory_space<vmem>> -> memref<1x125x24xf32, #tpu.memory_space<vmem>>
      %dma_start3A_141 = tpu.memref_squeeze %dma_start3A_140 : memref<1x125x24xf32, #tpu.memory_space<vmem>> -> memref<125x24xf32, #tpu.memory_space<vmem>>
      %dma_start3A_142 = arith.constant 0 : i32
      %dma_start3A_143 = tpu.memref_slice %arg6[%add3A_136, %dma_start3A_142] : memref<160x125xi32, #tpu.memory_space<vmem>> -> memref<1x125xi32, #tpu.memory_space<vmem>>
      %dma_start3A_144 = tpu.memref_squeeze %dma_start3A_143 : memref<1x125xi32, #tpu.memory_space<vmem>> -> memref<125xi32, #tpu.memory_space<vmem>>
      %dma_start3A_145 = arith.constant 0 : i32
      %dma_start3A_146 = arith.constant 0 : i32
      %dma_start3A_147 = tpu.memref_slice %arg2[%dma_start3A_145, %dma_start3A_146] : memref<20000x24xf32, #tpu.memory_space<hbm>> -> memref<20000x24xf32, #tpu.memory_space<hbm>>
      tpu.enqueue_indirect_dma source(%dma_start3A_147 : memref<20000x24xf32, #tpu.memory_space<hbm>>) target(%dma_start3A_141 : memref<125x24xf32, #tpu.memory_space<vmem>>) offsets(%dma_start3A_144 : memref<125xi32, #tpu.memory_space<vmem>>) semaphore(%arg13 : memref<!tpu.dma_semaphore, #tpu.memory_space<semaphore_mem>>)
      %dma_wait3A_148 = arith.constant 0 : i32
      %dma_wait3A_149 = arith.constant 0 : i32
      %dma_wait3A_150 = arith.constant 0 : i32
      %dma_wait3A_151 = tpu.memref_slice %arg8[%dma_wait3A_148, %dma_wait3A_149, %dma_wait3A_150] : memref<4x125x24xf32, #tpu.memory_space<vmem>> -> memref<1x125x24xf32, #tpu.memory_space<vmem>>
      %dma_wait3A_152 = tpu.memref_squeeze %dma_wait3A_151 : memref<1x125x24xf32, #tpu.memory_space<vmem>> -> memref<125x24xf32, #tpu.memory_space<vmem>>
      %dma_wait3A_153 = arith.constant 0 : i32
      %dma_wait3A_154 = tpu.memref_slice %arg6[%add3A_134, %dma_wait3A_153] : memref<160x125xi32, #tpu.memory_space<vmem>> -> memref<1x125xi32, #tpu.memory_space<vmem>>
      %dma_wait3A_155 = tpu.memref_squeeze %dma_wait3A_154 : memref<1x125xi32, #tpu.memory_space<vmem>> -> memref<125xi32, #tpu.memory_space<vmem>>
      %dma_wait3A_156 = arith.constant 0 : i32
      %dma_wait3A_157 = arith.constant 0 : i32
      %dma_wait3A_158 = tpu.memref_slice %arg2[%dma_wait3A_156, %dma_wait3A_157] : memref<20000x24xf32, #tpu.memory_space<hbm>> -> memref<20000x24xf32, #tpu.memory_space<hbm>>
      tpu.wait_indirect_dma semaphore(%arg10 : memref<!tpu.dma_semaphore, #tpu.memory_space<semaphore_mem>>) src(%dma_wait3A_158 : memref<20000x24xf32, #tpu.memory_space<hbm>>) dst(%dma_wait3A_152 : memref<125x24xf32, #tpu.memory_space<vmem>>)
      %run_scoped3A_159 = arith.constant 0 : i32
      "tpu.region"() ({
        %run_scoped3A_247 = tpu.sem_alloc : memref<!tpu.dma_semaphore, #tpu.memory_space<semaphore_mem>>
        %dma_start3A_248 = arith.constant 0 : i32
        %dma_start3A_249 = arith.constant 0 : i32
        %dma_start3A_250 = tpu.memref_slice %arg8[%run_scoped3A_159, %dma_start3A_248, %dma_start3A_249] : memref<4x125x24xf32, #tpu.memory_space<vmem>> -> memref<1x125x24xf32, #tpu.memory_space<vmem>>
        %dma_start3A_251 = tpu.memref_squeeze %dma_start3A_250 : memref<1x125x24xf32, #tpu.memory_space<vmem>> -> memref<125x24xf32, #tpu.memory_space<vmem>>
        %dma_start3A_252 = arith.constant 0 : i32
        %dma_start3A_253 = tpu.memref_slice %arg7[%add3A_134, %dma_start3A_252] : memref<160x125xi32, #tpu.memory_space<vmem>> -> memref<1x125xi32, #tpu.memory_space<vmem>>
        %dma_start3A_254 = tpu.memref_squeeze %dma_start3A_253 : memref<1x125xi32, #tpu.memory_space<vmem>> -> memref<125xi32, #tpu.memory_space<vmem>>
        %dma_start3A_255 = arith.constant 0 : i32
        %dma_start3A_256 = arith.constant 0 : i32
        %dma_start3A_257 = tpu.memref_slice %arg9[%dma_start3A_255, %dma_start3A_256] : memref<10000x24xf32, #tpu.memory_space<vmem_shared>> -> memref<10000x24xf32, #tpu.memory_space<vmem_shared>>
        tpu.enqueue_indirect_dma source(%dma_start3A_251 : memref<125x24xf32, #tpu.memory_space<vmem>>) target(%dma_start3A_257 : memref<10000x24xf32, #tpu.memory_space<vmem_shared>>) offsets(%dma_start3A_254 : memref<125xi32, #tpu.memory_space<vmem>>) semaphore(%run_scoped3A_247 : memref<!tpu.dma_semaphore, #tpu.memory_space<semaphore_mem>>) {add = true}
        %dma_wait3A_258 = arith.constant 0 : i32
        %dma_wait3A_259 = arith.constant 0 : i32
        %dma_wait3A_260 = tpu.memref_slice %arg8[%run_scoped3A_159, %dma_wait3A_258, %dma_wait3A_259] : memref<4x125x24xf32, #tpu.memory_space<vmem>> -> memref<1x125x24xf32, #tpu.memory_space<vmem>>
        %dma_wait3A_261 = tpu.memref_squeeze %dma_wait3A_260 : memref<1x125x24xf32, #tpu.memory_space<vmem>> -> memref<125x24xf32, #tpu.memory_space<vmem>>
        %dma_wait3A_262 = arith.constant 0 : i32
        %dma_wait3A_263 = tpu.memref_slice %arg7[%add3A_134, %dma_wait3A_262] : memref<160x125xi32, #tpu.memory_space<vmem>> -> memref<1x125xi32, #tpu.memory_space<vmem>>
        %dma_wait3A_264 = tpu.memref_squeeze %dma_wait3A_263 : memref<1x125xi32, #tpu.memory_space<vmem>> -> memref<125xi32, #tpu.memory_space<vmem>>
        %dma_wait3A_265 = arith.constant 0 : i32
        %dma_wait3A_266 = arith.constant 0 : i32
        %dma_wait3A_267 = tpu.memref_slice %arg9[%dma_wait3A_265, %dma_wait3A_266] : memref<10000x24xf32, #tpu.memory_space<vmem_shared>> -> memref<10000x24xf32, #tpu.memory_space<vmem_shared>>
        tpu.wait_indirect_dma semaphore(%run_scoped3A_247 : memref<!tpu.dma_semaphore, #tpu.memory_space<semaphore_mem>>) src(%dma_wait3A_261 : memref<125x24xf32, #tpu.memory_space<vmem>>) dst(%dma_wait3A_267 : memref<10000x24xf32, #tpu.memory_space<vmem_shared>>)
        tpu.yield
      }) : () -> ()
      %mul3A_160 = arith.constant 4 : i32
      %mul3A_161 = arith.muli %mul3A_160, %scan3A_130 : i32
      %add3A_162 = arith.constant 1 : i32
      %add3A_163 = arith.addi %mul3A_161, %add3A_162 : i32
      %add3A_164 = arith.constant 3 : i32
      %add3A_165 = arith.addi %add3A_163, %add3A_164 : i32
      %dma_start3A_166 = arith.constant 0 : i32
      %dma_start3A_167 = arith.constant 0 : i32
      %dma_start3A_168 = arith.constant 0 : i32
      %dma_start3A_169 = tpu.memref_slice %arg8[%dma_start3A_166, %dma_start3A_167, %dma_start3A_168] : memref<4x125x24xf32, #tpu.memory_space<vmem>> -> memref<1x125x24xf32, #tpu.memory_space<vmem>>
      %dma_start3A_170 = tpu.memref_squeeze %dma_start3A_169 : memref<1x125x24xf32, #tpu.memory_space<vmem>> -> memref<125x24xf32, #tpu.memory_space<vmem>>
      %dma_start3A_171 = arith.constant 0 : i32
      %dma_start3A_172 = tpu.memref_slice %arg6[%add3A_165, %dma_start3A_171] : memref<160x125xi32, #tpu.memory_space<vmem>> -> memref<1x125xi32, #tpu.memory_space<vmem>>
      %dma_start3A_173 = tpu.memref_squeeze %dma_start3A_172 : memref<1x125xi32, #tpu.memory_space<vmem>> -> memref<125xi32, #tpu.memory_space<vmem>>
      %dma_start3A_174 = arith.constant 0 : i32
      %dma_start3A_175 = arith.constant 0 : i32
      %dma_start3A_176 = tpu.memref_slice %arg2[%dma_start3A_174, %dma_start3A_175] : memref<20000x24xf32, #tpu.memory_space<hbm>> -> memref<20000x24xf32, #tpu.memory_space<hbm>>
      tpu.enqueue_indirect_dma source(%dma_start3A_176 : memref<20000x24xf32, #tpu.memory_space<hbm>>) target(%dma_start3A_170 : memref<125x24xf32, #tpu.memory_space<vmem>>) offsets(%dma_start3A_173 : memref<125xi32, #tpu.memory_space<vmem>>) semaphore(%arg10 : memref<!tpu.dma_semaphore, #tpu.memory_space<semaphore_mem>>)
      %dma_wait3A_177 = arith.constant 1 : i32
      %dma_wait3A_178 = arith.constant 0 : i32
      %dma_wait3A_179 = arith.constant 0 : i32
      %dma_wait3A_180 = tpu.memref_slice %arg8[%dma_wait3A_177, %dma_wait3A_178, %dma_wait3A_179] : memref<4x125x24xf32, #tpu.memory_space<vmem>> -> memref<1x125x24xf32, #tpu.memory_space<vmem>>
      %dma_wait3A_181 = tpu.memref_squeeze %dma_wait3A_180 : memref<1x125x24xf32, #tpu.memory_space<vmem>> -> memref<125x24xf32, #tpu.memory_space<vmem>>
      %dma_wait3A_182 = arith.constant 0 : i32
      %dma_wait3A_183 = tpu.memref_slice %arg6[%add3A_163, %dma_wait3A_182] : memref<160x125xi32, #tpu.memory_space<vmem>> -> memref<1x125xi32, #tpu.memory_space<vmem>>
      %dma_wait3A_184 = tpu.memref_squeeze %dma_wait3A_183 : memref<1x125xi32, #tpu.memory_space<vmem>> -> memref<125xi32, #tpu.memory_space<vmem>>
      %dma_wait3A_185 = arith.constant 0 : i32
      %dma_wait3A_186 = arith.constant 0 : i32
      %dma_wait3A_187 = tpu.memref_slice %arg2[%dma_wait3A_185, %dma_wait3A_186] : memref<20000x24xf32, #tpu.memory_space<hbm>> -> memref<20000x24xf32, #tpu.memory_space<hbm>>
      tpu.wait_indirect_dma semaphore(%arg11 : memref<!tpu.dma_semaphore, #tpu.memory_space<semaphore_mem>>) src(%dma_wait3A_187 : memref<20000x24xf32, #tpu.memory_space<hbm>>) dst(%dma_wait3A_181 : memref<125x24xf32, #tpu.memory_space<vmem>>)
      %run_scoped3A_188 = arith.constant 1 : i32
      "tpu.region"() ({
        %run_scoped3A_247 = tpu.sem_alloc : memref<!tpu.dma_semaphore, #tpu.memory_space<semaphore_mem>>
        %dma_start3A_248 = arith.constant 0 : i32
        %dma_start3A_249 = arith.constant 0 : i32
        %dma_start3A_250 = tpu.memref_slice %arg8[%run_scoped3A_188, %dma_start3A_248, %dma_start3A_249] : memref<4x125x24xf32, #tpu.memory_space<vmem>> -> memref<1x125x24xf32, #tpu.memory_space<vmem>>
        %dma_start3A_251 = tpu.memref_squeeze %dma_start3A_250 : memref<1x125x24xf32, #tpu.memory_space<vmem>> -> memref<125x24xf32, #tpu.memory_space<vmem>>
        %dma_start3A_252 = arith.constant 0 : i32
        %dma_start3A_253 = tpu.memref_slice %arg7[%add3A_163, %dma_start3A_252] : memref<160x125xi32, #tpu.memory_space<vmem>> -> memref<1x125xi32, #tpu.memory_space<vmem>>
        %dma_start3A_254 = tpu.memref_squeeze %dma_start3A_253 : memref<1x125xi32, #tpu.memory_space<vmem>> -> memref<125xi32, #tpu.memory_space<vmem>>
        %dma_start3A_255 = arith.constant 0 : i32
        %dma_start3A_256 = arith.constant 0 : i32
        %dma_start3A_257 = tpu.memref_slice %arg9[%dma_start3A_255, %dma_start3A_256] : memref<10000x24xf32, #tpu.memory_space<vmem_shared>> -> memref<10000x24xf32, #tpu.memory_space<vmem_shared>>
        tpu.enqueue_indirect_dma source(%dma_start3A_251 : memref<125x24xf32, #tpu.memory_space<vmem>>) target(%dma_start3A_257 : memref<10000x24xf32, #tpu.memory_space<vmem_shared>>) offsets(%dma_start3A_254 : memref<125xi32, #tpu.memory_space<vmem>>) semaphore(%run_scoped3A_247 : memref<!tpu.dma_semaphore, #tpu.memory_space<semaphore_mem>>) {add = true}
        %dma_wait3A_258 = arith.constant 0 : i32
        %dma_wait3A_259 = arith.constant 0 : i32
        %dma_wait3A_260 = tpu.memref_slice %arg8[%run_scoped3A_188, %dma_wait3A_258, %dma_wait3A_259] : memref<4x125x24xf32, #tpu.memory_space<vmem>> -> memref<1x125x24xf32, #tpu.memory_space<vmem>>
        %dma_wait3A_261 = tpu.memref_squeeze %dma_wait3A_260 : memref<1x125x24xf32, #tpu.memory_space<vmem>> -> memref<125x24xf32, #tpu.memory_space<vmem>>
        %dma_wait3A_262 = arith.constant 0 : i32
        %dma_wait3A_263 = tpu.memref_slice %arg7[%add3A_163, %dma_wait3A_262] : memref<160x125xi32, #tpu.memory_space<vmem>> -> memref<1x125xi32, #tpu.memory_space<vmem>>
        %dma_wait3A_264 = tpu.memref_squeeze %dma_wait3A_263 : memref<1x125xi32, #tpu.memory_space<vmem>> -> memref<125xi32, #tpu.memory_space<vmem>>
        %dma_wait3A_265 = arith.constant 0 : i32
        %dma_wait3A_266 = arith.constant 0 : i32
        %dma_wait3A_267 = tpu.memref_slice %arg9[%dma_wait3A_265, %dma_wait3A_266] : memref<10000x24xf32, #tpu.memory_space<vmem_shared>> -> memref<10000x24xf32, #tpu.memory_space<vmem_shared>>
        tpu.wait_indirect_dma semaphore(%run_scoped3A_247 : memref<!tpu.dma_semaphore, #tpu.memory_space<semaphore_mem>>) src(%dma_wait3A_261 : memref<125x24xf32, #tpu.memory_space<vmem>>) dst(%dma_wait3A_267 : memref<10000x24xf32, #tpu.memory_space<vmem_shared>>)
        tpu.yield
      }) : () -> ()
      %mul3A_189 = arith.constant 4 : i32
      %mul3A_190 = arith.muli %mul3A_189, %scan3A_130 : i32
      %add3A_191 = arith.constant 2 : i32
      %add3A_192 = arith.addi %mul3A_190, %add3A_191 : i32
      %add3A_193 = arith.constant 3 : i32
      %add3A_194 = arith.addi %add3A_192, %add3A_193 : i32
      %dma_start3A_195 = arith.constant 1 : i32
      %dma_start3A_196 = arith.constant 0 : i32
      %dma_start3A_197 = arith.constant 0 : i32
      %dma_start3A_198 = tpu.memref_slice %arg8[%dma_start3A_195, %dma_start3A_196, %dma_start3A_197] : memref<4x125x24xf32, #tpu.memory_space<vmem>> -> memref<1x125x24xf32, #tpu.memory_space<vmem>>
      %dma_start3A_199 = tpu.memref_squeeze %dma_start3A_198 : memref<1x125x24xf32, #tpu.memory_space<vmem>> -> memref<125x24xf32, #tpu.memory_space<vmem>>
      %dma_start3A_200 = arith.constant 0 : i32
      %dma_start3A_201 = tpu.memref_slice %arg6[%add3A_194, %dma_start3A_200] : memref<160x125xi32, #tpu.memory_space<vmem>> -> memref<1x125xi32, #tpu.memory_space<vmem>>
      %dma_start3A_202 = tpu.memref_squeeze %dma_start3A_201 : memref<1x125xi32, #tpu.memory_space<vmem>> -> memref<125xi32, #tpu.memory_space<vmem>>
      %dma_start3A_203 = arith.constant 0 : i32
      %dma_start3A_204 = arith.constant 0 : i32
      %dma_start3A_205 = tpu.memref_slice %arg2[%dma_start3A_203, %dma_start3A_204] : memref<20000x24xf32, #tpu.memory_space<hbm>> -> memref<20000x24xf32, #tpu.memory_space<hbm>>
      tpu.enqueue_indirect_dma source(%dma_start3A_205 : memref<20000x24xf32, #tpu.memory_space<hbm>>) target(%dma_start3A_199 : memref<125x24xf32, #tpu.memory_space<vmem>>) offsets(%dma_start3A_202 : memref<125xi32, #tpu.memory_space<vmem>>) semaphore(%arg11 : memref<!tpu.dma_semaphore, #tpu.memory_space<semaphore_mem>>)
      %dma_wait3A_206 = arith.constant 2 : i32
      %dma_wait3A_207 = arith.constant 0 : i32
      %dma_wait3A_208 = arith.constant 0 : i32
      %dma_wait3A_209 = tpu.memref_slice %arg8[%dma_wait3A_206, %dma_wait3A_207, %dma_wait3A_208] : memref<4x125x24xf32, #tpu.memory_space<vmem>> -> memref<1x125x24xf32, #tpu.memory_space<vmem>>
      %dma_wait3A_210 = tpu.memref_squeeze %dma_wait3A_209 : memref<1x125x24xf32, #tpu.memory_space<vmem>> -> memref<125x24xf32, #tpu.memory_space<vmem>>
      %dma_wait3A_211 = arith.constant 0 : i32
      %dma_wait3A_212 = tpu.memref_slice %arg6[%add3A_192, %dma_wait3A_211] : memref<160x125xi32, #tpu.memory_space<vmem>> -> memref<1x125xi32, #tpu.memory_space<vmem>>
      %dma_wait3A_213 = tpu.memref_squeeze %dma_wait3A_212 : memref<1x125xi32, #tpu.memory_space<vmem>> -> memref<125xi32, #tpu.memory_space<vmem>>
      %dma_wait3A_214 = arith.constant 0 : i32
      %dma_wait3A_215 = arith.constant 0 : i32
      %dma_wait3A_216 = tpu.memref_slice %arg2[%dma_wait3A_214, %dma_wait3A_215] : memref<20000x24xf32, #tpu.memory_space<hbm>> -> memref<20000x24xf32, #tpu.memory_space<hbm>>
      tpu.wait_indirect_dma semaphore(%arg12 : memref<!tpu.dma_semaphore, #tpu.memory_space<semaphore_mem>>) src(%dma_wait3A_216 : memref<20000x24xf32, #tpu.memory_space<hbm>>) dst(%dma_wait3A_210 : memref<125x24xf32, #tpu.memory_space<vmem>>)
      %run_scoped3A_217 = arith.constant 2 : i32
      "tpu.region"() ({
        %run_scoped3A_247 = tpu.sem_alloc : memref<!tpu.dma_semaphore, #tpu.memory_space<semaphore_mem>>
        %dma_start3A_248 = arith.constant 0 : i32
        %dma_start3A_249 = arith.constant 0 : i32
        %dma_start3A_250 = tpu.memref_slice %arg8[%run_scoped3A_217, %dma_start3A_248, %dma_start3A_249] : memref<4x125x24xf32, #tpu.memory_space<vmem>> -> memref<1x125x24xf32, #tpu.memory_space<vmem>>
        %dma_start3A_251 = tpu.memref_squeeze %dma_start3A_250 : memref<1x125x24xf32, #tpu.memory_space<vmem>> -> memref<125x24xf32, #tpu.memory_space<vmem>>
        %dma_start3A_252 = arith.constant 0 : i32
        %dma_start3A_253 = tpu.memref_slice %arg7[%add3A_192, %dma_start3A_252] : memref<160x125xi32, #tpu.memory_space<vmem>> -> memref<1x125xi32, #tpu.memory_space<vmem>>
        %dma_start3A_254 = tpu.memref_squeeze %dma_start3A_253 : memref<1x125xi32, #tpu.memory_space<vmem>> -> memref<125xi32, #tpu.memory_space<vmem>>
        %dma_start3A_255 = arith.constant 0 : i32
        %dma_start3A_256 = arith.constant 0 : i32
        %dma_start3A_257 = tpu.memref_slice %arg9[%dma_start3A_255, %dma_start3A_256] : memref<10000x24xf32, #tpu.memory_space<vmem_shared>> -> memref<10000x24xf32, #tpu.memory_space<vmem_shared>>
        tpu.enqueue_indirect_dma source(%dma_start3A_251 : memref<125x24xf32, #tpu.memory_space<vmem>>) target(%dma_start3A_257 : memref<10000x24xf32, #tpu.memory_space<vmem_shared>>) offsets(%dma_start3A_254 : memref<125xi32, #tpu.memory_space<vmem>>) semaphore(%run_scoped3A_247 : memref<!tpu.dma_semaphore, #tpu.memory_space<semaphore_mem>>) {add = true}
        %dma_wait3A_258 = arith.constant 0 : i32
        %dma_wait3A_259 = arith.constant 0 : i32
        %dma_wait3A_260 = tpu.memref_slice %arg8[%run_scoped3A_217, %dma_wait3A_258, %dma_wait3A_259] : memref<4x125x24xf32, #tpu.memory_space<vmem>> -> memref<1x125x24xf32, #tpu.memory_space<vmem>>
        %dma_wait3A_261 = tpu.memref_squeeze %dma_wait3A_260 : memref<1x125x24xf32, #tpu.memory_space<vmem>> -> memref<125x24xf32, #tpu.memory_space<vmem>>
        %dma_wait3A_262 = arith.constant 0 : i32
        %dma_wait3A_263 = tpu.memref_slice %arg7[%add3A_192, %dma_wait3A_262] : memref<160x125xi32, #tpu.memory_space<vmem>> -> memref<1x125xi32, #tpu.memory_space<vmem>>
        %dma_wait3A_264 = tpu.memref_squeeze %dma_wait3A_263 : memref<1x125xi32, #tpu.memory_space<vmem>> -> memref<125xi32, #tpu.memory_space<vmem>>
        %dma_wait3A_265 = arith.constant 0 : i32
        %dma_wait3A_266 = arith.constant 0 : i32
        %dma_wait3A_267 = tpu.memref_slice %arg9[%dma_wait3A_265, %dma_wait3A_266] : memref<10000x24xf32, #tpu.memory_space<vmem_shared>> -> memref<10000x24xf32, #tpu.memory_space<vmem_shared>>
        tpu.wait_indirect_dma semaphore(%run_scoped3A_247 : memref<!tpu.dma_semaphore, #tpu.memory_space<semaphore_mem>>) src(%dma_wait3A_261 : memref<125x24xf32, #tpu.memory_space<vmem>>) dst(%dma_wait3A_267 : memref<10000x24xf32, #tpu.memory_space<vmem_shared>>)
        tpu.yield
      }) : () -> ()
      %mul3A_218 = arith.constant 4 : i32
      %mul3A_219 = arith.muli %mul3A_218, %scan3A_130 : i32
      %add3A_220 = arith.constant 3 : i32
      %add3A_221 = arith.addi %mul3A_219, %add3A_220 : i32
      %add3A_222 = arith.constant 3 : i32
      %add3A_223 = arith.addi %add3A_221, %add3A_222 : i32
      %dma_start3A_224 = arith.constant 2 : i32
      %dma_start3A_225 = arith.constant 0 : i32
      %dma_start3A_226 = arith.constant 0 : i32
      %dma_start3A_227 = tpu.memref_slice %arg8[%dma_start3A_224, %dma_start3A_225, %dma_start3A_226] : memref<4x125x24xf32, #tpu.memory_space<vmem>> -> memref<1x125x24xf32, #tpu.memory_space<vmem>>
      %dma_start3A_228 = tpu.memref_squeeze %dma_start3A_227 : memref<1x125x24xf32, #tpu.memory_space<vmem>> -> memref<125x24xf32, #tpu.memory_space<vmem>>
      %dma_start3A_229 = arith.constant 0 : i32
      %dma_start3A_230 = tpu.memref_slice %arg6[%add3A_223, %dma_start3A_229] : memref<160x125xi32, #tpu.memory_space<vmem>> -> memref<1x125xi32, #tpu.memory_space<vmem>>
      %dma_start3A_231 = tpu.memref_squeeze %dma_start3A_230 : memref<1x125xi32, #tpu.memory_space<vmem>> -> memref<125xi32, #tpu.memory_space<vmem>>
      %dma_start3A_232 = arith.constant 0 : i32
      %dma_start3A_233 = arith.constant 0 : i32
      %dma_start3A_234 = tpu.memref_slice %arg2[%dma_start3A_232, %dma_start3A_233] : memref<20000x24xf32, #tpu.memory_space<hbm>> -> memref<20000x24xf32, #tpu.memory_space<hbm>>
      tpu.enqueue_indirect_dma source(%dma_start3A_234 : memref<20000x24xf32, #tpu.memory_space<hbm>>) target(%dma_start3A_228 : memref<125x24xf32, #tpu.memory_space<vmem>>) offsets(%dma_start3A_231 : memref<125xi32, #tpu.memory_space<vmem>>) semaphore(%arg12 : memref<!tpu.dma_semaphore, #tpu.memory_space<semaphore_mem>>)
      %dma_wait3A_235 = arith.constant 3 : i32
      %dma_wait3A_236 = arith.constant 0 : i32
      %dma_wait3A_237 = arith.constant 0 : i32
      %dma_wait3A_238 = tpu.memref_slice %arg8[%dma_wait3A_235, %dma_wait3A_236, %dma_wait3A_237] : memref<4x125x24xf32, #tpu.memory_space<vmem>> -> memref<1x125x24xf32, #tpu.memory_space<vmem>>
      %dma_wait3A_239 = tpu.memref_squeeze %dma_wait3A_238 : memref<1x125x24xf32, #tpu.memory_space<vmem>> -> memref<125x24xf32, #tpu.memory_space<vmem>>
      %dma_wait3A_240 = arith.constant 0 : i32
      %dma_wait3A_241 = tpu.memref_slice %arg6[%add3A_221, %dma_wait3A_240] : memref<160x125xi32, #tpu.memory_space<vmem>> -> memref<1x125xi32, #tpu.memory_space<vmem>>
      %dma_wait3A_242 = tpu.memref_squeeze %dma_wait3A_241 : memref<1x125xi32, #tpu.memory_space<vmem>> -> memref<125xi32, #tpu.memory_space<vmem>>
      %dma_wait3A_243 = arith.constant 0 : i32
      %dma_wait3A_244 = arith.constant 0 : i32
      %dma_wait3A_245 = tpu.memref_slice %arg2[%dma_wait3A_243, %dma_wait3A_244] : memref<20000x24xf32, #tpu.memory_space<hbm>> -> memref<20000x24xf32, #tpu.memory_space<hbm>>
      tpu.wait_indirect_dma semaphore(%arg13 : memref<!tpu.dma_semaphore, #tpu.memory_space<semaphore_mem>>) src(%dma_wait3A_245 : memref<20000x24xf32, #tpu.memory_space<hbm>>) dst(%dma_wait3A_239 : memref<125x24xf32, #tpu.memory_space<vmem>>)
      %run_scoped3A_246 = arith.constant 3 : i32
      "tpu.region"() ({
        %run_scoped3A_247 = tpu.sem_alloc : memref<!tpu.dma_semaphore, #tpu.memory_space<semaphore_mem>>
        %dma_start3A_248 = arith.constant 0 : i32
        %dma_start3A_249 = arith.constant 0 : i32
        %dma_start3A_250 = tpu.memref_slice %arg8[%run_scoped3A_246, %dma_start3A_248, %dma_start3A_249] : memref<4x125x24xf32, #tpu.memory_space<vmem>> -> memref<1x125x24xf32, #tpu.memory_space<vmem>>
        %dma_start3A_251 = tpu.memref_squeeze %dma_start3A_250 : memref<1x125x24xf32, #tpu.memory_space<vmem>> -> memref<125x24xf32, #tpu.memory_space<vmem>>
        %dma_start3A_252 = arith.constant 0 : i32
        %dma_start3A_253 = tpu.memref_slice %arg7[%add3A_221, %dma_start3A_252] : memref<160x125xi32, #tpu.memory_space<vmem>> -> memref<1x125xi32, #tpu.memory_space<vmem>>
        %dma_start3A_254 = tpu.memref_squeeze %dma_start3A_253 : memref<1x125xi32, #tpu.memory_space<vmem>> -> memref<125xi32, #tpu.memory_space<vmem>>
        %dma_start3A_255 = arith.constant 0 : i32
        %dma_start3A_256 = arith.constant 0 : i32
        %dma_start3A_257 = tpu.memref_slice %arg9[%dma_start3A_255, %dma_start3A_256] : memref<10000x24xf32, #tpu.memory_space<vmem_shared>> -> memref<10000x24xf32, #tpu.memory_space<vmem_shared>>
        tpu.enqueue_indirect_dma source(%dma_start3A_251 : memref<125x24xf32, #tpu.memory_space<vmem>>) target(%dma_start3A_257 : memref<10000x24xf32, #tpu.memory_space<vmem_shared>>) offsets(%dma_start3A_254 : memref<125xi32, #tpu.memory_space<vmem>>) semaphore(%run_scoped3A_247 : memref<!tpu.dma_semaphore, #tpu.memory_space<semaphore_mem>>) {add = true}
        %dma_wait3A_258 = arith.constant 0 : i32
        %dma_wait3A_259 = arith.constant 0 : i32
        %dma_wait3A_260 = tpu.memref_slice %arg8[%run_scoped3A_246, %dma_wait3A_258, %dma_wait3A_259] : memref<4x125x24xf32, #tpu.memory_space<vmem>> -> memref<1x125x24xf32, #tpu.memory_space<vmem>>
        %dma_wait3A_261 = tpu.memref_squeeze %dma_wait3A_260 : memref<1x125x24xf32, #tpu.memory_space<vmem>> -> memref<125x24xf32, #tpu.memory_space<vmem>>
        %dma_wait3A_262 = arith.constant 0 : i32
        %dma_wait3A_263 = tpu.memref_slice %arg7[%add3A_221, %dma_wait3A_262] : memref<160x125xi32, #tpu.memory_space<vmem>> -> memref<1x125xi32, #tpu.memory_space<vmem>>
        %dma_wait3A_264 = tpu.memref_squeeze %dma_wait3A_263 : memref<1x125xi32, #tpu.memory_space<vmem>> -> memref<125xi32, #tpu.memory_space<vmem>>
        %dma_wait3A_265 = arith.constant 0 : i32
        %dma_wait3A_266 = arith.constant 0 : i32
        %dma_wait3A_267 = tpu.memref_slice %arg9[%dma_wait3A_265, %dma_wait3A_266] : memref<10000x24xf32, #tpu.memory_space<vmem_shared>> -> memref<10000x24xf32, #tpu.memory_space<vmem_shared>>
        tpu.wait_indirect_dma semaphore(%run_scoped3A_247 : memref<!tpu.dma_semaphore, #tpu.memory_space<semaphore_mem>>) src(%dma_wait3A_261 : memref<125x24xf32, #tpu.memory_space<vmem>>) dst(%dma_wait3A_267 : memref<10000x24xf32, #tpu.memory_space<vmem_shared>>)
        tpu.yield
      }) : () -> ()
    }
    %scan3A_59 = arith.constant 39 : i32
    %dma_start3A_60 = arith.constant 159 : i32
    %dma_start3A_61 = arith.constant 3 : i32
    %dma_start3A_62 = arith.constant 0 : i32
    %dma_start3A_63 = arith.constant 0 : i32
    %dma_start3A_64 = tpu.memref_slice %arg8[%dma_start3A_61, %dma_start3A_62, %dma_start3A_63] : memref<4x125x24xf32, #tpu.memory_space<vmem>> -> memref<1x125x24xf32, #tpu.memory_space<vmem>>
    %dma_start3A_65 = tpu.memref_squeeze %dma_start3A_64 : memref<1x125x24xf32, #tpu.memory_space<vmem>> -> memref<125x24xf32, #tpu.memory_space<vmem>>
    %dma_start3A_66 = arith.constant 0 : i32
    %dma_start3A_67 = tpu.memref_slice %arg6[%dma_start3A_60, %dma_start3A_66] : memref<160x125xi32, #tpu.memory_space<vmem>> -> memref<1x125xi32, #tpu.memory_space<vmem>>
    %dma_start3A_68 = tpu.memref_squeeze %dma_start3A_67 : memref<1x125xi32, #tpu.memory_space<vmem>> -> memref<125xi32, #tpu.memory_space<vmem>>
    %dma_start3A_69 = arith.constant 0 : i32
    %dma_start3A_70 = arith.constant 0 : i32
    %dma_start3A_71 = tpu.memref_slice %arg2[%dma_start3A_69, %dma_start3A_70] : memref<20000x24xf32, #tpu.memory_space<hbm>> -> memref<20000x24xf32, #tpu.memory_space<hbm>>
    tpu.enqueue_indirect_dma source(%dma_start3A_71 : memref<20000x24xf32, #tpu.memory_space<hbm>>) target(%dma_start3A_65 : memref<125x24xf32, #tpu.memory_space<vmem>>) offsets(%dma_start3A_68 : memref<125xi32, #tpu.memory_space<vmem>>) semaphore(%arg13 : memref<!tpu.dma_semaphore, #tpu.memory_space<semaphore_mem>>)
    %dma_wait3A = arith.constant 156 : i32
    %dma_wait3A_72 = arith.constant 0 : i32
    %dma_wait3A_73 = arith.constant 0 : i32
    %dma_wait3A_74 = arith.constant 0 : i32
    %dma_wait3A_75 = tpu.memref_slice %arg8[%dma_wait3A_72, %dma_wait3A_73, %dma_wait3A_74] : memref<4x125x24xf32, #tpu.memory_space<vmem>> -> memref<1x125x24xf32, #tpu.memory_space<vmem>>
    %dma_wait3A_76 = tpu.memref_squeeze %dma_wait3A_75 : memref<1x125x24xf32, #tpu.memory_space<vmem>> -> memref<125x24xf32, #tpu.memory_space<vmem>>
    %dma_wait3A_77 = arith.constant 0 : i32
    %dma_wait3A_78 = tpu.memref_slice %arg6[%dma_wait3A, %dma_wait3A_77] : memref<160x125xi32, #tpu.memory_space<vmem>> -> memref<1x125xi32, #tpu.memory_space<vmem>>
    %dma_wait3A_79 = tpu.memref_squeeze %dma_wait3A_78 : memref<1x125xi32, #tpu.memory_space<vmem>> -> memref<125xi32, #tpu.memory_space<vmem>>
    %dma_wait3A_80 = arith.constant 0 : i32
    %dma_wait3A_81 = arith.constant 0 : i32
    %dma_wait3A_82 = tpu.memref_slice %arg2[%dma_wait3A_80, %dma_wait3A_81] : memref<20000x24xf32, #tpu.memory_space<hbm>> -> memref<20000x24xf32, #tpu.memory_space<hbm>>
    tpu.wait_indirect_dma semaphore(%arg10 : memref<!tpu.dma_semaphore, #tpu.memory_space<semaphore_mem>>) src(%dma_wait3A_82 : memref<20000x24xf32, #tpu.memory_space<hbm>>) dst(%dma_wait3A_76 : memref<125x24xf32, #tpu.memory_space<vmem>>)
    %run_scoped3A_83 = arith.constant 0 : i32
    %run_scoped3A_84 = arith.constant 156 : i32
    "tpu.region"() ({
      %run_scoped3A_130 = tpu.sem_alloc : memref<!tpu.dma_semaphore, #tpu.memory_space<semaphore_mem>>
      %dma_start3A_131 = arith.constant 0 : i32
      %dma_start3A_132 = arith.constant 0 : i32
      %dma_start3A_133 = tpu.memref_slice %arg8[%run_scoped3A_83, %dma_start3A_131, %dma_start3A_132] : memref<4x125x24xf32, #tpu.memory_space<vmem>> -> memref<1x125x24xf32, #tpu.memory_space<vmem>>
      %dma_start3A_134 = tpu.memref_squeeze %dma_start3A_133 : memref<1x125x24xf32, #tpu.memory_space<vmem>> -> memref<125x24xf32, #tpu.memory_space<vmem>>
      %dma_start3A_135 = arith.constant 0 : i32
      %dma_start3A_136 = tpu.memref_slice %arg7[%run_scoped3A_84, %dma_start3A_135] : memref<160x125xi32, #tpu.memory_space<vmem>> -> memref<1x125xi32, #tpu.memory_space<vmem>>
      %dma_start3A_137 = tpu.memref_squeeze %dma_start3A_136 : memref<1x125xi32, #tpu.memory_space<vmem>> -> memref<125xi32, #tpu.memory_space<vmem>>
      %dma_start3A_138 = arith.constant 0 : i32
      %dma_start3A_139 = arith.constant 0 : i32
      %dma_start3A_140 = tpu.memref_slice %arg9[%dma_start3A_138, %dma_start3A_139] : memref<10000x24xf32, #tpu.memory_space<vmem_shared>> -> memref<10000x24xf32, #tpu.memory_space<vmem_shared>>
      tpu.enqueue_indirect_dma source(%dma_start3A_134 : memref<125x24xf32, #tpu.memory_space<vmem>>) target(%dma_start3A_140 : memref<10000x24xf32, #tpu.memory_space<vmem_shared>>) offsets(%dma_start3A_137 : memref<125xi32, #tpu.memory_space<vmem>>) semaphore(%run_scoped3A_130 : memref<!tpu.dma_semaphore, #tpu.memory_space<semaphore_mem>>) {add = true}
      %dma_wait3A_141 = arith.constant 0 : i32
      %dma_wait3A_142 = arith.constant 0 : i32
      %dma_wait3A_143 = tpu.memref_slice %arg8[%run_scoped3A_83, %dma_wait3A_141, %dma_wait3A_142] : memref<4x125x24xf32, #tpu.memory_space<vmem>> -> memref<1x125x24xf32, #tpu.memory_space<vmem>>
      %dma_wait3A_144 = tpu.memref_squeeze %dma_wait3A_143 : memref<1x125x24xf32, #tpu.memory_space<vmem>> -> memref<125x24xf32, #tpu.memory_space<vmem>>
      %dma_wait3A_145 = arith.constant 0 : i32
      %dma_wait3A_146 = tpu.memref_slice %arg7[%run_scoped3A_84, %dma_wait3A_145] : memref<160x125xi32, #tpu.memory_space<vmem>> -> memref<1x125xi32, #tpu.memory_space<vmem>>
      %dma_wait3A_147 = tpu.memref_squeeze %dma_wait3A_146 : memref<1x125xi32, #tpu.memory_space<vmem>> -> memref<125xi32, #tpu.memory_space<vmem>>
      %dma_wait3A_148 = arith.constant 0 : i32
      %dma_wait3A_149 = arith.constant 0 : i32
      %dma_wait3A_150 = tpu.memref_slice %arg9[%dma_wait3A_148, %dma_wait3A_149] : memref<10000x24xf32, #tpu.memory_space<vmem_shared>> -> memref<10000x24xf32, #tpu.memory_space<vmem_shared>>
      tpu.wait_indirect_dma semaphore(%run_scoped3A_130 : memref<!tpu.dma_semaphore, #tpu.memory_space<semaphore_mem>>) src(%dma_wait3A_144 : memref<125x24xf32, #tpu.memory_space<vmem>>) dst(%dma_wait3A_150 : memref<10000x24xf32, #tpu.memory_space<vmem_shared>>)
      tpu.yield
    }) : () -> ()
    %dma_wait3A_85 = arith.constant 157 : i32
    %dma_wait3A_86 = arith.constant 1 : i32
    %dma_wait3A_87 = arith.constant 0 : i32
    %dma_wait3A_88 = arith.constant 0 : i32
    %dma_wait3A_89 = tpu.memref_slice %arg8[%dma_wait3A_86, %dma_wait3A_87, %dma_wait3A_88] : memref<4x125x24xf32, #tpu.memory_space<vmem>> -> memref<1x125x24xf32, #tpu.memory_space<vmem>>
    %dma_wait3A_90 = tpu.memref_squeeze %dma_wait3A_89 : memref<1x125x24xf32, #tpu.memory_space<vmem>> -> memref<125x24xf32, #tpu.memory_space<vmem>>
    %dma_wait3A_91 = arith.constant 0 : i32
    %dma_wait3A_92 = tpu.memref_slice %arg6[%dma_wait3A_85, %dma_wait3A_91] : memref<160x125xi32, #tpu.memory_space<vmem>> -> memref<1x125xi32, #tpu.memory_space<vmem>>
    %dma_wait3A_93 = tpu.memref_squeeze %dma_wait3A_92 : memref<1x125xi32, #tpu.memory_space<vmem>> -> memref<125xi32, #tpu.memory_space<vmem>>
    %dma_wait3A_94 = arith.constant 0 : i32
    %dma_wait3A_95 = arith.constant 0 : i32
    %dma_wait3A_96 = tpu.memref_slice %arg2[%dma_wait3A_94, %dma_wait3A_95] : memref<20000x24xf32, #tpu.memory_space<hbm>> -> memref<20000x24xf32, #tpu.memory_space<hbm>>
    tpu.wait_indirect_dma semaphore(%arg11 : memref<!tpu.dma_semaphore, #tpu.memory_space<semaphore_mem>>) src(%dma_wait3A_96 : memref<20000x24xf32, #tpu.memory_space<hbm>>) dst(%dma_wait3A_90 : memref<125x24xf32, #tpu.memory_space<vmem>>)
    %run_scoped3A_97 = arith.constant 1 : i32
    %run_scoped3A_98 = arith.constant 157 : i32
    "tpu.region"() ({
      %run_scoped3A_130 = tpu.sem_alloc : memref<!tpu.dma_semaphore, #tpu.memory_space<semaphore_mem>>
      %dma_start3A_131 = arith.constant 0 : i32
      %dma_start3A_132 = arith.constant 0 : i32
      %dma_start3A_133 = tpu.memref_slice %arg8[%run_scoped3A_97, %dma_start3A_131, %dma_start3A_132] : memref<4x125x24xf32, #tpu.memory_space<vmem>> -> memref<1x125x24xf32, #tpu.memory_space<vmem>>
      %dma_start3A_134 = tpu.memref_squeeze %dma_start3A_133 : memref<1x125x24xf32, #tpu.memory_space<vmem>> -> memref<125x24xf32, #tpu.memory_space<vmem>>
      %dma_start3A_135 = arith.constant 0 : i32
      %dma_start3A_136 = tpu.memref_slice %arg7[%run_scoped3A_98, %dma_start3A_135] : memref<160x125xi32, #tpu.memory_space<vmem>> -> memref<1x125xi32, #tpu.memory_space<vmem>>
      %dma_start3A_137 = tpu.memref_squeeze %dma_start3A_136 : memref<1x125xi32, #tpu.memory_space<vmem>> -> memref<125xi32, #tpu.memory_space<vmem>>
      %dma_start3A_138 = arith.constant 0 : i32
      %dma_start3A_139 = arith.constant 0 : i32
      %dma_start3A_140 = tpu.memref_slice %arg9[%dma_start3A_138, %dma_start3A_139] : memref<10000x24xf32, #tpu.memory_space<vmem_shared>> -> memref<10000x24xf32, #tpu.memory_space<vmem_shared>>
      tpu.enqueue_indirect_dma source(%dma_start3A_134 : memref<125x24xf32, #tpu.memory_space<vmem>>) target(%dma_start3A_140 : memref<10000x24xf32, #tpu.memory_space<vmem_shared>>) offsets(%dma_start3A_137 : memref<125xi32, #tpu.memory_space<vmem>>) semaphore(%run_scoped3A_130 : memref<!tpu.dma_semaphore, #tpu.memory_space<semaphore_mem>>) {add = true}
      %dma_wait3A_141 = arith.constant 0 : i32
      %dma_wait3A_142 = arith.constant 0 : i32
      %dma_wait3A_143 = tpu.memref_slice %arg8[%run_scoped3A_97, %dma_wait3A_141, %dma_wait3A_142] : memref<4x125x24xf32, #tpu.memory_space<vmem>> -> memref<1x125x24xf32, #tpu.memory_space<vmem>>
      %dma_wait3A_144 = tpu.memref_squeeze %dma_wait3A_143 : memref<1x125x24xf32, #tpu.memory_space<vmem>> -> memref<125x24xf32, #tpu.memory_space<vmem>>
      %dma_wait3A_145 = arith.constant 0 : i32
      %dma_wait3A_146 = tpu.memref_slice %arg7[%run_scoped3A_98, %dma_wait3A_145] : memref<160x125xi32, #tpu.memory_space<vmem>> -> memref<1x125xi32, #tpu.memory_space<vmem>>
      %dma_wait3A_147 = tpu.memref_squeeze %dma_wait3A_146 : memref<1x125xi32, #tpu.memory_space<vmem>> -> memref<125xi32, #tpu.memory_space<vmem>>
      %dma_wait3A_148 = arith.constant 0 : i32
      %dma_wait3A_149 = arith.constant 0 : i32
      %dma_wait3A_150 = tpu.memref_slice %arg9[%dma_wait3A_148, %dma_wait3A_149] : memref<10000x24xf32, #tpu.memory_space<vmem_shared>> -> memref<10000x24xf32, #tpu.memory_space<vmem_shared>>
      tpu.wait_indirect_dma semaphore(%run_scoped3A_130 : memref<!tpu.dma_semaphore, #tpu.memory_space<semaphore_mem>>) src(%dma_wait3A_144 : memref<125x24xf32, #tpu.memory_space<vmem>>) dst(%dma_wait3A_150 : memref<10000x24xf32, #tpu.memory_space<vmem_shared>>)
      tpu.yield
    }) : () -> ()
    %dma_wait3A_99 = arith.constant 158 : i32
    %dma_wait3A_100 = arith.constant 2 : i32
    %dma_wait3A_101 = arith.constant 0 : i32
    %dma_wait3A_102 = arith.constant 0 : i32
    %dma_wait3A_103 = tpu.memref_slice %arg8[%dma_wait3A_100, %dma_wait3A_101, %dma_wait3A_102] : memref<4x125x24xf32, #tpu.memory_space<vmem>> -> memref<1x125x24xf32, #tpu.memory_space<vmem>>
    %dma_wait3A_104 = tpu.memref_squeeze %dma_wait3A_103 : memref<1x125x24xf32, #tpu.memory_space<vmem>> -> memref<125x24xf32, #tpu.memory_space<vmem>>
    %dma_wait3A_105 = arith.constant 0 : i32
    %dma_wait3A_106 = tpu.memref_slice %arg6[%dma_wait3A_99, %dma_wait3A_105] : memref<160x125xi32, #tpu.memory_space<vmem>> -> memref<1x125xi32, #tpu.memory_space<vmem>>
    %dma_wait3A_107 = tpu.memref_squeeze %dma_wait3A_106 : memref<1x125xi32, #tpu.memory_space<vmem>> -> memref<125xi32, #tpu.memory_space<vmem>>
    %dma_wait3A_108 = arith.constant 0 : i32
    %dma_wait3A_109 = arith.constant 0 : i32
    %dma_wait3A_110 = tpu.memref_slice %arg2[%dma_wait3A_108, %dma_wait3A_109] : memref<20000x24xf32, #tpu.memory_space<hbm>> -> memref<20000x24xf32, #tpu.memory_space<hbm>>
    tpu.wait_indirect_dma semaphore(%arg12 : memref<!tpu.dma_semaphore, #tpu.memory_space<semaphore_mem>>) src(%dma_wait3A_110 : memref<20000x24xf32, #tpu.memory_space<hbm>>) dst(%dma_wait3A_104 : memref<125x24xf32, #tpu.memory_space<vmem>>)
    %run_scoped3A_111 = arith.constant 2 : i32
    %run_scoped3A_112 = arith.constant 158 : i32
    "tpu.region"() ({
      %run_scoped3A_130 = tpu.sem_alloc : memref<!tpu.dma_semaphore, #tpu.memory_space<semaphore_mem>>
      %dma_start3A_131 = arith.constant 0 : i32
      %dma_start3A_132 = arith.constant 0 : i32
      %dma_start3A_133 = tpu.memref_slice %arg8[%run_scoped3A_111, %dma_start3A_131, %dma_start3A_132] : memref<4x125x24xf32, #tpu.memory_space<vmem>> -> memref<1x125x24xf32, #tpu.memory_space<vmem>>
      %dma_start3A_134 = tpu.memref_squeeze %dma_start3A_133 : memref<1x125x24xf32, #tpu.memory_space<vmem>> -> memref<125x24xf32, #tpu.memory_space<vmem>>
      %dma_start3A_135 = arith.constant 0 : i32
      %dma_start3A_136 = tpu.memref_slice %arg7[%run_scoped3A_112, %dma_start3A_135] : memref<160x125xi32, #tpu.memory_space<vmem>> -> memref<1x125xi32, #tpu.memory_space<vmem>>
      %dma_start3A_137 = tpu.memref_squeeze %dma_start3A_136 : memref<1x125xi32, #tpu.memory_space<vmem>> -> memref<125xi32, #tpu.memory_space<vmem>>
      %dma_start3A_138 = arith.constant 0 : i32
      %dma_start3A_139 = arith.constant 0 : i32
      %dma_start3A_140 = tpu.memref_slice %arg9[%dma_start3A_138, %dma_start3A_139] : memref<10000x24xf32, #tpu.memory_space<vmem_shared>> -> memref<10000x24xf32, #tpu.memory_space<vmem_shared>>
      tpu.enqueue_indirect_dma source(%dma_start3A_134 : memref<125x24xf32, #tpu.memory_space<vmem>>) target(%dma_start3A_140 : memref<10000x24xf32, #tpu.memory_space<vmem_shared>>) offsets(%dma_start3A_137 : memref<125xi32, #tpu.memory_space<vmem>>) semaphore(%run_scoped3A_130 : memref<!tpu.dma_semaphore, #tpu.memory_space<semaphore_mem>>) {add = true}
      %dma_wait3A_141 = arith.constant 0 : i32
      %dma_wait3A_142 = arith.constant 0 : i32
      %dma_wait3A_143 = tpu.memref_slice %arg8[%run_scoped3A_111, %dma_wait3A_141, %dma_wait3A_142] : memref<4x125x24xf32, #tpu.memory_space<vmem>> -> memref<1x125x24xf32, #tpu.memory_space<vmem>>
      %dma_wait3A_144 = tpu.memref_squeeze %dma_wait3A_143 : memref<1x125x24xf32, #tpu.memory_space<vmem>> -> memref<125x24xf32, #tpu.memory_space<vmem>>
      %dma_wait3A_145 = arith.constant 0 : i32
      %dma_wait3A_146 = tpu.memref_slice %arg7[%run_scoped3A_112, %dma_wait3A_145] : memref<160x125xi32, #tpu.memory_space<vmem>> -> memref<1x125xi32, #tpu.memory_space<vmem>>
      %dma_wait3A_147 = tpu.memref_squeeze %dma_wait3A_146 : memref<1x125xi32, #tpu.memory_space<vmem>> -> memref<125xi32, #tpu.memory_space<vmem>>
      %dma_wait3A_148 = arith.constant 0 : i32
      %dma_wait3A_149 = arith.constant 0 : i32
      %dma_wait3A_150 = tpu.memref_slice %arg9[%dma_wait3A_148, %dma_wait3A_149] : memref<10000x24xf32, #tpu.memory_space<vmem_shared>> -> memref<10000x24xf32, #tpu.memory_space<vmem_shared>>
      tpu.wait_indirect_dma semaphore(%run_scoped3A_130 : memref<!tpu.dma_semaphore, #tpu.memory_space<semaphore_mem>>) src(%dma_wait3A_144 : memref<125x24xf32, #tpu.memory_space<vmem>>) dst(%dma_wait3A_150 : memref<10000x24xf32, #tpu.memory_space<vmem_shared>>)
      tpu.yield
    }) : () -> ()
    %dma_wait3A_113 = arith.constant 159 : i32
    %dma_wait3A_114 = arith.constant 3 : i32
    %dma_wait3A_115 = arith.constant 0 : i32
    %dma_wait3A_116 = arith.constant 0 : i32
    %dma_wait3A_117 = tpu.memref_slice %arg8[%dma_wait3A_114, %dma_wait3A_115, %dma_wait3A_116] : memref<4x125x24xf32, #tpu.memory_space<vmem>> -> memref<1x125x24xf32, #tpu.memory_space<vmem>>
    %dma_wait3A_118 = tpu.memref_squeeze %dma_wait3A_117 : memref<1x125x24xf32, #tpu.memory_space<vmem>> -> memref<125x24xf32, #tpu.memory_space<vmem>>
    %dma_wait3A_119 = arith.constant 0 : i32
    %dma_wait3A_120 = tpu.memref_slice %arg6[%dma_wait3A_113, %dma_wait3A_119] : memref<160x125xi32, #tpu.memory_space<vmem>> -> memref<1x125xi32, #tpu.memory_space<vmem>>
    %dma_wait3A_121 = tpu.memref_squeeze %dma_wait3A_120 : memref<1x125xi32, #tpu.memory_space<vmem>> -> memref<125xi32, #tpu.memory_space<vmem>>
    %dma_wait3A_122 = arith.constant 0 : i32
    %dma_wait3A_123 = arith.constant 0 : i32
    %dma_wait3A_124 = tpu.memref_slice %arg2[%dma_wait3A_122, %dma_wait3A_123] : memref<20000x24xf32, #tpu.memory_space<hbm>> -> memref<20000x24xf32, #tpu.memory_space<hbm>>
    tpu.wait_indirect_dma semaphore(%arg13 : memref<!tpu.dma_semaphore, #tpu.memory_space<semaphore_mem>>) src(%dma_wait3A_124 : memref<20000x24xf32, #tpu.memory_space<hbm>>) dst(%dma_wait3A_118 : memref<125x24xf32, #tpu.memory_space<vmem>>)
    %run_scoped3A_125 = arith.constant 3 : i32
    %run_scoped3A_126 = arith.constant 159 : i32
    "tpu.region"() ({
      %run_scoped3A_130 = tpu.sem_alloc : memref<!tpu.dma_semaphore, #tpu.memory_space<semaphore_mem>>
      %dma_start3A_131 = arith.constant 0 : i32
      %dma_start3A_132 = arith.constant 0 : i32
      %dma_start3A_133 = tpu.memref_slice %arg8[%run_scoped3A_125, %dma_start3A_131, %dma_start3A_132] : memref<4x125x24xf32, #tpu.memory_space<vmem>> -> memref<1x125x24xf32, #tpu.memory_space<vmem>>
      %dma_start3A_134 = tpu.memref_squeeze %dma_start3A_133 : memref<1x125x24xf32, #tpu.memory_space<vmem>> -> memref<125x24xf32, #tpu.memory_space<vmem>>
      %dma_start3A_135 = arith.constant 0 : i32
      %dma_start3A_136 = tpu.memref_slice %arg7[%run_scoped3A_126, %dma_start3A_135] : memref<160x125xi32, #tpu.memory_space<vmem>> -> memref<1x125xi32, #tpu.memory_space<vmem>>
      %dma_start3A_137 = tpu.memref_squeeze %dma_start3A_136 : memref<1x125xi32, #tpu.memory_space<vmem>> -> memref<125xi32, #tpu.memory_space<vmem>>
      %dma_start3A_138 = arith.constant 0 : i32
      %dma_start3A_139 = arith.constant 0 : i32
      %dma_start3A_140 = tpu.memref_slice %arg9[%dma_start3A_138, %dma_start3A_139] : memref<10000x24xf32, #tpu.memory_space<vmem_shared>> -> memref<10000x24xf32, #tpu.memory_space<vmem_shared>>
      tpu.enqueue_indirect_dma source(%dma_start3A_134 : memref<125x24xf32, #tpu.memory_space<vmem>>) target(%dma_start3A_140 : memref<10000x24xf32, #tpu.memory_space<vmem_shared>>) offsets(%dma_start3A_137 : memref<125xi32, #tpu.memory_space<vmem>>) semaphore(%run_scoped3A_130 : memref<!tpu.dma_semaphore, #tpu.memory_space<semaphore_mem>>) {add = true}
      %dma_wait3A_141 = arith.constant 0 : i32
      %dma_wait3A_142 = arith.constant 0 : i32
      %dma_wait3A_143 = tpu.memref_slice %arg8[%run_scoped3A_125, %dma_wait3A_141, %dma_wait3A_142] : memref<4x125x24xf32, #tpu.memory_space<vmem>> -> memref<1x125x24xf32, #tpu.memory_space<vmem>>
      %dma_wait3A_144 = tpu.memref_squeeze %dma_wait3A_143 : memref<1x125x24xf32, #tpu.memory_space<vmem>> -> memref<125x24xf32, #tpu.memory_space<vmem>>
      %dma_wait3A_145 = arith.constant 0 : i32
      %dma_wait3A_146 = tpu.memref_slice %arg7[%run_scoped3A_126, %dma_wait3A_145] : memref<160x125xi32, #tpu.memory_space<vmem>> -> memref<1x125xi32, #tpu.memory_space<vmem>>
      %dma_wait3A_147 = tpu.memref_squeeze %dma_wait3A_146 : memref<1x125xi32, #tpu.memory_space<vmem>> -> memref<125xi32, #tpu.memory_space<vmem>>
      %dma_wait3A_148 = arith.constant 0 : i32
      %dma_wait3A_149 = arith.constant 0 : i32
      %dma_wait3A_150 = tpu.memref_slice %arg9[%dma_wait3A_148, %dma_wait3A_149] : memref<10000x24xf32, #tpu.memory_space<vmem_shared>> -> memref<10000x24xf32, #tpu.memory_space<vmem_shared>>
      tpu.wait_indirect_dma semaphore(%run_scoped3A_130 : memref<!tpu.dma_semaphore, #tpu.memory_space<semaphore_mem>>) src(%dma_wait3A_144 : memref<125x24xf32, #tpu.memory_space<vmem>>) dst(%dma_wait3A_150 : memref<10000x24xf32, #tpu.memory_space<vmem_shared>>)
      tpu.yield
    }) : () -> ()
    %barrier3A_127 = arith.constant 0 : index
    tpu.barrier barrier_id(%barrier3A_127)
    %mul3A_128 = arith.constant 24 : i32
    %mul3A_129 = arith.muli %arg0, %mul3A_128 : i32
    "tpu.region"() ({
      %run_scoped3A_130 = tpu.sem_alloc : memref<!tpu.dma_semaphore, #tpu.memory_space<semaphore_mem>>
      %dma_start3A_131 = tpu.memref_slice %arg5[%mul3A_0, %mul3A_129] : memref<10000x48xf32, #tpu.memory_space<hbm>> -> memref<625x24xf32, #tpu.memory_space<hbm>>
      %dma_start3A_132 = arith.constant 0 : i32
      %dma_start3A_133 = tpu.memref_slice %arg9[%mul3A_0, %dma_start3A_132] : memref<10000x24xf32, #tpu.memory_space<vmem_shared>> -> memref<625x24xf32, #tpu.memory_space<vmem_shared>>
      tpu.enqueue_dma source(%dma_start3A_133 : memref<625x24xf32, #tpu.memory_space<vmem_shared>>) target(%dma_start3A_131 : memref<625x24xf32, #tpu.memory_space<hbm>>) target_semaphore(%run_scoped3A_130 : memref<!tpu.dma_semaphore, #tpu.memory_space<semaphore_mem>>)
      %dma_wait3A_134 = tpu.memref_slice %arg5[%mul3A_0, %mul3A_129] : memref<10000x48xf32, #tpu.memory_space<hbm>> -> memref<625x24xf32, #tpu.memory_space<hbm>>
      %dma_wait3A_135 = arith.constant 0 : i32
      %dma_wait3A_136 = tpu.memref_slice %arg9[%mul3A_0, %dma_wait3A_135] : memref<10000x24xf32, #tpu.memory_space<vmem_shared>> -> memref<625x24xf32, #tpu.memory_space<vmem_shared>>
      tpu.wait_dma2 semaphore(%run_scoped3A_130 : memref<!tpu.dma_semaphore, #tpu.memory_space<semaphore_mem>>) src(%dma_wait3A_136 : memref<625x24xf32, #tpu.memory_space<vmem_shared>>) dst(%dma_wait3A_134 : memref<625x24xf32, #tpu.memory_space<hbm>>)
      tpu.yield
    }) : () -> ()
    return
  }
}

#map = affine_map<(d0, d1) -> (0, 0, 0)>
#map1 = affine_map<(d0, d1) -> (0, 0)>
module attributes {stable_mosaic.version = 14 : i64} {
  func.func @k(%arg0: i32, %arg1: i32, %arg2: memref<16x160x125xi32, #tpu.memory_space<hbm>>, %arg3: memref<10000x16xf32, #tpu.memory_space<hbm>>, %arg4: memref<160x125xi32, #tpu.memory_space<vmem>>, %arg5: memref<125x16xf32, #tpu.memory_space<vmem>>, %arg6: memref<10000x16xf32, #tpu.memory_space<vmem_shared>>) attributes {dimension_semantics = [#tpu.dimension_semantics<core_parallel>, #tpu.dimension_semantics<subcore_parallel>], iteration_bounds = array<i64: 1, 16>, scalar_prefetch = 0 : i64, scratch_operands = 3 : i64, tpu.core_type = #tpu.core_type<sc_vector_subcore>, window_params = [{transform_indices = #map}, {transform_indices = #map1}]} {
    %mul3A = arith.constant 625 : i32
    %mul3A_0 = arith.muli %arg1, %mul3A : i32
    %scan3A = arith.constant 0 : i32
    %scan3A_1 = arith.constant 0 : i32
    %scan3A_2 = arith.constant 125 : i32
    %scan3A_3 = arith.addi %scan3A_1, %scan3A_2 : i32
    %scan3A_4 = arith.constant 1 : i32
    scf.for %scan3A_22 = %scan3A_1 to %scan3A_3 step %scan3A_4  : i32 {
      %broadcast_in_dim3A = arith.constant 1.000000e+00 : f32
      %broadcast_in_dim3A_23 = vector.broadcast %broadcast_in_dim3A : f32 to vector<16xf32>
      %swap3A = arith.index_cast %scan3A_22 : i32 to index
      %swap3A_24 = arith.constant 0 : index
      %swap3A_25 = tpu.vector_load %arg5[%swap3A, %swap3A_24] {strides = array<i32>} : memref<125x16xf32, #tpu.memory_space<vmem>>, vector<1x16xf32>,
      %swap3A_26 = vector.shape_cast %swap3A_25 : vector<1x16xf32> to vector<16xf32>
      %swap3A_27 = vector.shape_cast %broadcast_in_dim3A_23 : vector<16xf32> to vector<1x16xf32>
      tpu.vector_store %arg5[%swap3A, %swap3A_24], %swap3A_27 {strides = array<i32>} : memref<125x16xf32, #tpu.memory_space<vmem>>, vector<1x16xf32>,
    }
    %scan3A_5 = arith.constant 125 : i32
    %add3A = arith.constant 0 : i32
    %add3A_6 = arith.addi %mul3A_0, %add3A : i32
    "tpu.region"() ({
      %run_scoped3A = tpu.sem_alloc : memref<!tpu.dma_semaphore, #tpu.memory_space<semaphore_mem>>
      %dma_start3A = arith.constant 0 : i32
      %dma_start3A_22 = tpu.memref_slice %arg6[%add3A_6, %dma_start3A] : memref<10000x16xf32, #tpu.memory_space<vmem_shared>> -> memref<125x16xf32, #tpu.memory_space<vmem_shared>>
      %dma_start3A_23 = arith.constant 0 : i32
      %dma_start3A_24 = tpu.memref_slice %arg6[%add3A_6, %dma_start3A_23] : memref<10000x16xf32, #tpu.memory_space<vmem_shared>> -> memref<125x16xf32, #tpu.memory_space<vmem_shared>>
      tpu.enqueue_dma source(%arg5 : memref<125x16xf32, #tpu.memory_space<vmem>>) target(%dma_start3A_24 : memref<125x16xf32, #tpu.memory_space<vmem_shared>>) target_semaphore(%run_scoped3A : memref<!tpu.dma_semaphore, #tpu.memory_space<semaphore_mem>>)
      %dma_wait3A = arith.constant 0 : i32
      %dma_wait3A_25 = tpu.memref_slice %arg6[%add3A_6, %dma_wait3A] : memref<10000x16xf32, #tpu.memory_space<vmem_shared>> -> memref<125x16xf32, #tpu.memory_space<vmem_shared>>
      %dma_wait3A_26 = arith.constant 0 : i32
      %dma_wait3A_27 = tpu.memref_slice %arg6[%add3A_6, %dma_wait3A_26] : memref<10000x16xf32, #tpu.memory_space<vmem_shared>> -> memref<125x16xf32, #tpu.memory_space<vmem_shared>>
      tpu.wait_dma2 semaphore(%run_scoped3A : memref<!tpu.dma_semaphore, #tpu.memory_space<semaphore_mem>>) src(%arg5 : memref<125x16xf32, #tpu.memory_space<vmem>>) dst(%dma_wait3A_27 : memref<125x16xf32, #tpu.memory_space<vmem_shared>>)
      tpu.yield
    }) : () -> ()
    %add3A_7 = arith.constant 125 : i32
    %add3A_8 = arith.addi %mul3A_0, %add3A_7 : i32
    "tpu.region"() ({
      %run_scoped3A = tpu.sem_alloc : memref<!tpu.dma_semaphore, #tpu.memory_space<semaphore_mem>>
      %dma_start3A = arith.constant 0 : i32
      %dma_start3A_22 = tpu.memref_slice %arg6[%add3A_8, %dma_start3A] : memref<10000x16xf32, #tpu.memory_space<vmem_shared>> -> memref<125x16xf32, #tpu.memory_space<vmem_shared>>
      %dma_start3A_23 = arith.constant 0 : i32
      %dma_start3A_24 = tpu.memref_slice %arg6[%add3A_8, %dma_start3A_23] : memref<10000x16xf32, #tpu.memory_space<vmem_shared>> -> memref<125x16xf32, #tpu.memory_space<vmem_shared>>
      tpu.enqueue_dma source(%arg5 : memref<125x16xf32, #tpu.memory_space<vmem>>) target(%dma_start3A_24 : memref<125x16xf32, #tpu.memory_space<vmem_shared>>) target_semaphore(%run_scoped3A : memref<!tpu.dma_semaphore, #tpu.memory_space<semaphore_mem>>)
      %dma_wait3A = arith.constant 0 : i32
      %dma_wait3A_25 = tpu.memref_slice %arg6[%add3A_8, %dma_wait3A] : memref<10000x16xf32, #tpu.memory_space<vmem_shared>> -> memref<125x16xf32, #tpu.memory_space<vmem_shared>>
      %dma_wait3A_26 = arith.constant 0 : i32
      %dma_wait3A_27 = tpu.memref_slice %arg6[%add3A_8, %dma_wait3A_26] : memref<10000x16xf32, #tpu.memory_space<vmem_shared>> -> memref<125x16xf32, #tpu.memory_space<vmem_shared>>
      tpu.wait_dma2 semaphore(%run_scoped3A : memref<!tpu.dma_semaphore, #tpu.memory_space<semaphore_mem>>) src(%arg5 : memref<125x16xf32, #tpu.memory_space<vmem>>) dst(%dma_wait3A_27 : memref<125x16xf32, #tpu.memory_space<vmem_shared>>)
      tpu.yield
    }) : () -> ()
    %add3A_9 = arith.constant 250 : i32
    %add3A_10 = arith.addi %mul3A_0, %add3A_9 : i32
    "tpu.region"() ({
      %run_scoped3A = tpu.sem_alloc : memref<!tpu.dma_semaphore, #tpu.memory_space<semaphore_mem>>
      %dma_start3A = arith.constant 0 : i32
      %dma_start3A_22 = tpu.memref_slice %arg6[%add3A_10, %dma_start3A] : memref<10000x16xf32, #tpu.memory_space<vmem_shared>> -> memref<125x16xf32, #tpu.memory_space<vmem_shared>>
      %dma_start3A_23 = arith.constant 0 : i32
      %dma_start3A_24 = tpu.memref_slice %arg6[%add3A_10, %dma_start3A_23] : memref<10000x16xf32, #tpu.memory_space<vmem_shared>> -> memref<125x16xf32, #tpu.memory_space<vmem_shared>>
      tpu.enqueue_dma source(%arg5 : memref<125x16xf32, #tpu.memory_space<vmem>>) target(%dma_start3A_24 : memref<125x16xf32, #tpu.memory_space<vmem_shared>>) target_semaphore(%run_scoped3A : memref<!tpu.dma_semaphore, #tpu.memory_space<semaphore_mem>>)
      %dma_wait3A = arith.constant 0 : i32
      %dma_wait3A_25 = tpu.memref_slice %arg6[%add3A_10, %dma_wait3A] : memref<10000x16xf32, #tpu.memory_space<vmem_shared>> -> memref<125x16xf32, #tpu.memory_space<vmem_shared>>
      %dma_wait3A_26 = arith.constant 0 : i32
      %dma_wait3A_27 = tpu.memref_slice %arg6[%add3A_10, %dma_wait3A_26] : memref<10000x16xf32, #tpu.memory_space<vmem_shared>> -> memref<125x16xf32, #tpu.memory_space<vmem_shared>>
      tpu.wait_dma2 semaphore(%run_scoped3A : memref<!tpu.dma_semaphore, #tpu.memory_space<semaphore_mem>>) src(%arg5 : memref<125x16xf32, #tpu.memory_space<vmem>>) dst(%dma_wait3A_27 : memref<125x16xf32, #tpu.memory_space<vmem_shared>>)
      tpu.yield
    }) : () -> ()
    %add3A_11 = arith.constant 375 : i32
    %add3A_12 = arith.addi %mul3A_0, %add3A_11 : i32
    "tpu.region"() ({
      %run_scoped3A = tpu.sem_alloc : memref<!tpu.dma_semaphore, #tpu.memory_space<semaphore_mem>>
      %dma_start3A = arith.constant 0 : i32
      %dma_start3A_22 = tpu.memref_slice %arg6[%add3A_12, %dma_start3A] : memref<10000x16xf32, #tpu.memory_space<vmem_shared>> -> memref<125x16xf32, #tpu.memory_space<vmem_shared>>
      %dma_start3A_23 = arith.constant 0 : i32
      %dma_start3A_24 = tpu.memref_slice %arg6[%add3A_12, %dma_start3A_23] : memref<10000x16xf32, #tpu.memory_space<vmem_shared>> -> memref<125x16xf32, #tpu.memory_space<vmem_shared>>
      tpu.enqueue_dma source(%arg5 : memref<125x16xf32, #tpu.memory_space<vmem>>) target(%dma_start3A_24 : memref<125x16xf32, #tpu.memory_space<vmem_shared>>) target_semaphore(%run_scoped3A : memref<!tpu.dma_semaphore, #tpu.memory_space<semaphore_mem>>)
      %dma_wait3A = arith.constant 0 : i32
      %dma_wait3A_25 = tpu.memref_slice %arg6[%add3A_12, %dma_wait3A] : memref<10000x16xf32, #tpu.memory_space<vmem_shared>> -> memref<125x16xf32, #tpu.memory_space<vmem_shared>>
      %dma_wait3A_26 = arith.constant 0 : i32
      %dma_wait3A_27 = tpu.memref_slice %arg6[%add3A_12, %dma_wait3A_26] : memref<10000x16xf32, #tpu.memory_space<vmem_shared>> -> memref<125x16xf32, #tpu.memory_space<vmem_shared>>
      tpu.wait_dma2 semaphore(%run_scoped3A : memref<!tpu.dma_semaphore, #tpu.memory_space<semaphore_mem>>) src(%arg5 : memref<125x16xf32, #tpu.memory_space<vmem>>) dst(%dma_wait3A_27 : memref<125x16xf32, #tpu.memory_space<vmem_shared>>)
      tpu.yield
    }) : () -> ()
    %add3A_13 = arith.constant 500 : i32
    %add3A_14 = arith.addi %mul3A_0, %add3A_13 : i32
    "tpu.region"() ({
      %run_scoped3A = tpu.sem_alloc : memref<!tpu.dma_semaphore, #tpu.memory_space<semaphore_mem>>
      %dma_start3A = arith.constant 0 : i32
      %dma_start3A_22 = tpu.memref_slice %arg6[%add3A_14, %dma_start3A] : memref<10000x16xf32, #tpu.memory_space<vmem_shared>> -> memref<125x16xf32, #tpu.memory_space<vmem_shared>>
      %dma_start3A_23 = arith.constant 0 : i32
      %dma_start3A_24 = tpu.memref_slice %arg6[%add3A_14, %dma_start3A_23] : memref<10000x16xf32, #tpu.memory_space<vmem_shared>> -> memref<125x16xf32, #tpu.memory_space<vmem_shared>>
      tpu.enqueue_dma source(%arg5 : memref<125x16xf32, #tpu.memory_space<vmem>>) target(%dma_start3A_24 : memref<125x16xf32, #tpu.memory_space<vmem_shared>>) target_semaphore(%run_scoped3A : memref<!tpu.dma_semaphore, #tpu.memory_space<semaphore_mem>>)
      %dma_wait3A = arith.constant 0 : i32
      %dma_wait3A_25 = tpu.memref_slice %arg6[%add3A_14, %dma_wait3A] : memref<10000x16xf32, #tpu.memory_space<vmem_shared>> -> memref<125x16xf32, #tpu.memory_space<vmem_shared>>
      %dma_wait3A_26 = arith.constant 0 : i32
      %dma_wait3A_27 = tpu.memref_slice %arg6[%add3A_14, %dma_wait3A_26] : memref<10000x16xf32, #tpu.memory_space<vmem_shared>> -> memref<125x16xf32, #tpu.memory_space<vmem_shared>>
      tpu.wait_dma2 semaphore(%run_scoped3A : memref<!tpu.dma_semaphore, #tpu.memory_space<semaphore_mem>>) src(%arg5 : memref<125x16xf32, #tpu.memory_space<vmem>>) dst(%dma_wait3A_27 : memref<125x16xf32, #tpu.memory_space<vmem_shared>>)
      tpu.yield
    }) : () -> ()
    "tpu.region"() ({
      %run_scoped3A = tpu.sem_alloc : memref<!tpu.dma_semaphore, #tpu.memory_space<semaphore_mem>>
      %dma_start3A = arith.constant 0 : i32
      %dma_start3A_22 = arith.constant 0 : i32
      %dma_start3A_23 = tpu.memref_slice %arg2[%arg1, %dma_start3A, %dma_start3A_22] : memref<16x160x125xi32, #tpu.memory_space<hbm>> -> memref<1x160x125xi32, #tpu.memory_space<hbm>>
      %dma_start3A_24 = tpu.memref_squeeze %dma_start3A_23 : memref<1x160x125xi32, #tpu.memory_space<hbm>> -> memref<160x125xi32, #tpu.memory_space<hbm>>
      %dma_start3A_25 = arith.constant 0 : i32
      %dma_start3A_26 = arith.constant 0 : i32
      %dma_start3A_27 = tpu.memref_slice %arg2[%arg1, %dma_start3A_25, %dma_start3A_26] : memref<16x160x125xi32, #tpu.memory_space<hbm>> -> memref<1x160x125xi32, #tpu.memory_space<hbm>>
      %dma_start3A_28 = tpu.memref_squeeze %dma_start3A_27 : memref<1x160x125xi32, #tpu.memory_space<hbm>> -> memref<160x125xi32, #tpu.memory_space<hbm>>
      tpu.enqueue_dma source(%dma_start3A_28 : memref<160x125xi32, #tpu.memory_space<hbm>>) target(%arg4 : memref<160x125xi32, #tpu.memory_space<vmem>>) target_semaphore(%run_scoped3A : memref<!tpu.dma_semaphore, #tpu.memory_space<semaphore_mem>>)
      %dma_wait3A = arith.constant 0 : i32
      %dma_wait3A_29 = arith.constant 0 : i32
      %dma_wait3A_30 = tpu.memref_slice %arg2[%arg1, %dma_wait3A, %dma_wait3A_29] : memref<16x160x125xi32, #tpu.memory_space<hbm>> -> memref<1x160x125xi32, #tpu.memory_space<hbm>>
      %dma_wait3A_31 = tpu.memref_squeeze %dma_wait3A_30 : memref<1x160x125xi32, #tpu.memory_space<hbm>> -> memref<160x125xi32, #tpu.memory_space<hbm>>
      %dma_wait3A_32 = arith.constant 0 : i32
      %dma_wait3A_33 = arith.constant 0 : i32
      %dma_wait3A_34 = tpu.memref_slice %arg2[%arg1, %dma_wait3A_32, %dma_wait3A_33] : memref<16x160x125xi32, #tpu.memory_space<hbm>> -> memref<1x160x125xi32, #tpu.memory_space<hbm>>
      %dma_wait3A_35 = tpu.memref_squeeze %dma_wait3A_34 : memref<1x160x125xi32, #tpu.memory_space<hbm>> -> memref<160x125xi32, #tpu.memory_space<hbm>>
      tpu.wait_dma2 semaphore(%run_scoped3A : memref<!tpu.dma_semaphore, #tpu.memory_space<semaphore_mem>>) src(%dma_wait3A_35 : memref<160x125xi32, #tpu.memory_space<hbm>>) dst(%arg4 : memref<160x125xi32, #tpu.memory_space<vmem>>)
      tpu.yield
    }) : () -> ()
    %barrier3A = arith.constant 0 : index
    tpu.barrier barrier_id(%barrier3A)
    %scan3A_15 = arith.constant 0 : i32
    %scan3A_16 = arith.constant 0 : i32
    %scan3A_17 = arith.constant 160 : i32
    %scan3A_18 = arith.addi %scan3A_16, %scan3A_17 : i32
    %scan3A_19 = arith.constant 1 : i32
    scf.for %scan3A_22 = %scan3A_16 to %scan3A_18 step %scan3A_19  : i32 {
      "tpu.region"() ({
        %run_scoped3A = tpu.sem_alloc : memref<!tpu.dma_semaphore, #tpu.memory_space<semaphore_mem>>
        %dma_start3A = arith.constant 0 : i32
        %dma_start3A_23 = tpu.memref_slice %arg4[%scan3A_22, %dma_start3A] : memref<160x125xi32, #tpu.memory_space<vmem>> -> memref<1x125xi32, #tpu.memory_space<vmem>>
        %dma_start3A_24 = tpu.memref_squeeze %dma_start3A_23 : memref<1x125xi32, #tpu.memory_space<vmem>> -> memref<125xi32, #tpu.memory_space<vmem>>
        %dma_start3A_25 = arith.constant 0 : i32
        %dma_start3A_26 = arith.constant 0 : i32
        %dma_start3A_27 = tpu.memref_slice %arg6[%dma_start3A_25, %dma_start3A_26] : memref<10000x16xf32, #tpu.memory_space<vmem_shared>> -> memref<10000x16xf32, #tpu.memory_space<vmem_shared>>
        tpu.enqueue_indirect_dma source(%arg5 : memref<125x16xf32, #tpu.memory_space<vmem>>) target(%dma_start3A_27 : memref<10000x16xf32, #tpu.memory_space<vmem_shared>>) offsets(%dma_start3A_24 : memref<125xi32, #tpu.memory_space<vmem>>) semaphore(%run_scoped3A : memref<!tpu.dma_semaphore, #tpu.memory_space<semaphore_mem>>) {add = true}
        %dma_wait3A = arith.constant 0 : i32
        %dma_wait3A_28 = tpu.memref_slice %arg4[%scan3A_22, %dma_wait3A] : memref<160x125xi32, #tpu.memory_space<vmem>> -> memref<1x125xi32, #tpu.memory_space<vmem>>
        %dma_wait3A_29 = tpu.memref_squeeze %dma_wait3A_28 : memref<1x125xi32, #tpu.memory_space<vmem>> -> memref<125xi32, #tpu.memory_space<vmem>>
        %dma_wait3A_30 = arith.constant 0 : i32
        %dma_wait3A_31 = arith.constant 0 : i32
        %dma_wait3A_32 = tpu.memref_slice %arg6[%dma_wait3A_30, %dma_wait3A_31] : memref<10000x16xf32, #tpu.memory_space<vmem_shared>> -> memref<10000x16xf32, #tpu.memory_space<vmem_shared>>
        tpu.wait_indirect_dma semaphore(%run_scoped3A : memref<!tpu.dma_semaphore, #tpu.memory_space<semaphore_mem>>) src(%arg5 : memref<125x16xf32, #tpu.memory_space<vmem>>) dst(%dma_wait3A_32 : memref<10000x16xf32, #tpu.memory_space<vmem_shared>>)
        tpu.yield
      }) : () -> ()
    }
    %scan3A_20 = arith.constant 160 : i32
    %barrier3A_21 = arith.constant 0 : index
    tpu.barrier barrier_id(%barrier3A_21)
    "tpu.region"() ({
      %run_scoped3A = tpu.sem_alloc : memref<!tpu.dma_semaphore, #tpu.memory_space<semaphore_mem>>
      %dma_start3A = arith.constant 0 : i32
      %dma_start3A_22 = tpu.memref_slice %arg3[%mul3A_0, %dma_start3A] : memref<10000x16xf32, #tpu.memory_space<hbm>> -> memref<625x16xf32, #tpu.memory_space<hbm>>
      %dma_start3A_23 = arith.constant 0 : i32
      %dma_start3A_24 = tpu.memref_slice %arg6[%mul3A_0, %dma_start3A_23] : memref<10000x16xf32, #tpu.memory_space<vmem_shared>> -> memref<625x16xf32, #tpu.memory_space<vmem_shared>>
      tpu.enqueue_dma source(%dma_start3A_24 : memref<625x16xf32, #tpu.memory_space<vmem_shared>>) target(%dma_start3A_22 : memref<625x16xf32, #tpu.memory_space<hbm>>) target_semaphore(%run_scoped3A : memref<!tpu.dma_semaphore, #tpu.memory_space<semaphore_mem>>)
      %dma_wait3A = arith.constant 0 : i32
      %dma_wait3A_25 = tpu.memref_slice %arg3[%mul3A_0, %dma_wait3A] : memref<10000x16xf32, #tpu.memory_space<hbm>> -> memref<625x16xf32, #tpu.memory_space<hbm>>
      %dma_wait3A_26 = arith.constant 0 : i32
      %dma_wait3A_27 = tpu.memref_slice %arg6[%mul3A_0, %dma_wait3A_26] : memref<10000x16xf32, #tpu.memory_space<vmem_shared>> -> memref<625x16xf32, #tpu.memory_space<vmem_shared>>
      tpu.wait_dma2 semaphore(%run_scoped3A : memref<!tpu.dma_semaphore, #tpu.memory_space<semaphore_mem>>) src(%dma_wait3A_27 : memref<625x16xf32, #tpu.memory_space<vmem_shared>>) dst(%dma_wait3A_25 : memref<625x16xf32, #tpu.memory_space<hbm>>)
      tpu.yield
    }) : () -> ()
    return
  }
}

#map = affine_map<(d0, d1) -> (0, 0)>
#map1 = affine_map<(d0, d1) -> (0, 0, 0, 0)>
#map2 = affine_map<(d0, d1) -> (0, 0, 0)>
module attributes {stable_mosaic.version = 14 : i64} {
  func.func @k(%arg0: i32, %arg1: i32, %arg2: memref<20000x64xf32, #tpu.memory_space<hbm>>, %arg3: memref<2x16x160x125xi32, #tpu.memory_space<hbm>>, %arg4: memref<16x160x125xi32, #tpu.memory_space<hbm>>, %arg5: memref<10000x128xf32, #tpu.memory_space<hbm>>, %arg6: memref<160x125xi32, #tpu.memory_space<vmem>>, %arg7: memref<160x125xi32, #tpu.memory_space<vmem>>, %arg8: memref<4x125x64xf32, #tpu.memory_space<vmem>>, %arg9: memref<10000x64xf32, #tpu.memory_space<vmem_shared>>, %arg10: memref<!tpu.dma_semaphore, #tpu.memory_space<semaphore_mem>>, %arg11: memref<!tpu.dma_semaphore, #tpu.memory_space<semaphore_mem>>, %arg12: memref<!tpu.dma_semaphore, #tpu.memory_space<semaphore_mem>>, %arg13: memref<!tpu.dma_semaphore, #tpu.memory_space<semaphore_mem>>, %arg14: memref<!tpu.dma_semaphore, #tpu.memory_space<semaphore_mem>>, %arg15: memref<!tpu.dma_semaphore, #tpu.memory_space<semaphore_mem>>, %arg16: memref<!tpu.dma_semaphore, #tpu.memory_space<semaphore_mem>>, %arg17: memref<!tpu.dma_semaphore, #tpu.memory_space<semaphore_mem>>) attributes {dimension_semantics = [#tpu.dimension_semantics<core_parallel>, #tpu.dimension_semantics<subcore_parallel>], iteration_bounds = array<i64: 2, 16>, scalar_prefetch = 0 : i64, scratch_operands = 12 : i64, tpu.core_type = #tpu.core_type<sc_vector_subcore>, window_params = [{transform_indices = #map}, {transform_indices = #map1}, {transform_indices = #map2}, {transform_indices = #map}]} {
    %mul3A = arith.constant 625 : i32
    %mul3A_0 = arith.muli %arg1, %mul3A : i32
    %scan3A = arith.constant 0 : i32
    %scan3A_1 = arith.constant 0 : i32
    %scan3A_2 = arith.constant 125 : i32
    %scan3A_3 = arith.addi %scan3A_1, %scan3A_2 : i32
    %scan3A_4 = arith.constant 1 : i32
    scf.for %scan3A_130 = %scan3A_1 to %scan3A_3 step %scan3A_4  : i32 {
      %broadcast_in_dim3A = arith.constant 0.000000e+00 : f32
      %broadcast_in_dim3A_131 = vector.broadcast %broadcast_in_dim3A : f32 to vector<16xf32>
      %swap3A = arith.constant 0 : i32
      %swap3A_132 = arith.index_cast %swap3A : i32 to index
      %swap3A_133 = arith.index_cast %scan3A_130 : i32 to index
      %swap3A_134 = arith.constant 0 : index
      %swap3A_135 = tpu.vector_load %arg8[%swap3A_132, %swap3A_133, %swap3A_134] {strides = array<i32>} : memref<4x125x64xf32, #tpu.memory_space<vmem>>, vector<1x1x16xf32>,
      %swap3A_136 = vector.shape_cast %swap3A_135 : vector<1x1x16xf32> to vector<16xf32>
      %swap3A_137 = vector.shape_cast %broadcast_in_dim3A_131 : vector<16xf32> to vector<1x1x16xf32>
      tpu.vector_store %arg8[%swap3A_132, %swap3A_133, %swap3A_134], %swap3A_137 {strides = array<i32>} : memref<4x125x64xf32, #tpu.memory_space<vmem>>, vector<1x1x16xf32>,
      %broadcast_in_dim3A_138 = arith.constant 0.000000e+00 : f32
      %broadcast_in_dim3A_139 = vector.broadcast %broadcast_in_dim3A_138 : f32 to vector<16xf32>
      %swap3A_140 = arith.constant 0 : i32
      %swap3A_141 = arith.index_cast %swap3A_140 : i32 to index
      %swap3A_142 = arith.index_cast %scan3A_130 : i32 to index
      %swap3A_143 = arith.constant 16 : index
      %swap3A_144 = tpu.vector_load %arg8[%swap3A_141, %swap3A_142, %swap3A_143] {strides = array<i32>} : memref<4x125x64xf32, #tpu.memory_space<vmem>>, vector<1x1x16xf32>,
      %swap3A_145 = vector.shape_cast %swap3A_144 : vector<1x1x16xf32> to vector<16xf32>
      %swap3A_146 = vector.shape_cast %broadcast_in_dim3A_139 : vector<16xf32> to vector<1x1x16xf32>
      tpu.vector_store %arg8[%swap3A_141, %swap3A_142, %swap3A_143], %swap3A_146 {strides = array<i32>} : memref<4x125x64xf32, #tpu.memory_space<vmem>>, vector<1x1x16xf32>,
      %broadcast_in_dim3A_147 = arith.constant 0.000000e+00 : f32
      %broadcast_in_dim3A_148 = vector.broadcast %broadcast_in_dim3A_147 : f32 to vector<16xf32>
      %swap3A_149 = arith.constant 0 : i32
      %swap3A_150 = arith.index_cast %swap3A_149 : i32 to index
      %swap3A_151 = arith.index_cast %scan3A_130 : i32 to index
      %swap3A_152 = arith.constant 32 : index
      %swap3A_153 = tpu.vector_load %arg8[%swap3A_150, %swap3A_151, %swap3A_152] {strides = array<i32>} : memref<4x125x64xf32, #tpu.memory_space<vmem>>, vector<1x1x16xf32>,
      %swap3A_154 = vector.shape_cast %swap3A_153 : vector<1x1x16xf32> to vector<16xf32>
      %swap3A_155 = vector.shape_cast %broadcast_in_dim3A_148 : vector<16xf32> to vector<1x1x16xf32>
      tpu.vector_store %arg8[%swap3A_150, %swap3A_151, %swap3A_152], %swap3A_155 {strides = array<i32>} : memref<4x125x64xf32, #tpu.memory_space<vmem>>, vector<1x1x16xf32>,
      %broadcast_in_dim3A_156 = arith.constant 0.000000e+00 : f32
      %broadcast_in_dim3A_157 = vector.broadcast %broadcast_in_dim3A_156 : f32 to vector<16xf32>
      %swap3A_158 = arith.constant 0 : i32
      %swap3A_159 = arith.index_cast %swap3A_158 : i32 to index
      %swap3A_160 = arith.index_cast %scan3A_130 : i32 to index
      %swap3A_161 = arith.constant 48 : index
      %swap3A_162 = tpu.vector_load %arg8[%swap3A_159, %swap3A_160, %swap3A_161] {strides = array<i32>} : memref<4x125x64xf32, #tpu.memory_space<vmem>>, vector<1x1x16xf32>,
      %swap3A_163 = vector.shape_cast %swap3A_162 : vector<1x1x16xf32> to vector<16xf32>
      %swap3A_164 = vector.shape_cast %broadcast_in_dim3A_157 : vector<16xf32> to vector<1x1x16xf32>
      tpu.vector_store %arg8[%swap3A_159, %swap3A_160, %swap3A_161], %swap3A_164 {strides = array<i32>} : memref<4x125x64xf32, #tpu.memory_space<vmem>>, vector<1x1x16xf32>,
    }
    %scan3A_5 = arith.constant 125 : i32
    %add3A = arith.constant 0 : i32
    %add3A_6 = arith.addi %mul3A_0, %add3A : i32
    %run_scoped3A = arith.constant 0 : i32
    "tpu.region"() ({
      %run_scoped3A_130 = tpu.sem_alloc : memref<!tpu.dma_semaphore, #tpu.memory_space<semaphore_mem>>
      %dma_start3A_131 = arith.constant 0 : i32
      %dma_start3A_132 = arith.constant 0 : i32
      %dma_start3A_133 = tpu.memref_slice %arg8[%run_scoped3A, %dma_start3A_131, %dma_start3A_132] : memref<4x125x64xf32, #tpu.memory_space<vmem>> -> memref<1x125x64xf32, #tpu.memory_space<vmem>>
      %dma_start3A_134 = tpu.memref_squeeze %dma_start3A_133 : memref<1x125x64xf32, #tpu.memory_space<vmem>> -> memref<125x64xf32, #tpu.memory_space<vmem>>
      %dma_start3A_135 = arith.constant 0 : i32
      %dma_start3A_136 = tpu.memref_slice %arg9[%add3A_6, %dma_start3A_135] : memref<10000x64xf32, #tpu.memory_space<vmem_shared>> -> memref<125x64xf32, #tpu.memory_space<vmem_shared>>
      %dma_start3A_137 = arith.constant 0 : i32
      %dma_start3A_138 = tpu.memref_slice %arg9[%add3A_6, %dma_start3A_137] : memref<10000x64xf32, #tpu.memory_space<vmem_shared>> -> memref<125x64xf32, #tpu.memory_space<vmem_shared>>
      %dma_start3A_139 = arith.constant 0 : i32
      %dma_start3A_140 = arith.constant 0 : i32
      %dma_start3A_141 = tpu.memref_slice %arg8[%run_scoped3A, %dma_start3A_139, %dma_start3A_140] : memref<4x125x64xf32, #tpu.memory_space<vmem>> -> memref<1x125x64xf32, #tpu.memory_space<vmem>>
      %dma_start3A_142 = tpu.memref_squeeze %dma_start3A_141 : memref<1x125x64xf32, #tpu.memory_space<vmem>> -> memref<125x64xf32, #tpu.memory_space<vmem>>
      tpu.enqueue_dma source(%dma_start3A_142 : memref<125x64xf32, #tpu.memory_space<vmem>>) target(%dma_start3A_138 : memref<125x64xf32, #tpu.memory_space<vmem_shared>>) target_semaphore(%run_scoped3A_130 : memref<!tpu.dma_semaphore, #tpu.memory_space<semaphore_mem>>)
      %dma_wait3A_143 = arith.constant 0 : i32
      %dma_wait3A_144 = arith.constant 0 : i32
      %dma_wait3A_145 = tpu.memref_slice %arg8[%run_scoped3A, %dma_wait3A_143, %dma_wait3A_144] : memref<4x125x64xf32, #tpu.memory_space<vmem>> -> memref<1x125x64xf32, #tpu.memory_space<vmem>>
      %dma_wait3A_146 = tpu.memref_squeeze %dma_wait3A_145 : memref<1x125x64xf32, #tpu.memory_space<vmem>> -> memref<125x64xf32, #tpu.memory_space<vmem>>
      %dma_wait3A_147 = arith.constant 0 : i32
      %dma_wait3A_148 = tpu.memref_slice %arg9[%add3A_6, %dma_wait3A_147] : memref<10000x64xf32, #tpu.memory_space<vmem_shared>> -> memref<125x64xf32, #tpu.memory_space<vmem_shared>>
      %dma_wait3A_149 = arith.constant 0 : i32
      %dma_wait3A_150 = tpu.memref_slice %arg9[%add3A_6, %dma_wait3A_149] : memref<10000x64xf32, #tpu.memory_space<vmem_shared>> -> memref<125x64xf32, #tpu.memory_space<vmem_shared>>
      %dma_wait3A_151 = arith.constant 0 : i32
      %dma_wait3A_152 = arith.constant 0 : i32
      %dma_wait3A_153 = tpu.memref_slice %arg8[%run_scoped3A, %dma_wait3A_151, %dma_wait3A_152] : memref<4x125x64xf32, #tpu.memory_space<vmem>> -> memref<1x125x64xf32, #tpu.memory_space<vmem>>
      %dma_wait3A_154 = tpu.memref_squeeze %dma_wait3A_153 : memref<1x125x64xf32, #tpu.memory_space<vmem>> -> memref<125x64xf32, #tpu.memory_space<vmem>>
      tpu.wait_dma2 semaphore(%run_scoped3A_130 : memref<!tpu.dma_semaphore, #tpu.memory_space<semaphore_mem>>) src(%dma_wait3A_154 : memref<125x64xf32, #tpu.memory_space<vmem>>) dst(%dma_wait3A_150 : memref<125x64xf32, #tpu.memory_space<vmem_shared>>)
      tpu.yield
    }) : () -> ()
    %add3A_7 = arith.constant 125 : i32
    %add3A_8 = arith.addi %mul3A_0, %add3A_7 : i32
    %run_scoped3A_9 = arith.constant 0 : i32
    "tpu.region"() ({
      %run_scoped3A_130 = tpu.sem_alloc : memref<!tpu.dma_semaphore, #tpu.memory_space<semaphore_mem>>
      %dma_start3A_131 = arith.constant 0 : i32
      %dma_start3A_132 = arith.constant 0 : i32
      %dma_start3A_133 = tpu.memref_slice %arg8[%run_scoped3A_9, %dma_start3A_131, %dma_start3A_132] : memref<4x125x64xf32, #tpu.memory_space<vmem>> -> memref<1x125x64xf32, #tpu.memory_space<vmem>>
      %dma_start3A_134 = tpu.memref_squeeze %dma_start3A_133 : memref<1x125x64xf32, #tpu.memory_space<vmem>> -> memref<125x64xf32, #tpu.memory_space<vmem>>
      %dma_start3A_135 = arith.constant 0 : i32
      %dma_start3A_136 = tpu.memref_slice %arg9[%add3A_8, %dma_start3A_135] : memref<10000x64xf32, #tpu.memory_space<vmem_shared>> -> memref<125x64xf32, #tpu.memory_space<vmem_shared>>
      %dma_start3A_137 = arith.constant 0 : i32
      %dma_start3A_138 = tpu.memref_slice %arg9[%add3A_8, %dma_start3A_137] : memref<10000x64xf32, #tpu.memory_space<vmem_shared>> -> memref<125x64xf32, #tpu.memory_space<vmem_shared>>
      %dma_start3A_139 = arith.constant 0 : i32
      %dma_start3A_140 = arith.constant 0 : i32
      %dma_start3A_141 = tpu.memref_slice %arg8[%run_scoped3A_9, %dma_start3A_139, %dma_start3A_140] : memref<4x125x64xf32, #tpu.memory_space<vmem>> -> memref<1x125x64xf32, #tpu.memory_space<vmem>>
      %dma_start3A_142 = tpu.memref_squeeze %dma_start3A_141 : memref<1x125x64xf32, #tpu.memory_space<vmem>> -> memref<125x64xf32, #tpu.memory_space<vmem>>
      tpu.enqueue_dma source(%dma_start3A_142 : memref<125x64xf32, #tpu.memory_space<vmem>>) target(%dma_start3A_138 : memref<125x64xf32, #tpu.memory_space<vmem_shared>>) target_semaphore(%run_scoped3A_130 : memref<!tpu.dma_semaphore, #tpu.memory_space<semaphore_mem>>)
      %dma_wait3A_143 = arith.constant 0 : i32
      %dma_wait3A_144 = arith.constant 0 : i32
      %dma_wait3A_145 = tpu.memref_slice %arg8[%run_scoped3A_9, %dma_wait3A_143, %dma_wait3A_144] : memref<4x125x64xf32, #tpu.memory_space<vmem>> -> memref<1x125x64xf32, #tpu.memory_space<vmem>>
      %dma_wait3A_146 = tpu.memref_squeeze %dma_wait3A_145 : memref<1x125x64xf32, #tpu.memory_space<vmem>> -> memref<125x64xf32, #tpu.memory_space<vmem>>
      %dma_wait3A_147 = arith.constant 0 : i32
      %dma_wait3A_148 = tpu.memref_slice %arg9[%add3A_8, %dma_wait3A_147] : memref<10000x64xf32, #tpu.memory_space<vmem_shared>> -> memref<125x64xf32, #tpu.memory_space<vmem_shared>>
      %dma_wait3A_149 = arith.constant 0 : i32
      %dma_wait3A_150 = tpu.memref_slice %arg9[%add3A_8, %dma_wait3A_149] : memref<10000x64xf32, #tpu.memory_space<vmem_shared>> -> memref<125x64xf32, #tpu.memory_space<vmem_shared>>
      %dma_wait3A_151 = arith.constant 0 : i32
      %dma_wait3A_152 = arith.constant 0 : i32
      %dma_wait3A_153 = tpu.memref_slice %arg8[%run_scoped3A_9, %dma_wait3A_151, %dma_wait3A_152] : memref<4x125x64xf32, #tpu.memory_space<vmem>> -> memref<1x125x64xf32, #tpu.memory_space<vmem>>
      %dma_wait3A_154 = tpu.memref_squeeze %dma_wait3A_153 : memref<1x125x64xf32, #tpu.memory_space<vmem>> -> memref<125x64xf32, #tpu.memory_space<vmem>>
      tpu.wait_dma2 semaphore(%run_scoped3A_130 : memref<!tpu.dma_semaphore, #tpu.memory_space<semaphore_mem>>) src(%dma_wait3A_154 : memref<125x64xf32, #tpu.memory_space<vmem>>) dst(%dma_wait3A_150 : memref<125x64xf32, #tpu.memory_space<vmem_shared>>)
      tpu.yield
    }) : () -> ()
    %add3A_10 = arith.constant 250 : i32
    %add3A_11 = arith.addi %mul3A_0, %add3A_10 : i32
    %run_scoped3A_12 = arith.constant 0 : i32
    "tpu.region"() ({
      %run_scoped3A_130 = tpu.sem_alloc : memref<!tpu.dma_semaphore, #tpu.memory_space<semaphore_mem>>
      %dma_start3A_131 = arith.constant 0 : i32
      %dma_start3A_132 = arith.constant 0 : i32
      %dma_start3A_133 = tpu.memref_slice %arg8[%run_scoped3A_12, %dma_start3A_131, %dma_start3A_132] : memref<4x125x64xf32, #tpu.memory_space<vmem>> -> memref<1x125x64xf32, #tpu.memory_space<vmem>>
      %dma_start3A_134 = tpu.memref_squeeze %dma_start3A_133 : memref<1x125x64xf32, #tpu.memory_space<vmem>> -> memref<125x64xf32, #tpu.memory_space<vmem>>
      %dma_start3A_135 = arith.constant 0 : i32
      %dma_start3A_136 = tpu.memref_slice %arg9[%add3A_11, %dma_start3A_135] : memref<10000x64xf32, #tpu.memory_space<vmem_shared>> -> memref<125x64xf32, #tpu.memory_space<vmem_shared>>
      %dma_start3A_137 = arith.constant 0 : i32
      %dma_start3A_138 = tpu.memref_slice %arg9[%add3A_11, %dma_start3A_137] : memref<10000x64xf32, #tpu.memory_space<vmem_shared>> -> memref<125x64xf32, #tpu.memory_space<vmem_shared>>
      %dma_start3A_139 = arith.constant 0 : i32
      %dma_start3A_140 = arith.constant 0 : i32
      %dma_start3A_141 = tpu.memref_slice %arg8[%run_scoped3A_12, %dma_start3A_139, %dma_start3A_140] : memref<4x125x64xf32, #tpu.memory_space<vmem>> -> memref<1x125x64xf32, #tpu.memory_space<vmem>>
      %dma_start3A_142 = tpu.memref_squeeze %dma_start3A_141 : memref<1x125x64xf32, #tpu.memory_space<vmem>> -> memref<125x64xf32, #tpu.memory_space<vmem>>
      tpu.enqueue_dma source(%dma_start3A_142 : memref<125x64xf32, #tpu.memory_space<vmem>>) target(%dma_start3A_138 : memref<125x64xf32, #tpu.memory_space<vmem_shared>>) target_semaphore(%run_scoped3A_130 : memref<!tpu.dma_semaphore, #tpu.memory_space<semaphore_mem>>)
      %dma_wait3A_143 = arith.constant 0 : i32
      %dma_wait3A_144 = arith.constant 0 : i32
      %dma_wait3A_145 = tpu.memref_slice %arg8[%run_scoped3A_12, %dma_wait3A_143, %dma_wait3A_144] : memref<4x125x64xf32, #tpu.memory_space<vmem>> -> memref<1x125x64xf32, #tpu.memory_space<vmem>>
      %dma_wait3A_146 = tpu.memref_squeeze %dma_wait3A_145 : memref<1x125x64xf32, #tpu.memory_space<vmem>> -> memref<125x64xf32, #tpu.memory_space<vmem>>
      %dma_wait3A_147 = arith.constant 0 : i32
      %dma_wait3A_148 = tpu.memref_slice %arg9[%add3A_11, %dma_wait3A_147] : memref<10000x64xf32, #tpu.memory_space<vmem_shared>> -> memref<125x64xf32, #tpu.memory_space<vmem_shared>>
      %dma_wait3A_149 = arith.constant 0 : i32
      %dma_wait3A_150 = tpu.memref_slice %arg9[%add3A_11, %dma_wait3A_149] : memref<10000x64xf32, #tpu.memory_space<vmem_shared>> -> memref<125x64xf32, #tpu.memory_space<vmem_shared>>
      %dma_wait3A_151 = arith.constant 0 : i32
      %dma_wait3A_152 = arith.constant 0 : i32
      %dma_wait3A_153 = tpu.memref_slice %arg8[%run_scoped3A_12, %dma_wait3A_151, %dma_wait3A_152] : memref<4x125x64xf32, #tpu.memory_space<vmem>> -> memref<1x125x64xf32, #tpu.memory_space<vmem>>
      %dma_wait3A_154 = tpu.memref_squeeze %dma_wait3A_153 : memref<1x125x64xf32, #tpu.memory_space<vmem>> -> memref<125x64xf32, #tpu.memory_space<vmem>>
      tpu.wait_dma2 semaphore(%run_scoped3A_130 : memref<!tpu.dma_semaphore, #tpu.memory_space<semaphore_mem>>) src(%dma_wait3A_154 : memref<125x64xf32, #tpu.memory_space<vmem>>) dst(%dma_wait3A_150 : memref<125x64xf32, #tpu.memory_space<vmem_shared>>)
      tpu.yield
    }) : () -> ()
    %add3A_13 = arith.constant 375 : i32
    %add3A_14 = arith.addi %mul3A_0, %add3A_13 : i32
    %run_scoped3A_15 = arith.constant 0 : i32
    "tpu.region"() ({
      %run_scoped3A_130 = tpu.sem_alloc : memref<!tpu.dma_semaphore, #tpu.memory_space<semaphore_mem>>
      %dma_start3A_131 = arith.constant 0 : i32
      %dma_start3A_132 = arith.constant 0 : i32
      %dma_start3A_133 = tpu.memref_slice %arg8[%run_scoped3A_15, %dma_start3A_131, %dma_start3A_132] : memref<4x125x64xf32, #tpu.memory_space<vmem>> -> memref<1x125x64xf32, #tpu.memory_space<vmem>>
      %dma_start3A_134 = tpu.memref_squeeze %dma_start3A_133 : memref<1x125x64xf32, #tpu.memory_space<vmem>> -> memref<125x64xf32, #tpu.memory_space<vmem>>
      %dma_start3A_135 = arith.constant 0 : i32
      %dma_start3A_136 = tpu.memref_slice %arg9[%add3A_14, %dma_start3A_135] : memref<10000x64xf32, #tpu.memory_space<vmem_shared>> -> memref<125x64xf32, #tpu.memory_space<vmem_shared>>
      %dma_start3A_137 = arith.constant 0 : i32
      %dma_start3A_138 = tpu.memref_slice %arg9[%add3A_14, %dma_start3A_137] : memref<10000x64xf32, #tpu.memory_space<vmem_shared>> -> memref<125x64xf32, #tpu.memory_space<vmem_shared>>
      %dma_start3A_139 = arith.constant 0 : i32
      %dma_start3A_140 = arith.constant 0 : i32
      %dma_start3A_141 = tpu.memref_slice %arg8[%run_scoped3A_15, %dma_start3A_139, %dma_start3A_140] : memref<4x125x64xf32, #tpu.memory_space<vmem>> -> memref<1x125x64xf32, #tpu.memory_space<vmem>>
      %dma_start3A_142 = tpu.memref_squeeze %dma_start3A_141 : memref<1x125x64xf32, #tpu.memory_space<vmem>> -> memref<125x64xf32, #tpu.memory_space<vmem>>
      tpu.enqueue_dma source(%dma_start3A_142 : memref<125x64xf32, #tpu.memory_space<vmem>>) target(%dma_start3A_138 : memref<125x64xf32, #tpu.memory_space<vmem_shared>>) target_semaphore(%run_scoped3A_130 : memref<!tpu.dma_semaphore, #tpu.memory_space<semaphore_mem>>)
      %dma_wait3A_143 = arith.constant 0 : i32
      %dma_wait3A_144 = arith.constant 0 : i32
      %dma_wait3A_145 = tpu.memref_slice %arg8[%run_scoped3A_15, %dma_wait3A_143, %dma_wait3A_144] : memref<4x125x64xf32, #tpu.memory_space<vmem>> -> memref<1x125x64xf32, #tpu.memory_space<vmem>>
      %dma_wait3A_146 = tpu.memref_squeeze %dma_wait3A_145 : memref<1x125x64xf32, #tpu.memory_space<vmem>> -> memref<125x64xf32, #tpu.memory_space<vmem>>
      %dma_wait3A_147 = arith.constant 0 : i32
      %dma_wait3A_148 = tpu.memref_slice %arg9[%add3A_14, %dma_wait3A_147] : memref<10000x64xf32, #tpu.memory_space<vmem_shared>> -> memref<125x64xf32, #tpu.memory_space<vmem_shared>>
      %dma_wait3A_149 = arith.constant 0 : i32
      %dma_wait3A_150 = tpu.memref_slice %arg9[%add3A_14, %dma_wait3A_149] : memref<10000x64xf32, #tpu.memory_space<vmem_shared>> -> memref<125x64xf32, #tpu.memory_space<vmem_shared>>
      %dma_wait3A_151 = arith.constant 0 : i32
      %dma_wait3A_152 = arith.constant 0 : i32
      %dma_wait3A_153 = tpu.memref_slice %arg8[%run_scoped3A_15, %dma_wait3A_151, %dma_wait3A_152] : memref<4x125x64xf32, #tpu.memory_space<vmem>> -> memref<1x125x64xf32, #tpu.memory_space<vmem>>
      %dma_wait3A_154 = tpu.memref_squeeze %dma_wait3A_153 : memref<1x125x64xf32, #tpu.memory_space<vmem>> -> memref<125x64xf32, #tpu.memory_space<vmem>>
      tpu.wait_dma2 semaphore(%run_scoped3A_130 : memref<!tpu.dma_semaphore, #tpu.memory_space<semaphore_mem>>) src(%dma_wait3A_154 : memref<125x64xf32, #tpu.memory_space<vmem>>) dst(%dma_wait3A_150 : memref<125x64xf32, #tpu.memory_space<vmem_shared>>)
      tpu.yield
    }) : () -> ()
    %add3A_16 = arith.constant 500 : i32
    %add3A_17 = arith.addi %mul3A_0, %add3A_16 : i32
    %run_scoped3A_18 = arith.constant 0 : i32
    "tpu.region"() ({
      %run_scoped3A_130 = tpu.sem_alloc : memref<!tpu.dma_semaphore, #tpu.memory_space<semaphore_mem>>
      %dma_start3A_131 = arith.constant 0 : i32
      %dma_start3A_132 = arith.constant 0 : i32
      %dma_start3A_133 = tpu.memref_slice %arg8[%run_scoped3A_18, %dma_start3A_131, %dma_start3A_132] : memref<4x125x64xf32, #tpu.memory_space<vmem>> -> memref<1x125x64xf32, #tpu.memory_space<vmem>>
      %dma_start3A_134 = tpu.memref_squeeze %dma_start3A_133 : memref<1x125x64xf32, #tpu.memory_space<vmem>> -> memref<125x64xf32, #tpu.memory_space<vmem>>
      %dma_start3A_135 = arith.constant 0 : i32
      %dma_start3A_136 = tpu.memref_slice %arg9[%add3A_17, %dma_start3A_135] : memref<10000x64xf32, #tpu.memory_space<vmem_shared>> -> memref<125x64xf32, #tpu.memory_space<vmem_shared>>
      %dma_start3A_137 = arith.constant 0 : i32
      %dma_start3A_138 = tpu.memref_slice %arg9[%add3A_17, %dma_start3A_137] : memref<10000x64xf32, #tpu.memory_space<vmem_shared>> -> memref<125x64xf32, #tpu.memory_space<vmem_shared>>
      %dma_start3A_139 = arith.constant 0 : i32
      %dma_start3A_140 = arith.constant 0 : i32
      %dma_start3A_141 = tpu.memref_slice %arg8[%run_scoped3A_18, %dma_start3A_139, %dma_start3A_140] : memref<4x125x64xf32, #tpu.memory_space<vmem>> -> memref<1x125x64xf32, #tpu.memory_space<vmem>>
      %dma_start3A_142 = tpu.memref_squeeze %dma_start3A_141 : memref<1x125x64xf32, #tpu.memory_space<vmem>> -> memref<125x64xf32, #tpu.memory_space<vmem>>
      tpu.enqueue_dma source(%dma_start3A_142 : memref<125x64xf32, #tpu.memory_space<vmem>>) target(%dma_start3A_138 : memref<125x64xf32, #tpu.memory_space<vmem_shared>>) target_semaphore(%run_scoped3A_130 : memref<!tpu.dma_semaphore, #tpu.memory_space<semaphore_mem>>)
      %dma_wait3A_143 = arith.constant 0 : i32
      %dma_wait3A_144 = arith.constant 0 : i32
      %dma_wait3A_145 = tpu.memref_slice %arg8[%run_scoped3A_18, %dma_wait3A_143, %dma_wait3A_144] : memref<4x125x64xf32, #tpu.memory_space<vmem>> -> memref<1x125x64xf32, #tpu.memory_space<vmem>>
      %dma_wait3A_146 = tpu.memref_squeeze %dma_wait3A_145 : memref<1x125x64xf32, #tpu.memory_space<vmem>> -> memref<125x64xf32, #tpu.memory_space<vmem>>
      %dma_wait3A_147 = arith.constant 0 : i32
      %dma_wait3A_148 = tpu.memref_slice %arg9[%add3A_17, %dma_wait3A_147] : memref<10000x64xf32, #tpu.memory_space<vmem_shared>> -> memref<125x64xf32, #tpu.memory_space<vmem_shared>>
      %dma_wait3A_149 = arith.constant 0 : i32
      %dma_wait3A_150 = tpu.memref_slice %arg9[%add3A_17, %dma_wait3A_149] : memref<10000x64xf32, #tpu.memory_space<vmem_shared>> -> memref<125x64xf32, #tpu.memory_space<vmem_shared>>
      %dma_wait3A_151 = arith.constant 0 : i32
      %dma_wait3A_152 = arith.constant 0 : i32
      %dma_wait3A_153 = tpu.memref_slice %arg8[%run_scoped3A_18, %dma_wait3A_151, %dma_wait3A_152] : memref<4x125x64xf32, #tpu.memory_space<vmem>> -> memref<1x125x64xf32, #tpu.memory_space<vmem>>
      %dma_wait3A_154 = tpu.memref_squeeze %dma_wait3A_153 : memref<1x125x64xf32, #tpu.memory_space<vmem>> -> memref<125x64xf32, #tpu.memory_space<vmem>>
      tpu.wait_dma2 semaphore(%run_scoped3A_130 : memref<!tpu.dma_semaphore, #tpu.memory_space<semaphore_mem>>) src(%dma_wait3A_154 : memref<125x64xf32, #tpu.memory_space<vmem>>) dst(%dma_wait3A_150 : memref<125x64xf32, #tpu.memory_space<vmem_shared>>)
      tpu.yield
    }) : () -> ()
    "tpu.region"() ({
      %run_scoped3A_130 = tpu.sem_alloc : memref<!tpu.dma_semaphore, #tpu.memory_space<semaphore_mem>>
      %dma_start3A_131 = arith.constant 0 : i32
      %dma_start3A_132 = arith.constant 0 : i32
      %dma_start3A_133 = tpu.memref_slice %arg3[%arg0, %arg1, %dma_start3A_131, %dma_start3A_132] : memref<2x16x160x125xi32, #tpu.memory_space<hbm>> -> memref<1x1x160x125xi32, #tpu.memory_space<hbm>>
      %dma_start3A_134 = tpu.memref_squeeze %dma_start3A_133 : memref<1x1x160x125xi32, #tpu.memory_space<hbm>> -> memref<160x125xi32, #tpu.memory_space<hbm>>
      %dma_start3A_135 = arith.constant 0 : i32
      %dma_start3A_136 = arith.constant 0 : i32
      %dma_start3A_137 = tpu.memref_slice %arg3[%arg0, %arg1, %dma_start3A_135, %dma_start3A_136] : memref<2x16x160x125xi32, #tpu.memory_space<hbm>> -> memref<1x1x160x125xi32, #tpu.memory_space<hbm>>
      %dma_start3A_138 = tpu.memref_squeeze %dma_start3A_137 : memref<1x1x160x125xi32, #tpu.memory_space<hbm>> -> memref<160x125xi32, #tpu.memory_space<hbm>>
      tpu.enqueue_dma source(%dma_start3A_138 : memref<160x125xi32, #tpu.memory_space<hbm>>) target(%arg6 : memref<160x125xi32, #tpu.memory_space<vmem>>) target_semaphore(%run_scoped3A_130 : memref<!tpu.dma_semaphore, #tpu.memory_space<semaphore_mem>>)
      %dma_wait3A_139 = arith.constant 0 : i32
      %dma_wait3A_140 = arith.constant 0 : i32
      %dma_wait3A_141 = tpu.memref_slice %arg3[%arg0, %arg1, %dma_wait3A_139, %dma_wait3A_140] : memref<2x16x160x125xi32, #tpu.memory_space<hbm>> -> memref<1x1x160x125xi32, #tpu.memory_space<hbm>>
      %dma_wait3A_142 = tpu.memref_squeeze %dma_wait3A_141 : memref<1x1x160x125xi32, #tpu.memory_space<hbm>> -> memref<160x125xi32, #tpu.memory_space<hbm>>
      %dma_wait3A_143 = arith.constant 0 : i32
      %dma_wait3A_144 = arith.constant 0 : i32
      %dma_wait3A_145 = tpu.memref_slice %arg3[%arg0, %arg1, %dma_wait3A_143, %dma_wait3A_144] : memref<2x16x160x125xi32, #tpu.memory_space<hbm>> -> memref<1x1x160x125xi32, #tpu.memory_space<hbm>>
      %dma_wait3A_146 = tpu.memref_squeeze %dma_wait3A_145 : memref<1x1x160x125xi32, #tpu.memory_space<hbm>> -> memref<160x125xi32, #tpu.memory_space<hbm>>
      tpu.wait_dma2 semaphore(%run_scoped3A_130 : memref<!tpu.dma_semaphore, #tpu.memory_space<semaphore_mem>>) src(%dma_wait3A_146 : memref<160x125xi32, #tpu.memory_space<hbm>>) dst(%arg6 : memref<160x125xi32, #tpu.memory_space<vmem>>)
      tpu.yield
    }) : () -> ()
    "tpu.region"() ({
      %run_scoped3A_130 = tpu.sem_alloc : memref<!tpu.dma_semaphore, #tpu.memory_space<semaphore_mem>>
      %dma_start3A_131 = arith.constant 0 : i32
      %dma_start3A_132 = arith.constant 0 : i32
      %dma_start3A_133 = tpu.memref_slice %arg4[%arg1, %dma_start3A_131, %dma_start3A_132] : memref<16x160x125xi32, #tpu.memory_space<hbm>> -> memref<1x160x125xi32, #tpu.memory_space<hbm>>
      %dma_start3A_134 = tpu.memref_squeeze %dma_start3A_133 : memref<1x160x125xi32, #tpu.memory_space<hbm>> -> memref<160x125xi32, #tpu.memory_space<hbm>>
      %dma_start3A_135 = arith.constant 0 : i32
      %dma_start3A_136 = arith.constant 0 : i32
      %dma_start3A_137 = tpu.memref_slice %arg4[%arg1, %dma_start3A_135, %dma_start3A_136] : memref<16x160x125xi32, #tpu.memory_space<hbm>> -> memref<1x160x125xi32, #tpu.memory_space<hbm>>
      %dma_start3A_138 = tpu.memref_squeeze %dma_start3A_137 : memref<1x160x125xi32, #tpu.memory_space<hbm>> -> memref<160x125xi32, #tpu.memory_space<hbm>>
      tpu.enqueue_dma source(%dma_start3A_138 : memref<160x125xi32, #tpu.memory_space<hbm>>) target(%arg7 : memref<160x125xi32, #tpu.memory_space<vmem>>) target_semaphore(%run_scoped3A_130 : memref<!tpu.dma_semaphore, #tpu.memory_space<semaphore_mem>>)
      %dma_wait3A_139 = arith.constant 0 : i32
      %dma_wait3A_140 = arith.constant 0 : i32
      %dma_wait3A_141 = tpu.memref_slice %arg4[%arg1, %dma_wait3A_139, %dma_wait3A_140] : memref<16x160x125xi32, #tpu.memory_space<hbm>> -> memref<1x160x125xi32, #tpu.memory_space<hbm>>
      %dma_wait3A_142 = tpu.memref_squeeze %dma_wait3A_141 : memref<1x160x125xi32, #tpu.memory_space<hbm>> -> memref<160x125xi32, #tpu.memory_space<hbm>>
      %dma_wait3A_143 = arith.constant 0 : i32
      %dma_wait3A_144 = arith.constant 0 : i32
      %dma_wait3A_145 = tpu.memref_slice %arg4[%arg1, %dma_wait3A_143, %dma_wait3A_144] : memref<16x160x125xi32, #tpu.memory_space<hbm>> -> memref<1x160x125xi32, #tpu.memory_space<hbm>>
      %dma_wait3A_146 = tpu.memref_squeeze %dma_wait3A_145 : memref<1x160x125xi32, #tpu.memory_space<hbm>> -> memref<160x125xi32, #tpu.memory_space<hbm>>
      tpu.wait_dma2 semaphore(%run_scoped3A_130 : memref<!tpu.dma_semaphore, #tpu.memory_space<semaphore_mem>>) src(%dma_wait3A_146 : memref<160x125xi32, #tpu.memory_space<hbm>>) dst(%arg7 : memref<160x125xi32, #tpu.memory_space<vmem>>)
      tpu.yield
    }) : () -> ()
    %barrier3A = arith.constant 0 : index
    tpu.barrier barrier_id(%barrier3A)
    %dma_start3A = arith.constant 0 : i32
    %dma_start3A_19 = arith.constant 0 : i32
    %dma_start3A_20 = arith.constant 0 : i32
    %dma_start3A_21 = arith.constant 0 : i32
    %dma_start3A_22 = tpu.memref_slice %arg8[%dma_start3A_19, %dma_start3A_20, %dma_start3A_21] : memref<4x125x64xf32, #tpu.memory_space<vmem>> -> memref<1x125x64xf32, #tpu.memory_space<vmem>>
    %dma_start3A_23 = tpu.memref_squeeze %dma_start3A_22 : memref<1x125x64xf32, #tpu.memory_space<vmem>> -> memref<125x64xf32, #tpu.memory_space<vmem>>
    %dma_start3A_24 = arith.constant 0 : i32
    %dma_start3A_25 = tpu.memref_slice %arg6[%dma_start3A, %dma_start3A_24] : memref<160x125xi32, #tpu.memory_space<vmem>> -> memref<1x125xi32, #tpu.memory_space<vmem>>
    %dma_start3A_26 = tpu.memref_squeeze %dma_start3A_25 : memref<1x125xi32, #tpu.memory_space<vmem>> -> memref<125xi32, #tpu.memory_space<vmem>>
    %dma_start3A_27 = arith.constant 0 : i32
    %dma_start3A_28 = arith.constant 0 : i32
    %dma_start3A_29 = tpu.memref_slice %arg2[%dma_start3A_27, %dma_start3A_28] : memref<20000x64xf32, #tpu.memory_space<hbm>> -> memref<20000x64xf32, #tpu.memory_space<hbm>>
    tpu.enqueue_indirect_dma source(%dma_start3A_29 : memref<20000x64xf32, #tpu.memory_space<hbm>>) target(%dma_start3A_23 : memref<125x64xf32, #tpu.memory_space<vmem>>) offsets(%dma_start3A_26 : memref<125xi32, #tpu.memory_space<vmem>>) semaphore(%arg10 : memref<!tpu.dma_semaphore, #tpu.memory_space<semaphore_mem>>)
    %dma_start3A_30 = arith.constant 1 : i32
    %dma_start3A_31 = arith.constant 1 : i32
    %dma_start3A_32 = arith.constant 0 : i32
    %dma_start3A_33 = arith.constant 0 : i32
    %dma_start3A_34 = tpu.memref_slice %arg8[%dma_start3A_31, %dma_start3A_32, %dma_start3A_33] : memref<4x125x64xf32, #tpu.memory_space<vmem>> -> memref<1x125x64xf32, #tpu.memory_space<vmem>>
    %dma_start3A_35 = tpu.memref_squeeze %dma_start3A_34 : memref<1x125x64xf32, #tpu.memory_space<vmem>> -> memref<125x64xf32, #tpu.memory_space<vmem>>
    %dma_start3A_36 = arith.constant 0 : i32
    %dma_start3A_37 = tpu.memref_slice %arg6[%dma_start3A_30, %dma_start3A_36] : memref<160x125xi32, #tpu.memory_space<vmem>> -> memref<1x125xi32, #tpu.memory_space<vmem>>
    %dma_start3A_38 = tpu.memref_squeeze %dma_start3A_37 : memref<1x125xi32, #tpu.memory_space<vmem>> -> memref<125xi32, #tpu.memory_space<vmem>>
    %dma_start3A_39 = arith.constant 0 : i32
    %dma_start3A_40 = arith.constant 0 : i32
    %dma_start3A_41 = tpu.memref_slice %arg2[%dma_start3A_39, %dma_start3A_40] : memref<20000x64xf32, #tpu.memory_space<hbm>> -> memref<20000x64xf32, #tpu.memory_space<hbm>>
    tpu.enqueue_indirect_dma source(%dma_start3A_41 : memref<20000x64xf32, #tpu.memory_space<hbm>>) target(%dma_start3A_35 : memref<125x64xf32, #tpu.memory_space<vmem>>) offsets(%dma_start3A_38 : memref<125xi32, #tpu.memory_space<vmem>>) semaphore(%arg11 : memref<!tpu.dma_semaphore, #tpu.memory_space<semaphore_mem>>)
    %dma_start3A_42 = arith.constant 2 : i32
    %dma_start3A_43 = arith.constant 2 : i32
    %dma_start3A_44 = arith.constant 0 : i32
    %dma_start3A_45 = arith.constant 0 : i32
    %dma_start3A_46 = tpu.memref_slice %arg8[%dma_start3A_43, %dma_start3A_44, %dma_start3A_45] : memref<4x125x64xf32, #tpu.memory_space<vmem>> -> memref<1x125x64xf32, #tpu.memory_space<vmem>>
    %dma_start3A_47 = tpu.memref_squeeze %dma_start3A_46 : memref<1x125x64xf32, #tpu.memory_space<vmem>> -> memref<125x64xf32, #tpu.memory_space<vmem>>
    %dma_start3A_48 = arith.constant 0 : i32
    %dma_start3A_49 = tpu.memref_slice %arg6[%dma_start3A_42, %dma_start3A_48] : memref<160x125xi32, #tpu.memory_space<vmem>> -> memref<1x125xi32, #tpu.memory_space<vmem>>
    %dma_start3A_50 = tpu.memref_squeeze %dma_start3A_49 : memref<1x125xi32, #tpu.memory_space<vmem>> -> memref<125xi32, #tpu.memory_space<vmem>>
    %dma_start3A_51 = arith.constant 0 : i32
    %dma_start3A_52 = arith.constant 0 : i32
    %dma_start3A_53 = tpu.memref_slice %arg2[%dma_start3A_51, %dma_start3A_52] : memref<20000x64xf32, #tpu.memory_space<hbm>> -> memref<20000x64xf32, #tpu.memory_space<hbm>>
    tpu.enqueue_indirect_dma source(%dma_start3A_53 : memref<20000x64xf32, #tpu.memory_space<hbm>>) target(%dma_start3A_47 : memref<125x64xf32, #tpu.memory_space<vmem>>) offsets(%dma_start3A_50 : memref<125xi32, #tpu.memory_space<vmem>>) semaphore(%arg12 : memref<!tpu.dma_semaphore, #tpu.memory_space<semaphore_mem>>)
    %scan3A_54 = arith.constant 0 : i32
    %scan3A_55 = arith.constant 0 : i32
    %scan3A_56 = arith.constant 39 : i32
    %scan3A_57 = arith.addi %scan3A_55, %scan3A_56 : i32
    %scan3A_58 = arith.constant 1 : i32
    scf.for %scan3A_130 = %scan3A_55 to %scan3A_57 step %scan3A_58  : i32 {
      %mul3A_131 = arith.constant 4 : i32
      %mul3A_132 = arith.muli %mul3A_131, %scan3A_130 : i32
      %add3A_133 = arith.constant 0 : i32
      %add3A_134 = arith.addi %mul3A_132, %add3A_133 : i32
      %add3A_135 = arith.constant 3 : i32
      %add3A_136 = arith.addi %add3A_134, %add3A_135 : i32
      %dma_start3A_137 = arith.constant 3 : i32
      %dma_start3A_138 = arith.constant 0 : i32
      %dma_start3A_139 = arith.constant 0 : i32
      %dma_start3A_140 = tpu.memref_slice %arg8[%dma_start3A_137, %dma_start3A_138, %dma_start3A_139] : memref<4x125x64xf32, #tpu.memory_space<vmem>> -> memref<1x125x64xf32, #tpu.memory_space<vmem>>
      %dma_start3A_141 = tpu.memref_squeeze %dma_start3A_140 : memref<1x125x64xf32, #tpu.memory_space<vmem>> -> memref<125x64xf32, #tpu.memory_space<vmem>>
      %dma_start3A_142 = arith.constant 0 : i32
      %dma_start3A_143 = tpu.memref_slice %arg6[%add3A_136, %dma_start3A_142] : memref<160x125xi32, #tpu.memory_space<vmem>> -> memref<1x125xi32, #tpu.memory_space<vmem>>
      %dma_start3A_144 = tpu.memref_squeeze %dma_start3A_143 : memref<1x125xi32, #tpu.memory_space<vmem>> -> memref<125xi32, #tpu.memory_space<vmem>>
      %dma_start3A_145 = arith.constant 0 : i32
      %dma_start3A_146 = arith.constant 0 : i32
      %dma_start3A_147 = tpu.memref_slice %arg2[%dma_start3A_145, %dma_start3A_146] : memref<20000x64xf32, #tpu.memory_space<hbm>> -> memref<20000x64xf32, #tpu.memory_space<hbm>>
      tpu.enqueue_indirect_dma source(%dma_start3A_147 : memref<20000x64xf32, #tpu.memory_space<hbm>>) target(%dma_start3A_141 : memref<125x64xf32, #tpu.memory_space<vmem>>) offsets(%dma_start3A_144 : memref<125xi32, #tpu.memory_space<vmem>>) semaphore(%arg13 : memref<!tpu.dma_semaphore, #tpu.memory_space<semaphore_mem>>)
      %dma_wait3A_148 = arith.constant 0 : i32
      %dma_wait3A_149 = arith.constant 0 : i32
      %dma_wait3A_150 = arith.constant 0 : i32
      %dma_wait3A_151 = tpu.memref_slice %arg8[%dma_wait3A_148, %dma_wait3A_149, %dma_wait3A_150] : memref<4x125x64xf32, #tpu.memory_space<vmem>> -> memref<1x125x64xf32, #tpu.memory_space<vmem>>
      %dma_wait3A_152 = tpu.memref_squeeze %dma_wait3A_151 : memref<1x125x64xf32, #tpu.memory_space<vmem>> -> memref<125x64xf32, #tpu.memory_space<vmem>>
      %dma_wait3A_153 = arith.constant 0 : i32
      %dma_wait3A_154 = tpu.memref_slice %arg6[%add3A_134, %dma_wait3A_153] : memref<160x125xi32, #tpu.memory_space<vmem>> -> memref<1x125xi32, #tpu.memory_space<vmem>>
      %dma_wait3A_155 = tpu.memref_squeeze %dma_wait3A_154 : memref<1x125xi32, #tpu.memory_space<vmem>> -> memref<125xi32, #tpu.memory_space<vmem>>
      %dma_wait3A_156 = arith.constant 0 : i32
      %dma_wait3A_157 = arith.constant 0 : i32
      %dma_wait3A_158 = tpu.memref_slice %arg2[%dma_wait3A_156, %dma_wait3A_157] : memref<20000x64xf32, #tpu.memory_space<hbm>> -> memref<20000x64xf32, #tpu.memory_space<hbm>>
      tpu.wait_indirect_dma semaphore(%arg10 : memref<!tpu.dma_semaphore, #tpu.memory_space<semaphore_mem>>) src(%dma_wait3A_158 : memref<20000x64xf32, #tpu.memory_space<hbm>>) dst(%dma_wait3A_152 : memref<125x64xf32, #tpu.memory_space<vmem>>)
      %run_scoped3A_159 = arith.constant 0 : i32
      "tpu.region"() ({
        %run_scoped3A_247 = tpu.sem_alloc : memref<!tpu.dma_semaphore, #tpu.memory_space<semaphore_mem>>
        %dma_start3A_248 = arith.constant 0 : i32
        %dma_start3A_249 = arith.constant 0 : i32
        %dma_start3A_250 = tpu.memref_slice %arg8[%run_scoped3A_159, %dma_start3A_248, %dma_start3A_249] : memref<4x125x64xf32, #tpu.memory_space<vmem>> -> memref<1x125x64xf32, #tpu.memory_space<vmem>>
        %dma_start3A_251 = tpu.memref_squeeze %dma_start3A_250 : memref<1x125x64xf32, #tpu.memory_space<vmem>> -> memref<125x64xf32, #tpu.memory_space<vmem>>
        %dma_start3A_252 = arith.constant 0 : i32
        %dma_start3A_253 = tpu.memref_slice %arg7[%add3A_134, %dma_start3A_252] : memref<160x125xi32, #tpu.memory_space<vmem>> -> memref<1x125xi32, #tpu.memory_space<vmem>>
        %dma_start3A_254 = tpu.memref_squeeze %dma_start3A_253 : memref<1x125xi32, #tpu.memory_space<vmem>> -> memref<125xi32, #tpu.memory_space<vmem>>
        %dma_start3A_255 = arith.constant 0 : i32
        %dma_start3A_256 = arith.constant 0 : i32
        %dma_start3A_257 = tpu.memref_slice %arg9[%dma_start3A_255, %dma_start3A_256] : memref<10000x64xf32, #tpu.memory_space<vmem_shared>> -> memref<10000x64xf32, #tpu.memory_space<vmem_shared>>
        tpu.enqueue_indirect_dma source(%dma_start3A_251 : memref<125x64xf32, #tpu.memory_space<vmem>>) target(%dma_start3A_257 : memref<10000x64xf32, #tpu.memory_space<vmem_shared>>) offsets(%dma_start3A_254 : memref<125xi32, #tpu.memory_space<vmem>>) semaphore(%run_scoped3A_247 : memref<!tpu.dma_semaphore, #tpu.memory_space<semaphore_mem>>) {add = true}
        %dma_wait3A_258 = arith.constant 0 : i32
        %dma_wait3A_259 = arith.constant 0 : i32
        %dma_wait3A_260 = tpu.memref_slice %arg8[%run_scoped3A_159, %dma_wait3A_258, %dma_wait3A_259] : memref<4x125x64xf32, #tpu.memory_space<vmem>> -> memref<1x125x64xf32, #tpu.memory_space<vmem>>
        %dma_wait3A_261 = tpu.memref_squeeze %dma_wait3A_260 : memref<1x125x64xf32, #tpu.memory_space<vmem>> -> memref<125x64xf32, #tpu.memory_space<vmem>>
        %dma_wait3A_262 = arith.constant 0 : i32
        %dma_wait3A_263 = tpu.memref_slice %arg7[%add3A_134, %dma_wait3A_262] : memref<160x125xi32, #tpu.memory_space<vmem>> -> memref<1x125xi32, #tpu.memory_space<vmem>>
        %dma_wait3A_264 = tpu.memref_squeeze %dma_wait3A_263 : memref<1x125xi32, #tpu.memory_space<vmem>> -> memref<125xi32, #tpu.memory_space<vmem>>
        %dma_wait3A_265 = arith.constant 0 : i32
        %dma_wait3A_266 = arith.constant 0 : i32
        %dma_wait3A_267 = tpu.memref_slice %arg9[%dma_wait3A_265, %dma_wait3A_266] : memref<10000x64xf32, #tpu.memory_space<vmem_shared>> -> memref<10000x64xf32, #tpu.memory_space<vmem_shared>>
        tpu.wait_indirect_dma semaphore(%run_scoped3A_247 : memref<!tpu.dma_semaphore, #tpu.memory_space<semaphore_mem>>) src(%dma_wait3A_261 : memref<125x64xf32, #tpu.memory_space<vmem>>) dst(%dma_wait3A_267 : memref<10000x64xf32, #tpu.memory_space<vmem_shared>>)
        tpu.yield
      }) : () -> ()
      %mul3A_160 = arith.constant 4 : i32
      %mul3A_161 = arith.muli %mul3A_160, %scan3A_130 : i32
      %add3A_162 = arith.constant 1 : i32
      %add3A_163 = arith.addi %mul3A_161, %add3A_162 : i32
      %add3A_164 = arith.constant 3 : i32
      %add3A_165 = arith.addi %add3A_163, %add3A_164 : i32
      %dma_start3A_166 = arith.constant 0 : i32
      %dma_start3A_167 = arith.constant 0 : i32
      %dma_start3A_168 = arith.constant 0 : i32
      %dma_start3A_169 = tpu.memref_slice %arg8[%dma_start3A_166, %dma_start3A_167, %dma_start3A_168] : memref<4x125x64xf32, #tpu.memory_space<vmem>> -> memref<1x125x64xf32, #tpu.memory_space<vmem>>
      %dma_start3A_170 = tpu.memref_squeeze %dma_start3A_169 : memref<1x125x64xf32, #tpu.memory_space<vmem>> -> memref<125x64xf32, #tpu.memory_space<vmem>>
      %dma_start3A_171 = arith.constant 0 : i32
      %dma_start3A_172 = tpu.memref_slice %arg6[%add3A_165, %dma_start3A_171] : memref<160x125xi32, #tpu.memory_space<vmem>> -> memref<1x125xi32, #tpu.memory_space<vmem>>
      %dma_start3A_173 = tpu.memref_squeeze %dma_start3A_172 : memref<1x125xi32, #tpu.memory_space<vmem>> -> memref<125xi32, #tpu.memory_space<vmem>>
      %dma_start3A_174 = arith.constant 0 : i32
      %dma_start3A_175 = arith.constant 0 : i32
      %dma_start3A_176 = tpu.memref_slice %arg2[%dma_start3A_174, %dma_start3A_175] : memref<20000x64xf32, #tpu.memory_space<hbm>> -> memref<20000x64xf32, #tpu.memory_space<hbm>>
      tpu.enqueue_indirect_dma source(%dma_start3A_176 : memref<20000x64xf32, #tpu.memory_space<hbm>>) target(%dma_start3A_170 : memref<125x64xf32, #tpu.memory_space<vmem>>) offsets(%dma_start3A_173 : memref<125xi32, #tpu.memory_space<vmem>>) semaphore(%arg10 : memref<!tpu.dma_semaphore, #tpu.memory_space<semaphore_mem>>)
      %dma_wait3A_177 = arith.constant 1 : i32
      %dma_wait3A_178 = arith.constant 0 : i32
      %dma_wait3A_179 = arith.constant 0 : i32
      %dma_wait3A_180 = tpu.memref_slice %arg8[%dma_wait3A_177, %dma_wait3A_178, %dma_wait3A_179] : memref<4x125x64xf32, #tpu.memory_space<vmem>> -> memref<1x125x64xf32, #tpu.memory_space<vmem>>
      %dma_wait3A_181 = tpu.memref_squeeze %dma_wait3A_180 : memref<1x125x64xf32, #tpu.memory_space<vmem>> -> memref<125x64xf32, #tpu.memory_space<vmem>>
      %dma_wait3A_182 = arith.constant 0 : i32
      %dma_wait3A_183 = tpu.memref_slice %arg6[%add3A_163, %dma_wait3A_182] : memref<160x125xi32, #tpu.memory_space<vmem>> -> memref<1x125xi32, #tpu.memory_space<vmem>>
      %dma_wait3A_184 = tpu.memref_squeeze %dma_wait3A_183 : memref<1x125xi32, #tpu.memory_space<vmem>> -> memref<125xi32, #tpu.memory_space<vmem>>
      %dma_wait3A_185 = arith.constant 0 : i32
      %dma_wait3A_186 = arith.constant 0 : i32
      %dma_wait3A_187 = tpu.memref_slice %arg2[%dma_wait3A_185, %dma_wait3A_186] : memref<20000x64xf32, #tpu.memory_space<hbm>> -> memref<20000x64xf32, #tpu.memory_space<hbm>>
      tpu.wait_indirect_dma semaphore(%arg11 : memref<!tpu.dma_semaphore, #tpu.memory_space<semaphore_mem>>) src(%dma_wait3A_187 : memref<20000x64xf32, #tpu.memory_space<hbm>>) dst(%dma_wait3A_181 : memref<125x64xf32, #tpu.memory_space<vmem>>)
      %run_scoped3A_188 = arith.constant 1 : i32
      "tpu.region"() ({
        %run_scoped3A_247 = tpu.sem_alloc : memref<!tpu.dma_semaphore, #tpu.memory_space<semaphore_mem>>
        %dma_start3A_248 = arith.constant 0 : i32
        %dma_start3A_249 = arith.constant 0 : i32
        %dma_start3A_250 = tpu.memref_slice %arg8[%run_scoped3A_188, %dma_start3A_248, %dma_start3A_249] : memref<4x125x64xf32, #tpu.memory_space<vmem>> -> memref<1x125x64xf32, #tpu.memory_space<vmem>>
        %dma_start3A_251 = tpu.memref_squeeze %dma_start3A_250 : memref<1x125x64xf32, #tpu.memory_space<vmem>> -> memref<125x64xf32, #tpu.memory_space<vmem>>
        %dma_start3A_252 = arith.constant 0 : i32
        %dma_start3A_253 = tpu.memref_slice %arg7[%add3A_163, %dma_start3A_252] : memref<160x125xi32, #tpu.memory_space<vmem>> -> memref<1x125xi32, #tpu.memory_space<vmem>>
        %dma_start3A_254 = tpu.memref_squeeze %dma_start3A_253 : memref<1x125xi32, #tpu.memory_space<vmem>> -> memref<125xi32, #tpu.memory_space<vmem>>
        %dma_start3A_255 = arith.constant 0 : i32
        %dma_start3A_256 = arith.constant 0 : i32
        %dma_start3A_257 = tpu.memref_slice %arg9[%dma_start3A_255, %dma_start3A_256] : memref<10000x64xf32, #tpu.memory_space<vmem_shared>> -> memref<10000x64xf32, #tpu.memory_space<vmem_shared>>
        tpu.enqueue_indirect_dma source(%dma_start3A_251 : memref<125x64xf32, #tpu.memory_space<vmem>>) target(%dma_start3A_257 : memref<10000x64xf32, #tpu.memory_space<vmem_shared>>) offsets(%dma_start3A_254 : memref<125xi32, #tpu.memory_space<vmem>>) semaphore(%run_scoped3A_247 : memref<!tpu.dma_semaphore, #tpu.memory_space<semaphore_mem>>) {add = true}
        %dma_wait3A_258 = arith.constant 0 : i32
        %dma_wait3A_259 = arith.constant 0 : i32
        %dma_wait3A_260 = tpu.memref_slice %arg8[%run_scoped3A_188, %dma_wait3A_258, %dma_wait3A_259] : memref<4x125x64xf32, #tpu.memory_space<vmem>> -> memref<1x125x64xf32, #tpu.memory_space<vmem>>
        %dma_wait3A_261 = tpu.memref_squeeze %dma_wait3A_260 : memref<1x125x64xf32, #tpu.memory_space<vmem>> -> memref<125x64xf32, #tpu.memory_space<vmem>>
        %dma_wait3A_262 = arith.constant 0 : i32
        %dma_wait3A_263 = tpu.memref_slice %arg7[%add3A_163, %dma_wait3A_262] : memref<160x125xi32, #tpu.memory_space<vmem>> -> memref<1x125xi32, #tpu.memory_space<vmem>>
        %dma_wait3A_264 = tpu.memref_squeeze %dma_wait3A_263 : memref<1x125xi32, #tpu.memory_space<vmem>> -> memref<125xi32, #tpu.memory_space<vmem>>
        %dma_wait3A_265 = arith.constant 0 : i32
        %dma_wait3A_266 = arith.constant 0 : i32
        %dma_wait3A_267 = tpu.memref_slice %arg9[%dma_wait3A_265, %dma_wait3A_266] : memref<10000x64xf32, #tpu.memory_space<vmem_shared>> -> memref<10000x64xf32, #tpu.memory_space<vmem_shared>>
        tpu.wait_indirect_dma semaphore(%run_scoped3A_247 : memref<!tpu.dma_semaphore, #tpu.memory_space<semaphore_mem>>) src(%dma_wait3A_261 : memref<125x64xf32, #tpu.memory_space<vmem>>) dst(%dma_wait3A_267 : memref<10000x64xf32, #tpu.memory_space<vmem_shared>>)
        tpu.yield
      }) : () -> ()
      %mul3A_189 = arith.constant 4 : i32
      %mul3A_190 = arith.muli %mul3A_189, %scan3A_130 : i32
      %add3A_191 = arith.constant 2 : i32
      %add3A_192 = arith.addi %mul3A_190, %add3A_191 : i32
      %add3A_193 = arith.constant 3 : i32
      %add3A_194 = arith.addi %add3A_192, %add3A_193 : i32
      %dma_start3A_195 = arith.constant 1 : i32
      %dma_start3A_196 = arith.constant 0 : i32
      %dma_start3A_197 = arith.constant 0 : i32
      %dma_start3A_198 = tpu.memref_slice %arg8[%dma_start3A_195, %dma_start3A_196, %dma_start3A_197] : memref<4x125x64xf32, #tpu.memory_space<vmem>> -> memref<1x125x64xf32, #tpu.memory_space<vmem>>
      %dma_start3A_199 = tpu.memref_squeeze %dma_start3A_198 : memref<1x125x64xf32, #tpu.memory_space<vmem>> -> memref<125x64xf32, #tpu.memory_space<vmem>>
      %dma_start3A_200 = arith.constant 0 : i32
      %dma_start3A_201 = tpu.memref_slice %arg6[%add3A_194, %dma_start3A_200] : memref<160x125xi32, #tpu.memory_space<vmem>> -> memref<1x125xi32, #tpu.memory_space<vmem>>
      %dma_start3A_202 = tpu.memref_squeeze %dma_start3A_201 : memref<1x125xi32, #tpu.memory_space<vmem>> -> memref<125xi32, #tpu.memory_space<vmem>>
      %dma_start3A_203 = arith.constant 0 : i32
      %dma_start3A_204 = arith.constant 0 : i32
      %dma_start3A_205 = tpu.memref_slice %arg2[%dma_start3A_203, %dma_start3A_204] : memref<20000x64xf32, #tpu.memory_space<hbm>> -> memref<20000x64xf32, #tpu.memory_space<hbm>>
      tpu.enqueue_indirect_dma source(%dma_start3A_205 : memref<20000x64xf32, #tpu.memory_space<hbm>>) target(%dma_start3A_199 : memref<125x64xf32, #tpu.memory_space<vmem>>) offsets(%dma_start3A_202 : memref<125xi32, #tpu.memory_space<vmem>>) semaphore(%arg11 : memref<!tpu.dma_semaphore, #tpu.memory_space<semaphore_mem>>)
      %dma_wait3A_206 = arith.constant 2 : i32
      %dma_wait3A_207 = arith.constant 0 : i32
      %dma_wait3A_208 = arith.constant 0 : i32
      %dma_wait3A_209 = tpu.memref_slice %arg8[%dma_wait3A_206, %dma_wait3A_207, %dma_wait3A_208] : memref<4x125x64xf32, #tpu.memory_space<vmem>> -> memref<1x125x64xf32, #tpu.memory_space<vmem>>
      %dma_wait3A_210 = tpu.memref_squeeze %dma_wait3A_209 : memref<1x125x64xf32, #tpu.memory_space<vmem>> -> memref<125x64xf32, #tpu.memory_space<vmem>>
      %dma_wait3A_211 = arith.constant 0 : i32
      %dma_wait3A_212 = tpu.memref_slice %arg6[%add3A_192, %dma_wait3A_211] : memref<160x125xi32, #tpu.memory_space<vmem>> -> memref<1x125xi32, #tpu.memory_space<vmem>>
      %dma_wait3A_213 = tpu.memref_squeeze %dma_wait3A_212 : memref<1x125xi32, #tpu.memory_space<vmem>> -> memref<125xi32, #tpu.memory_space<vmem>>
      %dma_wait3A_214 = arith.constant 0 : i32
      %dma_wait3A_215 = arith.constant 0 : i32
      %dma_wait3A_216 = tpu.memref_slice %arg2[%dma_wait3A_214, %dma_wait3A_215] : memref<20000x64xf32, #tpu.memory_space<hbm>> -> memref<20000x64xf32, #tpu.memory_space<hbm>>
      tpu.wait_indirect_dma semaphore(%arg12 : memref<!tpu.dma_semaphore, #tpu.memory_space<semaphore_mem>>) src(%dma_wait3A_216 : memref<20000x64xf32, #tpu.memory_space<hbm>>) dst(%dma_wait3A_210 : memref<125x64xf32, #tpu.memory_space<vmem>>)
      %run_scoped3A_217 = arith.constant 2 : i32
      "tpu.region"() ({
        %run_scoped3A_247 = tpu.sem_alloc : memref<!tpu.dma_semaphore, #tpu.memory_space<semaphore_mem>>
        %dma_start3A_248 = arith.constant 0 : i32
        %dma_start3A_249 = arith.constant 0 : i32
        %dma_start3A_250 = tpu.memref_slice %arg8[%run_scoped3A_217, %dma_start3A_248, %dma_start3A_249] : memref<4x125x64xf32, #tpu.memory_space<vmem>> -> memref<1x125x64xf32, #tpu.memory_space<vmem>>
        %dma_start3A_251 = tpu.memref_squeeze %dma_start3A_250 : memref<1x125x64xf32, #tpu.memory_space<vmem>> -> memref<125x64xf32, #tpu.memory_space<vmem>>
        %dma_start3A_252 = arith.constant 0 : i32
        %dma_start3A_253 = tpu.memref_slice %arg7[%add3A_192, %dma_start3A_252] : memref<160x125xi32, #tpu.memory_space<vmem>> -> memref<1x125xi32, #tpu.memory_space<vmem>>
        %dma_start3A_254 = tpu.memref_squeeze %dma_start3A_253 : memref<1x125xi32, #tpu.memory_space<vmem>> -> memref<125xi32, #tpu.memory_space<vmem>>
        %dma_start3A_255 = arith.constant 0 : i32
        %dma_start3A_256 = arith.constant 0 : i32
        %dma_start3A_257 = tpu.memref_slice %arg9[%dma_start3A_255, %dma_start3A_256] : memref<10000x64xf32, #tpu.memory_space<vmem_shared>> -> memref<10000x64xf32, #tpu.memory_space<vmem_shared>>
        tpu.enqueue_indirect_dma source(%dma_start3A_251 : memref<125x64xf32, #tpu.memory_space<vmem>>) target(%dma_start3A_257 : memref<10000x64xf32, #tpu.memory_space<vmem_shared>>) offsets(%dma_start3A_254 : memref<125xi32, #tpu.memory_space<vmem>>) semaphore(%run_scoped3A_247 : memref<!tpu.dma_semaphore, #tpu.memory_space<semaphore_mem>>) {add = true}
        %dma_wait3A_258 = arith.constant 0 : i32
        %dma_wait3A_259 = arith.constant 0 : i32
        %dma_wait3A_260 = tpu.memref_slice %arg8[%run_scoped3A_217, %dma_wait3A_258, %dma_wait3A_259] : memref<4x125x64xf32, #tpu.memory_space<vmem>> -> memref<1x125x64xf32, #tpu.memory_space<vmem>>
        %dma_wait3A_261 = tpu.memref_squeeze %dma_wait3A_260 : memref<1x125x64xf32, #tpu.memory_space<vmem>> -> memref<125x64xf32, #tpu.memory_space<vmem>>
        %dma_wait3A_262 = arith.constant 0 : i32
        %dma_wait3A_263 = tpu.memref_slice %arg7[%add3A_192, %dma_wait3A_262] : memref<160x125xi32, #tpu.memory_space<vmem>> -> memref<1x125xi32, #tpu.memory_space<vmem>>
        %dma_wait3A_264 = tpu.memref_squeeze %dma_wait3A_263 : memref<1x125xi32, #tpu.memory_space<vmem>> -> memref<125xi32, #tpu.memory_space<vmem>>
        %dma_wait3A_265 = arith.constant 0 : i32
        %dma_wait3A_266 = arith.constant 0 : i32
        %dma_wait3A_267 = tpu.memref_slice %arg9[%dma_wait3A_265, %dma_wait3A_266] : memref<10000x64xf32, #tpu.memory_space<vmem_shared>> -> memref<10000x64xf32, #tpu.memory_space<vmem_shared>>
        tpu.wait_indirect_dma semaphore(%run_scoped3A_247 : memref<!tpu.dma_semaphore, #tpu.memory_space<semaphore_mem>>) src(%dma_wait3A_261 : memref<125x64xf32, #tpu.memory_space<vmem>>) dst(%dma_wait3A_267 : memref<10000x64xf32, #tpu.memory_space<vmem_shared>>)
        tpu.yield
      }) : () -> ()
      %mul3A_218 = arith.constant 4 : i32
      %mul3A_219 = arith.muli %mul3A_218, %scan3A_130 : i32
      %add3A_220 = arith.constant 3 : i32
      %add3A_221 = arith.addi %mul3A_219, %add3A_220 : i32
      %add3A_222 = arith.constant 3 : i32
      %add3A_223 = arith.addi %add3A_221, %add3A_222 : i32
      %dma_start3A_224 = arith.constant 2 : i32
      %dma_start3A_225 = arith.constant 0 : i32
      %dma_start3A_226 = arith.constant 0 : i32
      %dma_start3A_227 = tpu.memref_slice %arg8[%dma_start3A_224, %dma_start3A_225, %dma_start3A_226] : memref<4x125x64xf32, #tpu.memory_space<vmem>> -> memref<1x125x64xf32, #tpu.memory_space<vmem>>
      %dma_start3A_228 = tpu.memref_squeeze %dma_start3A_227 : memref<1x125x64xf32, #tpu.memory_space<vmem>> -> memref<125x64xf32, #tpu.memory_space<vmem>>
      %dma_start3A_229 = arith.constant 0 : i32
      %dma_start3A_230 = tpu.memref_slice %arg6[%add3A_223, %dma_start3A_229] : memref<160x125xi32, #tpu.memory_space<vmem>> -> memref<1x125xi32, #tpu.memory_space<vmem>>
      %dma_start3A_231 = tpu.memref_squeeze %dma_start3A_230 : memref<1x125xi32, #tpu.memory_space<vmem>> -> memref<125xi32, #tpu.memory_space<vmem>>
      %dma_start3A_232 = arith.constant 0 : i32
      %dma_start3A_233 = arith.constant 0 : i32
      %dma_start3A_234 = tpu.memref_slice %arg2[%dma_start3A_232, %dma_start3A_233] : memref<20000x64xf32, #tpu.memory_space<hbm>> -> memref<20000x64xf32, #tpu.memory_space<hbm>>
      tpu.enqueue_indirect_dma source(%dma_start3A_234 : memref<20000x64xf32, #tpu.memory_space<hbm>>) target(%dma_start3A_228 : memref<125x64xf32, #tpu.memory_space<vmem>>) offsets(%dma_start3A_231 : memref<125xi32, #tpu.memory_space<vmem>>) semaphore(%arg12 : memref<!tpu.dma_semaphore, #tpu.memory_space<semaphore_mem>>)
      %dma_wait3A_235 = arith.constant 3 : i32
      %dma_wait3A_236 = arith.constant 0 : i32
      %dma_wait3A_237 = arith.constant 0 : i32
      %dma_wait3A_238 = tpu.memref_slice %arg8[%dma_wait3A_235, %dma_wait3A_236, %dma_wait3A_237] : memref<4x125x64xf32, #tpu.memory_space<vmem>> -> memref<1x125x64xf32, #tpu.memory_space<vmem>>
      %dma_wait3A_239 = tpu.memref_squeeze %dma_wait3A_238 : memref<1x125x64xf32, #tpu.memory_space<vmem>> -> memref<125x64xf32, #tpu.memory_space<vmem>>
      %dma_wait3A_240 = arith.constant 0 : i32
      %dma_wait3A_241 = tpu.memref_slice %arg6[%add3A_221, %dma_wait3A_240] : memref<160x125xi32, #tpu.memory_space<vmem>> -> memref<1x125xi32, #tpu.memory_space<vmem>>
      %dma_wait3A_242 = tpu.memref_squeeze %dma_wait3A_241 : memref<1x125xi32, #tpu.memory_space<vmem>> -> memref<125xi32, #tpu.memory_space<vmem>>
      %dma_wait3A_243 = arith.constant 0 : i32
      %dma_wait3A_244 = arith.constant 0 : i32
      %dma_wait3A_245 = tpu.memref_slice %arg2[%dma_wait3A_243, %dma_wait3A_244] : memref<20000x64xf32, #tpu.memory_space<hbm>> -> memref<20000x64xf32, #tpu.memory_space<hbm>>
      tpu.wait_indirect_dma semaphore(%arg13 : memref<!tpu.dma_semaphore, #tpu.memory_space<semaphore_mem>>) src(%dma_wait3A_245 : memref<20000x64xf32, #tpu.memory_space<hbm>>) dst(%dma_wait3A_239 : memref<125x64xf32, #tpu.memory_space<vmem>>)
      %run_scoped3A_246 = arith.constant 3 : i32
      "tpu.region"() ({
        %run_scoped3A_247 = tpu.sem_alloc : memref<!tpu.dma_semaphore, #tpu.memory_space<semaphore_mem>>
        %dma_start3A_248 = arith.constant 0 : i32
        %dma_start3A_249 = arith.constant 0 : i32
        %dma_start3A_250 = tpu.memref_slice %arg8[%run_scoped3A_246, %dma_start3A_248, %dma_start3A_249] : memref<4x125x64xf32, #tpu.memory_space<vmem>> -> memref<1x125x64xf32, #tpu.memory_space<vmem>>
        %dma_start3A_251 = tpu.memref_squeeze %dma_start3A_250 : memref<1x125x64xf32, #tpu.memory_space<vmem>> -> memref<125x64xf32, #tpu.memory_space<vmem>>
        %dma_start3A_252 = arith.constant 0 : i32
        %dma_start3A_253 = tpu.memref_slice %arg7[%add3A_221, %dma_start3A_252] : memref<160x125xi32, #tpu.memory_space<vmem>> -> memref<1x125xi32, #tpu.memory_space<vmem>>
        %dma_start3A_254 = tpu.memref_squeeze %dma_start3A_253 : memref<1x125xi32, #tpu.memory_space<vmem>> -> memref<125xi32, #tpu.memory_space<vmem>>
        %dma_start3A_255 = arith.constant 0 : i32
        %dma_start3A_256 = arith.constant 0 : i32
        %dma_start3A_257 = tpu.memref_slice %arg9[%dma_start3A_255, %dma_start3A_256] : memref<10000x64xf32, #tpu.memory_space<vmem_shared>> -> memref<10000x64xf32, #tpu.memory_space<vmem_shared>>
        tpu.enqueue_indirect_dma source(%dma_start3A_251 : memref<125x64xf32, #tpu.memory_space<vmem>>) target(%dma_start3A_257 : memref<10000x64xf32, #tpu.memory_space<vmem_shared>>) offsets(%dma_start3A_254 : memref<125xi32, #tpu.memory_space<vmem>>) semaphore(%run_scoped3A_247 : memref<!tpu.dma_semaphore, #tpu.memory_space<semaphore_mem>>) {add = true}
        %dma_wait3A_258 = arith.constant 0 : i32
        %dma_wait3A_259 = arith.constant 0 : i32
        %dma_wait3A_260 = tpu.memref_slice %arg8[%run_scoped3A_246, %dma_wait3A_258, %dma_wait3A_259] : memref<4x125x64xf32, #tpu.memory_space<vmem>> -> memref<1x125x64xf32, #tpu.memory_space<vmem>>
        %dma_wait3A_261 = tpu.memref_squeeze %dma_wait3A_260 : memref<1x125x64xf32, #tpu.memory_space<vmem>> -> memref<125x64xf32, #tpu.memory_space<vmem>>
        %dma_wait3A_262 = arith.constant 0 : i32
        %dma_wait3A_263 = tpu.memref_slice %arg7[%add3A_221, %dma_wait3A_262] : memref<160x125xi32, #tpu.memory_space<vmem>> -> memref<1x125xi32, #tpu.memory_space<vmem>>
        %dma_wait3A_264 = tpu.memref_squeeze %dma_wait3A_263 : memref<1x125xi32, #tpu.memory_space<vmem>> -> memref<125xi32, #tpu.memory_space<vmem>>
        %dma_wait3A_265 = arith.constant 0 : i32
        %dma_wait3A_266 = arith.constant 0 : i32
        %dma_wait3A_267 = tpu.memref_slice %arg9[%dma_wait3A_265, %dma_wait3A_266] : memref<10000x64xf32, #tpu.memory_space<vmem_shared>> -> memref<10000x64xf32, #tpu.memory_space<vmem_shared>>
        tpu.wait_indirect_dma semaphore(%run_scoped3A_247 : memref<!tpu.dma_semaphore, #tpu.memory_space<semaphore_mem>>) src(%dma_wait3A_261 : memref<125x64xf32, #tpu.memory_space<vmem>>) dst(%dma_wait3A_267 : memref<10000x64xf32, #tpu.memory_space<vmem_shared>>)
        tpu.yield
      }) : () -> ()
    }
    %scan3A_59 = arith.constant 39 : i32
    %dma_start3A_60 = arith.constant 159 : i32
    %dma_start3A_61 = arith.constant 3 : i32
    %dma_start3A_62 = arith.constant 0 : i32
    %dma_start3A_63 = arith.constant 0 : i32
    %dma_start3A_64 = tpu.memref_slice %arg8[%dma_start3A_61, %dma_start3A_62, %dma_start3A_63] : memref<4x125x64xf32, #tpu.memory_space<vmem>> -> memref<1x125x64xf32, #tpu.memory_space<vmem>>
    %dma_start3A_65 = tpu.memref_squeeze %dma_start3A_64 : memref<1x125x64xf32, #tpu.memory_space<vmem>> -> memref<125x64xf32, #tpu.memory_space<vmem>>
    %dma_start3A_66 = arith.constant 0 : i32
    %dma_start3A_67 = tpu.memref_slice %arg6[%dma_start3A_60, %dma_start3A_66] : memref<160x125xi32, #tpu.memory_space<vmem>> -> memref<1x125xi32, #tpu.memory_space<vmem>>
    %dma_start3A_68 = tpu.memref_squeeze %dma_start3A_67 : memref<1x125xi32, #tpu.memory_space<vmem>> -> memref<125xi32, #tpu.memory_space<vmem>>
    %dma_start3A_69 = arith.constant 0 : i32
    %dma_start3A_70 = arith.constant 0 : i32
    %dma_start3A_71 = tpu.memref_slice %arg2[%dma_start3A_69, %dma_start3A_70] : memref<20000x64xf32, #tpu.memory_space<hbm>> -> memref<20000x64xf32, #tpu.memory_space<hbm>>
    tpu.enqueue_indirect_dma source(%dma_start3A_71 : memref<20000x64xf32, #tpu.memory_space<hbm>>) target(%dma_start3A_65 : memref<125x64xf32, #tpu.memory_space<vmem>>) offsets(%dma_start3A_68 : memref<125xi32, #tpu.memory_space<vmem>>) semaphore(%arg13 : memref<!tpu.dma_semaphore, #tpu.memory_space<semaphore_mem>>)
    %dma_wait3A = arith.constant 156 : i32
    %dma_wait3A_72 = arith.constant 0 : i32
    %dma_wait3A_73 = arith.constant 0 : i32
    %dma_wait3A_74 = arith.constant 0 : i32
    %dma_wait3A_75 = tpu.memref_slice %arg8[%dma_wait3A_72, %dma_wait3A_73, %dma_wait3A_74] : memref<4x125x64xf32, #tpu.memory_space<vmem>> -> memref<1x125x64xf32, #tpu.memory_space<vmem>>
    %dma_wait3A_76 = tpu.memref_squeeze %dma_wait3A_75 : memref<1x125x64xf32, #tpu.memory_space<vmem>> -> memref<125x64xf32, #tpu.memory_space<vmem>>
    %dma_wait3A_77 = arith.constant 0 : i32
    %dma_wait3A_78 = tpu.memref_slice %arg6[%dma_wait3A, %dma_wait3A_77] : memref<160x125xi32, #tpu.memory_space<vmem>> -> memref<1x125xi32, #tpu.memory_space<vmem>>
    %dma_wait3A_79 = tpu.memref_squeeze %dma_wait3A_78 : memref<1x125xi32, #tpu.memory_space<vmem>> -> memref<125xi32, #tpu.memory_space<vmem>>
    %dma_wait3A_80 = arith.constant 0 : i32
    %dma_wait3A_81 = arith.constant 0 : i32
    %dma_wait3A_82 = tpu.memref_slice %arg2[%dma_wait3A_80, %dma_wait3A_81] : memref<20000x64xf32, #tpu.memory_space<hbm>> -> memref<20000x64xf32, #tpu.memory_space<hbm>>
    tpu.wait_indirect_dma semaphore(%arg10 : memref<!tpu.dma_semaphore, #tpu.memory_space<semaphore_mem>>) src(%dma_wait3A_82 : memref<20000x64xf32, #tpu.memory_space<hbm>>) dst(%dma_wait3A_76 : memref<125x64xf32, #tpu.memory_space<vmem>>)
    %run_scoped3A_83 = arith.constant 0 : i32
    %run_scoped3A_84 = arith.constant 156 : i32
    "tpu.region"() ({
      %run_scoped3A_130 = tpu.sem_alloc : memref<!tpu.dma_semaphore, #tpu.memory_space<semaphore_mem>>
      %dma_start3A_131 = arith.constant 0 : i32
      %dma_start3A_132 = arith.constant 0 : i32
      %dma_start3A_133 = tpu.memref_slice %arg8[%run_scoped3A_83, %dma_start3A_131, %dma_start3A_132] : memref<4x125x64xf32, #tpu.memory_space<vmem>> -> memref<1x125x64xf32, #tpu.memory_space<vmem>>
      %dma_start3A_134 = tpu.memref_squeeze %dma_start3A_133 : memref<1x125x64xf32, #tpu.memory_space<vmem>> -> memref<125x64xf32, #tpu.memory_space<vmem>>
      %dma_start3A_135 = arith.constant 0 : i32
      %dma_start3A_136 = tpu.memref_slice %arg7[%run_scoped3A_84, %dma_start3A_135] : memref<160x125xi32, #tpu.memory_space<vmem>> -> memref<1x125xi32, #tpu.memory_space<vmem>>
      %dma_start3A_137 = tpu.memref_squeeze %dma_start3A_136 : memref<1x125xi32, #tpu.memory_space<vmem>> -> memref<125xi32, #tpu.memory_space<vmem>>
      %dma_start3A_138 = arith.constant 0 : i32
      %dma_start3A_139 = arith.constant 0 : i32
      %dma_start3A_140 = tpu.memref_slice %arg9[%dma_start3A_138, %dma_start3A_139] : memref<10000x64xf32, #tpu.memory_space<vmem_shared>> -> memref<10000x64xf32, #tpu.memory_space<vmem_shared>>
      tpu.enqueue_indirect_dma source(%dma_start3A_134 : memref<125x64xf32, #tpu.memory_space<vmem>>) target(%dma_start3A_140 : memref<10000x64xf32, #tpu.memory_space<vmem_shared>>) offsets(%dma_start3A_137 : memref<125xi32, #tpu.memory_space<vmem>>) semaphore(%run_scoped3A_130 : memref<!tpu.dma_semaphore, #tpu.memory_space<semaphore_mem>>) {add = true}
      %dma_wait3A_141 = arith.constant 0 : i32
      %dma_wait3A_142 = arith.constant 0 : i32
      %dma_wait3A_143 = tpu.memref_slice %arg8[%run_scoped3A_83, %dma_wait3A_141, %dma_wait3A_142] : memref<4x125x64xf32, #tpu.memory_space<vmem>> -> memref<1x125x64xf32, #tpu.memory_space<vmem>>
      %dma_wait3A_144 = tpu.memref_squeeze %dma_wait3A_143 : memref<1x125x64xf32, #tpu.memory_space<vmem>> -> memref<125x64xf32, #tpu.memory_space<vmem>>
      %dma_wait3A_145 = arith.constant 0 : i32
      %dma_wait3A_146 = tpu.memref_slice %arg7[%run_scoped3A_84, %dma_wait3A_145] : memref<160x125xi32, #tpu.memory_space<vmem>> -> memref<1x125xi32, #tpu.memory_space<vmem>>
      %dma_wait3A_147 = tpu.memref_squeeze %dma_wait3A_146 : memref<1x125xi32, #tpu.memory_space<vmem>> -> memref<125xi32, #tpu.memory_space<vmem>>
      %dma_wait3A_148 = arith.constant 0 : i32
      %dma_wait3A_149 = arith.constant 0 : i32
      %dma_wait3A_150 = tpu.memref_slice %arg9[%dma_wait3A_148, %dma_wait3A_149] : memref<10000x64xf32, #tpu.memory_space<vmem_shared>> -> memref<10000x64xf32, #tpu.memory_space<vmem_shared>>
      tpu.wait_indirect_dma semaphore(%run_scoped3A_130 : memref<!tpu.dma_semaphore, #tpu.memory_space<semaphore_mem>>) src(%dma_wait3A_144 : memref<125x64xf32, #tpu.memory_space<vmem>>) dst(%dma_wait3A_150 : memref<10000x64xf32, #tpu.memory_space<vmem_shared>>)
      tpu.yield
    }) : () -> ()
    %dma_wait3A_85 = arith.constant 157 : i32
    %dma_wait3A_86 = arith.constant 1 : i32
    %dma_wait3A_87 = arith.constant 0 : i32
    %dma_wait3A_88 = arith.constant 0 : i32
    %dma_wait3A_89 = tpu.memref_slice %arg8[%dma_wait3A_86, %dma_wait3A_87, %dma_wait3A_88] : memref<4x125x64xf32, #tpu.memory_space<vmem>> -> memref<1x125x64xf32, #tpu.memory_space<vmem>>
    %dma_wait3A_90 = tpu.memref_squeeze %dma_wait3A_89 : memref<1x125x64xf32, #tpu.memory_space<vmem>> -> memref<125x64xf32, #tpu.memory_space<vmem>>
    %dma_wait3A_91 = arith.constant 0 : i32
    %dma_wait3A_92 = tpu.memref_slice %arg6[%dma_wait3A_85, %dma_wait3A_91] : memref<160x125xi32, #tpu.memory_space<vmem>> -> memref<1x125xi32, #tpu.memory_space<vmem>>
    %dma_wait3A_93 = tpu.memref_squeeze %dma_wait3A_92 : memref<1x125xi32, #tpu.memory_space<vmem>> -> memref<125xi32, #tpu.memory_space<vmem>>
    %dma_wait3A_94 = arith.constant 0 : i32
    %dma_wait3A_95 = arith.constant 0 : i32
    %dma_wait3A_96 = tpu.memref_slice %arg2[%dma_wait3A_94, %dma_wait3A_95] : memref<20000x64xf32, #tpu.memory_space<hbm>> -> memref<20000x64xf32, #tpu.memory_space<hbm>>
    tpu.wait_indirect_dma semaphore(%arg11 : memref<!tpu.dma_semaphore, #tpu.memory_space<semaphore_mem>>) src(%dma_wait3A_96 : memref<20000x64xf32, #tpu.memory_space<hbm>>) dst(%dma_wait3A_90 : memref<125x64xf32, #tpu.memory_space<vmem>>)
    %run_scoped3A_97 = arith.constant 1 : i32
    %run_scoped3A_98 = arith.constant 157 : i32
    "tpu.region"() ({
      %run_scoped3A_130 = tpu.sem_alloc : memref<!tpu.dma_semaphore, #tpu.memory_space<semaphore_mem>>
      %dma_start3A_131 = arith.constant 0 : i32
      %dma_start3A_132 = arith.constant 0 : i32
      %dma_start3A_133 = tpu.memref_slice %arg8[%run_scoped3A_97, %dma_start3A_131, %dma_start3A_132] : memref<4x125x64xf32, #tpu.memory_space<vmem>> -> memref<1x125x64xf32, #tpu.memory_space<vmem>>
      %dma_start3A_134 = tpu.memref_squeeze %dma_start3A_133 : memref<1x125x64xf32, #tpu.memory_space<vmem>> -> memref<125x64xf32, #tpu.memory_space<vmem>>
      %dma_start3A_135 = arith.constant 0 : i32
      %dma_start3A_136 = tpu.memref_slice %arg7[%run_scoped3A_98, %dma_start3A_135] : memref<160x125xi32, #tpu.memory_space<vmem>> -> memref<1x125xi32, #tpu.memory_space<vmem>>
      %dma_start3A_137 = tpu.memref_squeeze %dma_start3A_136 : memref<1x125xi32, #tpu.memory_space<vmem>> -> memref<125xi32, #tpu.memory_space<vmem>>
      %dma_start3A_138 = arith.constant 0 : i32
      %dma_start3A_139 = arith.constant 0 : i32
      %dma_start3A_140 = tpu.memref_slice %arg9[%dma_start3A_138, %dma_start3A_139] : memref<10000x64xf32, #tpu.memory_space<vmem_shared>> -> memref<10000x64xf32, #tpu.memory_space<vmem_shared>>
      tpu.enqueue_indirect_dma source(%dma_start3A_134 : memref<125x64xf32, #tpu.memory_space<vmem>>) target(%dma_start3A_140 : memref<10000x64xf32, #tpu.memory_space<vmem_shared>>) offsets(%dma_start3A_137 : memref<125xi32, #tpu.memory_space<vmem>>) semaphore(%run_scoped3A_130 : memref<!tpu.dma_semaphore, #tpu.memory_space<semaphore_mem>>) {add = true}
      %dma_wait3A_141 = arith.constant 0 : i32
      %dma_wait3A_142 = arith.constant 0 : i32
      %dma_wait3A_143 = tpu.memref_slice %arg8[%run_scoped3A_97, %dma_wait3A_141, %dma_wait3A_142] : memref<4x125x64xf32, #tpu.memory_space<vmem>> -> memref<1x125x64xf32, #tpu.memory_space<vmem>>
      %dma_wait3A_144 = tpu.memref_squeeze %dma_wait3A_143 : memref<1x125x64xf32, #tpu.memory_space<vmem>> -> memref<125x64xf32, #tpu.memory_space<vmem>>
      %dma_wait3A_145 = arith.constant 0 : i32
      %dma_wait3A_146 = tpu.memref_slice %arg7[%run_scoped3A_98, %dma_wait3A_145] : memref<160x125xi32, #tpu.memory_space<vmem>> -> memref<1x125xi32, #tpu.memory_space<vmem>>
      %dma_wait3A_147 = tpu.memref_squeeze %dma_wait3A_146 : memref<1x125xi32, #tpu.memory_space<vmem>> -> memref<125xi32, #tpu.memory_space<vmem>>
      %dma_wait3A_148 = arith.constant 0 : i32
      %dma_wait3A_149 = arith.constant 0 : i32
      %dma_wait3A_150 = tpu.memref_slice %arg9[%dma_wait3A_148, %dma_wait3A_149] : memref<10000x64xf32, #tpu.memory_space<vmem_shared>> -> memref<10000x64xf32, #tpu.memory_space<vmem_shared>>
      tpu.wait_indirect_dma semaphore(%run_scoped3A_130 : memref<!tpu.dma_semaphore, #tpu.memory_space<semaphore_mem>>) src(%dma_wait3A_144 : memref<125x64xf32, #tpu.memory_space<vmem>>) dst(%dma_wait3A_150 : memref<10000x64xf32, #tpu.memory_space<vmem_shared>>)
      tpu.yield
    }) : () -> ()
    %dma_wait3A_99 = arith.constant 158 : i32
    %dma_wait3A_100 = arith.constant 2 : i32
    %dma_wait3A_101 = arith.constant 0 : i32
    %dma_wait3A_102 = arith.constant 0 : i32
    %dma_wait3A_103 = tpu.memref_slice %arg8[%dma_wait3A_100, %dma_wait3A_101, %dma_wait3A_102] : memref<4x125x64xf32, #tpu.memory_space<vmem>> -> memref<1x125x64xf32, #tpu.memory_space<vmem>>
    %dma_wait3A_104 = tpu.memref_squeeze %dma_wait3A_103 : memref<1x125x64xf32, #tpu.memory_space<vmem>> -> memref<125x64xf32, #tpu.memory_space<vmem>>
    %dma_wait3A_105 = arith.constant 0 : i32
    %dma_wait3A_106 = tpu.memref_slice %arg6[%dma_wait3A_99, %dma_wait3A_105] : memref<160x125xi32, #tpu.memory_space<vmem>> -> memref<1x125xi32, #tpu.memory_space<vmem>>
    %dma_wait3A_107 = tpu.memref_squeeze %dma_wait3A_106 : memref<1x125xi32, #tpu.memory_space<vmem>> -> memref<125xi32, #tpu.memory_space<vmem>>
    %dma_wait3A_108 = arith.constant 0 : i32
    %dma_wait3A_109 = arith.constant 0 : i32
    %dma_wait3A_110 = tpu.memref_slice %arg2[%dma_wait3A_108, %dma_wait3A_109] : memref<20000x64xf32, #tpu.memory_space<hbm>> -> memref<20000x64xf32, #tpu.memory_space<hbm>>
    tpu.wait_indirect_dma semaphore(%arg12 : memref<!tpu.dma_semaphore, #tpu.memory_space<semaphore_mem>>) src(%dma_wait3A_110 : memref<20000x64xf32, #tpu.memory_space<hbm>>) dst(%dma_wait3A_104 : memref<125x64xf32, #tpu.memory_space<vmem>>)
    %run_scoped3A_111 = arith.constant 2 : i32
    %run_scoped3A_112 = arith.constant 158 : i32
    "tpu.region"() ({
      %run_scoped3A_130 = tpu.sem_alloc : memref<!tpu.dma_semaphore, #tpu.memory_space<semaphore_mem>>
      %dma_start3A_131 = arith.constant 0 : i32
      %dma_start3A_132 = arith.constant 0 : i32
      %dma_start3A_133 = tpu.memref_slice %arg8[%run_scoped3A_111, %dma_start3A_131, %dma_start3A_132] : memref<4x125x64xf32, #tpu.memory_space<vmem>> -> memref<1x125x64xf32, #tpu.memory_space<vmem>>
      %dma_start3A_134 = tpu.memref_squeeze %dma_start3A_133 : memref<1x125x64xf32, #tpu.memory_space<vmem>> -> memref<125x64xf32, #tpu.memory_space<vmem>>
      %dma_start3A_135 = arith.constant 0 : i32
      %dma_start3A_136 = tpu.memref_slice %arg7[%run_scoped3A_112, %dma_start3A_135] : memref<160x125xi32, #tpu.memory_space<vmem>> -> memref<1x125xi32, #tpu.memory_space<vmem>>
      %dma_start3A_137 = tpu.memref_squeeze %dma_start3A_136 : memref<1x125xi32, #tpu.memory_space<vmem>> -> memref<125xi32, #tpu.memory_space<vmem>>
      %dma_start3A_138 = arith.constant 0 : i32
      %dma_start3A_139 = arith.constant 0 : i32
      %dma_start3A_140 = tpu.memref_slice %arg9[%dma_start3A_138, %dma_start3A_139] : memref<10000x64xf32, #tpu.memory_space<vmem_shared>> -> memref<10000x64xf32, #tpu.memory_space<vmem_shared>>
      tpu.enqueue_indirect_dma source(%dma_start3A_134 : memref<125x64xf32, #tpu.memory_space<vmem>>) target(%dma_start3A_140 : memref<10000x64xf32, #tpu.memory_space<vmem_shared>>) offsets(%dma_start3A_137 : memref<125xi32, #tpu.memory_space<vmem>>) semaphore(%run_scoped3A_130 : memref<!tpu.dma_semaphore, #tpu.memory_space<semaphore_mem>>) {add = true}
      %dma_wait3A_141 = arith.constant 0 : i32
      %dma_wait3A_142 = arith.constant 0 : i32
      %dma_wait3A_143 = tpu.memref_slice %arg8[%run_scoped3A_111, %dma_wait3A_141, %dma_wait3A_142] : memref<4x125x64xf32, #tpu.memory_space<vmem>> -> memref<1x125x64xf32, #tpu.memory_space<vmem>>
      %dma_wait3A_144 = tpu.memref_squeeze %dma_wait3A_143 : memref<1x125x64xf32, #tpu.memory_space<vmem>> -> memref<125x64xf32, #tpu.memory_space<vmem>>
      %dma_wait3A_145 = arith.constant 0 : i32
      %dma_wait3A_146 = tpu.memref_slice %arg7[%run_scoped3A_112, %dma_wait3A_145] : memref<160x125xi32, #tpu.memory_space<vmem>> -> memref<1x125xi32, #tpu.memory_space<vmem>>
      %dma_wait3A_147 = tpu.memref_squeeze %dma_wait3A_146 : memref<1x125xi32, #tpu.memory_space<vmem>> -> memref<125xi32, #tpu.memory_space<vmem>>
      %dma_wait3A_148 = arith.constant 0 : i32
      %dma_wait3A_149 = arith.constant 0 : i32
      %dma_wait3A_150 = tpu.memref_slice %arg9[%dma_wait3A_148, %dma_wait3A_149] : memref<10000x64xf32, #tpu.memory_space<vmem_shared>> -> memref<10000x64xf32, #tpu.memory_space<vmem_shared>>
      tpu.wait_indirect_dma semaphore(%run_scoped3A_130 : memref<!tpu.dma_semaphore, #tpu.memory_space<semaphore_mem>>) src(%dma_wait3A_144 : memref<125x64xf32, #tpu.memory_space<vmem>>) dst(%dma_wait3A_150 : memref<10000x64xf32, #tpu.memory_space<vmem_shared>>)
      tpu.yield
    }) : () -> ()
    %dma_wait3A_113 = arith.constant 159 : i32
    %dma_wait3A_114 = arith.constant 3 : i32
    %dma_wait3A_115 = arith.constant 0 : i32
    %dma_wait3A_116 = arith.constant 0 : i32
    %dma_wait3A_117 = tpu.memref_slice %arg8[%dma_wait3A_114, %dma_wait3A_115, %dma_wait3A_116] : memref<4x125x64xf32, #tpu.memory_space<vmem>> -> memref<1x125x64xf32, #tpu.memory_space<vmem>>
    %dma_wait3A_118 = tpu.memref_squeeze %dma_wait3A_117 : memref<1x125x64xf32, #tpu.memory_space<vmem>> -> memref<125x64xf32, #tpu.memory_space<vmem>>
    %dma_wait3A_119 = arith.constant 0 : i32
    %dma_wait3A_120 = tpu.memref_slice %arg6[%dma_wait3A_113, %dma_wait3A_119] : memref<160x125xi32, #tpu.memory_space<vmem>> -> memref<1x125xi32, #tpu.memory_space<vmem>>
    %dma_wait3A_121 = tpu.memref_squeeze %dma_wait3A_120 : memref<1x125xi32, #tpu.memory_space<vmem>> -> memref<125xi32, #tpu.memory_space<vmem>>
    %dma_wait3A_122 = arith.constant 0 : i32
    %dma_wait3A_123 = arith.constant 0 : i32
    %dma_wait3A_124 = tpu.memref_slice %arg2[%dma_wait3A_122, %dma_wait3A_123] : memref<20000x64xf32, #tpu.memory_space<hbm>> -> memref<20000x64xf32, #tpu.memory_space<hbm>>
    tpu.wait_indirect_dma semaphore(%arg13 : memref<!tpu.dma_semaphore, #tpu.memory_space<semaphore_mem>>) src(%dma_wait3A_124 : memref<20000x64xf32, #tpu.memory_space<hbm>>) dst(%dma_wait3A_118 : memref<125x64xf32, #tpu.memory_space<vmem>>)
    %run_scoped3A_125 = arith.constant 3 : i32
    %run_scoped3A_126 = arith.constant 159 : i32
    "tpu.region"() ({
      %run_scoped3A_130 = tpu.sem_alloc : memref<!tpu.dma_semaphore, #tpu.memory_space<semaphore_mem>>
      %dma_start3A_131 = arith.constant 0 : i32
      %dma_start3A_132 = arith.constant 0 : i32
      %dma_start3A_133 = tpu.memref_slice %arg8[%run_scoped3A_125, %dma_start3A_131, %dma_start3A_132] : memref<4x125x64xf32, #tpu.memory_space<vmem>> -> memref<1x125x64xf32, #tpu.memory_space<vmem>>
      %dma_start3A_134 = tpu.memref_squeeze %dma_start3A_133 : memref<1x125x64xf32, #tpu.memory_space<vmem>> -> memref<125x64xf32, #tpu.memory_space<vmem>>
      %dma_start3A_135 = arith.constant 0 : i32
      %dma_start3A_136 = tpu.memref_slice %arg7[%run_scoped3A_126, %dma_start3A_135] : memref<160x125xi32, #tpu.memory_space<vmem>> -> memref<1x125xi32, #tpu.memory_space<vmem>>
      %dma_start3A_137 = tpu.memref_squeeze %dma_start3A_136 : memref<1x125xi32, #tpu.memory_space<vmem>> -> memref<125xi32, #tpu.memory_space<vmem>>
      %dma_start3A_138 = arith.constant 0 : i32
      %dma_start3A_139 = arith.constant 0 : i32
      %dma_start3A_140 = tpu.memref_slice %arg9[%dma_start3A_138, %dma_start3A_139] : memref<10000x64xf32, #tpu.memory_space<vmem_shared>> -> memref<10000x64xf32, #tpu.memory_space<vmem_shared>>
      tpu.enqueue_indirect_dma source(%dma_start3A_134 : memref<125x64xf32, #tpu.memory_space<vmem>>) target(%dma_start3A_140 : memref<10000x64xf32, #tpu.memory_space<vmem_shared>>) offsets(%dma_start3A_137 : memref<125xi32, #tpu.memory_space<vmem>>) semaphore(%run_scoped3A_130 : memref<!tpu.dma_semaphore, #tpu.memory_space<semaphore_mem>>) {add = true}
      %dma_wait3A_141 = arith.constant 0 : i32
      %dma_wait3A_142 = arith.constant 0 : i32
      %dma_wait3A_143 = tpu.memref_slice %arg8[%run_scoped3A_125, %dma_wait3A_141, %dma_wait3A_142] : memref<4x125x64xf32, #tpu.memory_space<vmem>> -> memref<1x125x64xf32, #tpu.memory_space<vmem>>
      %dma_wait3A_144 = tpu.memref_squeeze %dma_wait3A_143 : memref<1x125x64xf32, #tpu.memory_space<vmem>> -> memref<125x64xf32, #tpu.memory_space<vmem>>
      %dma_wait3A_145 = arith.constant 0 : i32
      %dma_wait3A_146 = tpu.memref_slice %arg7[%run_scoped3A_126, %dma_wait3A_145] : memref<160x125xi32, #tpu.memory_space<vmem>> -> memref<1x125xi32, #tpu.memory_space<vmem>>
      %dma_wait3A_147 = tpu.memref_squeeze %dma_wait3A_146 : memref<1x125xi32, #tpu.memory_space<vmem>> -> memref<125xi32, #tpu.memory_space<vmem>>
      %dma_wait3A_148 = arith.constant 0 : i32
      %dma_wait3A_149 = arith.constant 0 : i32
      %dma_wait3A_150 = tpu.memref_slice %arg9[%dma_wait3A_148, %dma_wait3A_149] : memref<10000x64xf32, #tpu.memory_space<vmem_shared>> -> memref<10000x64xf32, #tpu.memory_space<vmem_shared>>
      tpu.wait_indirect_dma semaphore(%run_scoped3A_130 : memref<!tpu.dma_semaphore, #tpu.memory_space<semaphore_mem>>) src(%dma_wait3A_144 : memref<125x64xf32, #tpu.memory_space<vmem>>) dst(%dma_wait3A_150 : memref<10000x64xf32, #tpu.memory_space<vmem_shared>>)
      tpu.yield
    }) : () -> ()
    %barrier3A_127 = arith.constant 0 : index
    tpu.barrier barrier_id(%barrier3A_127)
    %mul3A_128 = arith.constant 64 : i32
    %mul3A_129 = arith.muli %arg0, %mul3A_128 : i32
    "tpu.region"() ({
      %run_scoped3A_130 = tpu.sem_alloc : memref<!tpu.dma_semaphore, #tpu.memory_space<semaphore_mem>>
      %dma_start3A_131 = tpu.memref_slice %arg5[%mul3A_0, %mul3A_129] : memref<10000x128xf32, #tpu.memory_space<hbm>> -> memref<625x64xf32, #tpu.memory_space<hbm>>
      %dma_start3A_132 = arith.constant 0 : i32
      %dma_start3A_133 = tpu.memref_slice %arg9[%mul3A_0, %dma_start3A_132] : memref<10000x64xf32, #tpu.memory_space<vmem_shared>> -> memref<625x64xf32, #tpu.memory_space<vmem_shared>>
      tpu.enqueue_dma source(%dma_start3A_133 : memref<625x64xf32, #tpu.memory_space<vmem_shared>>) target(%dma_start3A_131 : memref<625x64xf32, #tpu.memory_space<hbm>>) target_semaphore(%run_scoped3A_130 : memref<!tpu.dma_semaphore, #tpu.memory_space<semaphore_mem>>)
      %dma_wait3A_134 = tpu.memref_slice %arg5[%mul3A_0, %mul3A_129] : memref<10000x128xf32, #tpu.memory_space<hbm>> -> memref<625x64xf32, #tpu.memory_space<hbm>>
      %dma_wait3A_135 = arith.constant 0 : i32
      %dma_wait3A_136 = tpu.memref_slice %arg9[%mul3A_0, %dma_wait3A_135] : memref<10000x64xf32, #tpu.memory_space<vmem_shared>> -> memref<625x64xf32, #tpu.memory_space<vmem_shared>>
      tpu.wait_dma2 semaphore(%run_scoped3A_130 : memref<!tpu.dma_semaphore, #tpu.memory_space<semaphore_mem>>) src(%dma_wait3A_136 : memref<625x64xf32, #tpu.memory_space<vmem_shared>>) dst(%dma_wait3A_134 : memref<625x64xf32, #tpu.memory_space<hbm>>)
      tpu.yield
    }) : () -> ()
    return
  }
}

module attributes {stable_mosaic.version = 14 : i64} {
  func.func @body(%arg0: memref<10000x128xf32, #tpu.memory_space<vmem>>, %arg1: memref<128x128xf32, #tpu.memory_space<vmem>>, %arg2: memref<10000x128xf32, #tpu.memory_space<vmem>>) attributes {dimension_semantics = [], scalar_prefetch = 0 : i64, scratch_operands = 0 : i64, tpu.core_type = #tpu.core_type<tc>} {
    %get3A = arith.constant 0 : index
    %get3A_0 = arith.constant 0 : index
    %get3A_1 = vector.load %arg0[%get3A, %get3A_0] : memref<10000x128xf32, #tpu.memory_space<vmem>>, vector<10000x128xf32>
    %get3A_2 = arith.constant 0 : index
    %get3A_3 = arith.constant 0 : index
    %get3A_4 = vector.load %arg1[%get3A_2, %get3A_3] : memref<128x128xf32, #tpu.memory_space<vmem>>, vector<128x128xf32>
    %dot_general3A = arith.constant dense<0.000000e+00> : vector<10000x128xf32>
    %dot_general3A_5 = tpu.matmul %get3A_1, %get3A_4, %dot_general3A {dimension_numbers = #tpu.dot_dimension_numbers<[1], [0], [0], [1], [0, 0, 1, 1], [], []>, precision = #tpu.contract_precision<fp32>, transpose_lhs_hint = false} : vector<10000x128xf32>, vector<128x128xf32>, vector<10000x128xf32> -> vector<10000x128xf32>
    %swap3A = arith.constant 0 : index
    %swap3A_6 = arith.constant 0 : index
    %swap3A_7 = vector.load %arg2[%swap3A, %swap3A_6] : memref<10000x128xf32, #tpu.memory_space<vmem>>, vector<10000x128xf32>
    tpu.vector_store %arg2[%swap3A, %swap3A_6], %dot_general3A_5 {strides = array<i32>} : memref<10000x128xf32, #tpu.memory_space<vmem>>, vector<10000x128xf32>,
    return
  }
}

module attributes {stable_mosaic.version = 14 : i64} {
  func.func @body(%arg0: memref<10000x128xf32, #tpu.memory_space<vmem>>, %arg1: memref<10000x16xf32, #tpu.memory_space<vmem>>, %arg2: memref<10000x128xf32, #tpu.memory_space<vmem>>) attributes {dimension_semantics = [], scalar_prefetch = 0 : i64, scratch_operands = 0 : i64, tpu.core_type = #tpu.core_type<tc>} {
    %get3A = arith.constant 0 : index
    %get3A_0 = arith.constant 0 : index
    %get3A_1 = vector.load %arg0[%get3A, %get3A_0] : memref<10000x128xf32, #tpu.memory_space<vmem>>, vector<10000x128xf32>
    %get3A_2 = arith.constant 0 : index
    %get3A_3 = arith.constant 0 : index
    %get3A_4 = vector.load %arg1[%get3A_2, %get3A_3] : memref<10000x16xf32, #tpu.memory_space<vmem>>, vector<10000x1xf32>
    %rsqrt3A = math.rsqrt %get3A_4 : vector<10000x1xf32>
    %mul3A = vector.broadcast %rsqrt3A : vector<10000x1xf32> to vector<10000x128xf32>
    %mul3A_5 = arith.mulf %get3A_1, %mul3A : vector<10000x128xf32>
    %swap3A = arith.constant 0 : index
    %swap3A_6 = arith.constant 0 : index
    %swap3A_7 = vector.load %arg2[%swap3A, %swap3A_6] : memref<10000x128xf32, #tpu.memory_space<vmem>>, vector<10000x128xf32>
    tpu.vector_store %arg2[%swap3A, %swap3A_6], %mul3A_5 {strides = array<i32>} : memref<10000x128xf32, #tpu.memory_space<vmem>>, vector<10000x128xf32>,
    return
  }
}

module attributes {stable_mosaic.version = 14 : i64} {
  func.func @body(%arg0: memref<10000x128xf32, #tpu.memory_space<vmem>>, %arg1: memref<10000x128xf32, #tpu.memory_space<vmem>>, %arg2: memref<10000x16xf32, #tpu.memory_space<vmem>>, %arg3: memref<128xf32, #tpu.memory_space<vmem>>, %arg4: memref<128xf32, #tpu.memory_space<vmem>>, %arg5: memref<128xf32, #tpu.memory_space<vmem>>, %arg6: memref<128x48xf32, #tpu.memory_space<vmem>>, %arg7: memref<10000x48xf32, #tpu.memory_space<vmem>>) attributes {dimension_semantics = [], scalar_prefetch = 0 : i64, scratch_operands = 0 : i64, tpu.core_type = #tpu.core_type<tc>} {
    %get3A = arith.constant 0 : index
    %get3A_0 = arith.constant 0 : index
    %get3A_1 = vector.load %arg2[%get3A, %get3A_0] : memref<10000x16xf32, #tpu.memory_space<vmem>>, vector<10000x1xf32>
    %rsqrt3A = math.rsqrt %get3A_1 : vector<10000x1xf32>
    %get3A_2 = arith.constant 0 : index
    %get3A_3 = arith.constant 0 : index
    %get3A_4 = vector.load %arg0[%get3A_2, %get3A_3] : memref<10000x128xf32, #tpu.memory_space<vmem>>, vector<10000x128xf32>
    %get3A_5 = arith.constant 0 : index
    %get3A_6 = arith.constant 0 : index
    %get3A_7 = vector.load %arg1[%get3A_5, %get3A_6] : memref<10000x128xf32, #tpu.memory_space<vmem>>, vector<10000x128xf32>
    %add3A = arith.addf %get3A_4, %get3A_7 : vector<10000x128xf32>
    %mul3A = vector.broadcast %rsqrt3A : vector<10000x1xf32> to vector<10000x128xf32>
    %mul3A_8 = arith.mulf %add3A, %mul3A : vector<10000x128xf32>
    %get3A_9 = arith.constant 0 : index
    %get3A_10 = vector.load %arg5[%get3A_9] : memref<128xf32, #tpu.memory_space<vmem>>, vector<128xf32>
    %broadcast_in_dim3A = vector.shape_cast %get3A_10 : vector<128xf32> to vector<1x128xf32>
    %add3A_11 = vector.broadcast %broadcast_in_dim3A : vector<1x128xf32> to vector<10000x128xf32>
    %add3A_12 = arith.addf %mul3A_8, %add3A_11 : vector<10000x128xf32>
    %reduce_sum3A = arith.constant dense<0.000000e+00> : vector<128xf32>
    %reduce_sum3A_13 = vector.multi_reduction <add>, %add3A_12, %reduce_sum3A [0] : vector<10000x128xf32> to vector<128xf32>
    %div3A = arith.constant 1.000000e+04 : f32
    %div3A_14 = vector.broadcast %div3A : f32 to vector<128xf32>
    %div3A_15 = arith.divf %reduce_sum3A_13, %div3A_14 : vector<128xf32>
    %broadcast_in_dim3A_16 = vector.shape_cast %div3A_15 : vector<128xf32> to vector<1x128xf32>
    %sub3A = vector.broadcast %broadcast_in_dim3A_16 : vector<1x128xf32> to vector<10000x128xf32>
    %sub3A_17 = arith.subf %add3A_12, %sub3A : vector<10000x128xf32>
    %integer_pow3A = arith.mulf %sub3A_17, %sub3A_17 : vector<10000x128xf32>
    %reduce_sum3A_18 = arith.constant dense<0.000000e+00> : vector<128xf32>
    %reduce_sum3A_19 = vector.multi_reduction <add>, %integer_pow3A, %reduce_sum3A_18 [0] : vector<10000x128xf32> to vector<128xf32>
    %div3A_20 = arith.constant 1.000000e+04 : f32
    %div3A_21 = vector.broadcast %div3A_20 : f32 to vector<128xf32>
    %div3A_22 = arith.divf %reduce_sum3A_19, %div3A_21 : vector<128xf32>
    %broadcast_in_dim3A_23 = vector.shape_cast %div3A_15 : vector<128xf32> to vector<1x128xf32>
    %sub3A_24 = vector.broadcast %broadcast_in_dim3A_23 : vector<1x128xf32> to vector<10000x128xf32>
    %sub3A_25 = arith.subf %add3A_12, %sub3A_24 : vector<10000x128xf32>
    %add3A_26 = arith.constant 9.99999974E-6 : f32
    %add3A_27 = vector.broadcast %add3A_26 : f32 to vector<128xf32>
    %add3A_28 = arith.addf %div3A_22, %add3A_27 : vector<128xf32>
    %sqrt3A = math.sqrt %add3A_28 : vector<128xf32>
    %broadcast_in_dim3A_29 = vector.shape_cast %sqrt3A : vector<128xf32> to vector<1x128xf32>
    %div3A_30 = vector.broadcast %broadcast_in_dim3A_29 : vector<1x128xf32> to vector<10000x128xf32>
    %div3A_31 = arith.divf %sub3A_25, %div3A_30 : vector<10000x128xf32>
    %get3A_32 = arith.constant 0 : index
    %get3A_33 = vector.load %arg3[%get3A_32] : memref<128xf32, #tpu.memory_space<vmem>>, vector<128xf32>
    %broadcast_in_dim3A_34 = vector.shape_cast %get3A_33 : vector<128xf32> to vector<1x128xf32>
    %mul3A_35 = vector.broadcast %broadcast_in_dim3A_34 : vector<1x128xf32> to vector<10000x128xf32>
    %mul3A_36 = arith.mulf %mul3A_35, %div3A_31 : vector<10000x128xf32>
    %get3A_37 = arith.constant 0 : index
    %get3A_38 = vector.load %arg4[%get3A_37] : memref<128xf32, #tpu.memory_space<vmem>>, vector<128xf32>
    %broadcast_in_dim3A_39 = vector.shape_cast %get3A_38 : vector<128xf32> to vector<1x128xf32>
    %add3A_40 = vector.broadcast %broadcast_in_dim3A_39 : vector<1x128xf32> to vector<10000x128xf32>
    %add3A_41 = arith.addf %mul3A_36, %add3A_40 : vector<10000x128xf32>
    %max3A = arith.constant 0.000000e+00 : f32
    %max3A_42 = vector.broadcast %max3A : f32 to vector<10000x128xf32>
    %max3A_43 = arith.maximumf %add3A_41, %max3A_42 : vector<10000x128xf32>
    %get3A_44 = arith.constant 0 : index
    %get3A_45 = arith.constant 0 : index
    %get3A_46 = vector.load %arg6[%get3A_44, %get3A_45] : memref<128x48xf32, #tpu.memory_space<vmem>>, vector<128x48xf32>
    %dot_general3A = arith.constant dense<0.000000e+00> : vector<10000x48xf32>
    %dot_general3A_47 = tpu.matmul %max3A_43, %get3A_46, %dot_general3A {dimension_numbers = #tpu.dot_dimension_numbers<[1], [0], [0], [1], [0, 0, 1, 1], [], []>, precision = #tpu.contract_precision<fp32>, transpose_lhs_hint = false} : vector<10000x128xf32>, vector<128x48xf32>, vector<10000x48xf32> -> vector<10000x48xf32>
    %mul3A_48 = vector.broadcast %rsqrt3A : vector<10000x1xf32> to vector<10000x48xf32>
    %mul3A_49 = arith.mulf %dot_general3A_47, %mul3A_48 : vector<10000x48xf32>
    %swap3A = arith.constant 0 : index
    %swap3A_50 = arith.constant 0 : index
    %swap3A_51 = vector.load %arg7[%swap3A, %swap3A_50] : memref<10000x48xf32, #tpu.memory_space<vmem>>, vector<10000x48xf32>
    tpu.vector_store %arg7[%swap3A, %swap3A_50], %mul3A_49 {strides = array<i32>} : memref<10000x48xf32, #tpu.memory_space<vmem>>, vector<10000x48xf32>,
    return
  }
}

module attributes {stable_mosaic.version = 14 : i64} {
  func.func @body(%arg0: memref<10000x48xf32, #tpu.memory_space<vmem>>, %arg1: memref<10000x48xf32, #tpu.memory_space<vmem>>, %arg2: memref<10000x16xf32, #tpu.memory_space<vmem>>, %arg3: memref<40xf32, #tpu.memory_space<vmem>>, %arg4: memref<10000x40xf32, #tpu.memory_space<vmem>>) attributes {dimension_semantics = [], scalar_prefetch = 0 : i64, scratch_operands = 0 : i64, tpu.core_type = #tpu.core_type<tc>} {
    %get3A = arith.constant 0 : index
    %get3A_0 = arith.constant 0 : index
    %get3A_1 = vector.load %arg0[%get3A, %get3A_0] : memref<10000x48xf32, #tpu.memory_space<vmem>>, vector<10000x48xf32>
    %get3A_2 = arith.constant 0 : index
    %get3A_3 = arith.constant 0 : index
    %get3A_4 = vector.load %arg1[%get3A_2, %get3A_3] : memref<10000x48xf32, #tpu.memory_space<vmem>>, vector<10000x48xf32>
    %add3A = arith.addf %get3A_1, %get3A_4 : vector<10000x48xf32>
    %get3A_5 = arith.constant 0 : index
    %get3A_6 = arith.constant 0 : index
    %get3A_7 = vector.load %arg2[%get3A_5, %get3A_6] : memref<10000x16xf32, #tpu.memory_space<vmem>>, vector<10000x1xf32>
    %rsqrt3A = math.rsqrt %get3A_7 : vector<10000x1xf32>
    %mul3A = vector.broadcast %rsqrt3A : vector<10000x1xf32> to vector<10000x48xf32>
    %mul3A_8 = arith.mulf %add3A, %mul3A : vector<10000x48xf32>
    %slice3A = vector.extract_strided_slice %mul3A_8 {offsets = [0, 0], sizes = [10000, 40], strides = [1, 1]} : vector<10000x48xf32> to vector<10000x40xf32>
    %get3A_9 = arith.constant 0 : index
    %get3A_10 = vector.load %arg3[%get3A_9] : memref<40xf32, #tpu.memory_space<vmem>>, vector<40xf32>
    %broadcast_in_dim3A = vector.shape_cast %get3A_10 : vector<40xf32> to vector<1x40xf32>
    %add3A_11 = vector.broadcast %broadcast_in_dim3A : vector<1x40xf32> to vector<10000x40xf32>
    %add3A_12 = arith.addf %slice3A, %add3A_11 : vector<10000x40xf32>
    %swap3A = arith.constant 0 : index
    %swap3A_13 = arith.constant 0 : index
    %swap3A_14 = vector.load %arg4[%swap3A, %swap3A_13] : memref<10000x40xf32, #tpu.memory_space<vmem>>, vector<10000x40xf32>
    tpu.vector_store %arg4[%swap3A, %swap3A_13], %add3A_12 {strides = array<i32>} : memref<10000x40xf32, #tpu.memory_space<vmem>>, vector<10000x40xf32>,
    return
  }
}

</mosaic_0001>

<sc_bundles>
// kernel: kernel.12.cloned.1.call-start
scs
__scs_entry_jumppad:
0x0: {  	(pc) =	sbr.rel $0x88, $3  }
0x1: {  	(tag) =	ssettag $0x0;
	lr =	simm.s32 $0x1  }
0x2: {  	[smem:$0x3F99] =	sst lr;
	_ =	strace $0xD0000000  }
0x3: {  	_ = 	snop  }
0x4: {  	_ = 	snop  }
0x5: {  	_ = 	snop  }
0x6: {  	_ = 	snop  }
0x7: {  	_ = 	snop  }
__scs_overlays_trampoline_lowered:
0x8: {  	[smem:$0x3FA8] =	sst s0  }
0x9: {  	[smem:$0x3FA9] =	sst s1  }
0xa: {  	[smem:$0x3FAA] =	sst s2  }
0xb: {  	[smem:$0x3FAB] =	sst s3  }
0xc: {  	[smem:$0x3FAC] =	sst s4  }
0xd: {  	[smem:$0x3FAD] =	sst s5  }
0xe: {  	[smem:$0x3FAE] =	sst s6  }
0xf: {  	[smem:$0x3FAF] =	sst s7  }
0x10: {  	[smem:$0x3FB0] =	sst s8  }
0x11: {  	[smem:$0x3FB1] =	sst s9;
	s0 =	simm.s32 @!p0 $0x0  }
0x12: {  	s1 =	sld [smem:$0x3F97];
	s0 =	simm.s32 @p0 $0x1  }
0x13: {  	[smem:$0x3FB2] =	sst s0;
	s0 =	simm.s32 @!p1 $0x0  }
0x14: {  	s2 =	sld [smem:$0x3F96];
	s0 =	simm.s32 @p1 $0x1  }
0x15: {  	[smem:$0x3FB3] =	sst s0;
	s0 =	simm.s32 @!p2 $0x0  }
0x16: {  	s3 =	sld [smem:$0x3FDB];
	s0 =	simm.s32 @p2 $0x1  }
0x17: {  	s4 =	simm.s32 $0x1BF5;
	[smem:$0x3FB5] =	sst s0  }
0x18: {  	s0 =	sld [smem:$0x3F98];
	_ =	swait.ge [sflag:s4], $0x0  }
0x19: {  	s7 =	sld [smem:$0x3F99]  }
0x1a: {  	s8 =	sadd.s32 $0xFFFFE003, lr  }
0x1b: {  	s9 =	sadd.s32 $0xFFFFFEF7, lr;
	s5 =	simm.s32 $0xFFFFFFFF;
	p2 =	slt.u32 s8, $0xFFFFF086  }
0x1c: {  	p1 =	slt.u32 s9, $0xF7A;
	s5 =	simm.s32 @!p2 $0x0  }
0x1d: {  	s5 =	simm.s32 @p1 $0x1;
	p0 =	seq.s32 s7, s2  }
0x1e: {  	s7 =	smul.u32 @!p0 $0xF7A, s2;
	p2 =	seq.s32 @!p0 s5, $0x0  }
0x1f: {  	s9 =	smul.u32 $0xF7A, s1;
	s8 =	simm.s32 @!p0 $0x1BF5;
	p2 =	por !p2, p0  }
0x20: {  	[sflag:s8] =	ssyncset.s32 @!p0 $0xFFFFF086;
	s6 =	sadd.s32 @!p0 s3, s7;
	s7 =	simm.s32 @!p0 $0x108  }
0x21: {  	s3 =	sadd.s32 s3, s9;
	s6 =	sadd.s32 @!p0 $0x88, s6;
	s7 =	simm.s32 @p2 $0x1082  }
0x22: {  	[simem:s7], [sflag:s8] =	dma.local @!p0 [hbm:s6], $0xF7A  }
0x23: {  	s9 =	sor.u32 $0xD0000000, s2;
	s6 =	simm.s32 $0x108;
	_ =	swait.ge @!p0 [sflag:s8], $0x0  }
0x24: {  	s3 =	sadd.s32 $0x88, s3;
	s6 =	simm.s32 @!p1 $0x1082;
	[sflag:s4] =	ssyncset.s32 $0xFFFFF086  }
0x25: {  	[simem:s6], [sflag:s4] =	dma.local [hbm:s3], $0xF7A  }
0x26: {  	[smem:$0x3F99] =	sst s1;
	(tag) =	ssettag s2;
	_ =	strace s9  }
0x27: {  	s1 =	sld [smem:$0x3FA9]  }
0x28: {  	s2 =	sld [smem:$0x3FAA]  }
0x29: {  	s4 =	sld [smem:$0x3FAC]  }
0x2a: {  	p0 =	seq.s32 s5, $0x0;
	s5 =	sld [smem:$0x3FAD]  }
0x2b: {  	s6 =	sld [smem:$0x3FAE]  }
0x2c: {  	s7 =	sld [smem:$0x3FAF]  }
0x2d: {  	s3 =	simm.s32 $0x108;
	s8 =	sld [smem:$0x3FB0]  }
0x2e: {  	s3 =	simm.s32 @!p0 $0x1082;
	s9 =	sld [smem:$0x3FB1]  }
0x2f: {  	lr =	sadd.s32 s0, s3;
	s0 =	sld [smem:$0x3FA8]  }
0x30: {  	s3 =	sld [smem:$0x3FAB]  }
0x31: {  	[smem:$0x3FB4] =	sst s10  }
0x32: {  	s10 =	sld [smem:$0x3FB2];
	_ =	sdelay $0x3  }
0x33: {  	p0 =	seq.s32 s10, $0x1;
	s10 =	sld [smem:$0x3FB4];
	_ =	sdelay $0x3  }
0x34: {  	[smem:$0x3FB4] =	sst s10  }
0x35: {  	s10 =	sld [smem:$0x3FB3];
	_ =	sdelay $0x3  }
0x36: {  	p1 =	seq.s32 s10, $0x1;
	s10 =	sld [smem:$0x3FB4];
	_ =	sdelay $0x3  }
0x37: {  	[smem:$0x3FB4] =	sst s10  }
0x38: {  	s10 =	sld [smem:$0x3FB5]  }
0x39: {  	_ = 	snop;
	(pc) =	sbr.ind lr, $3  }
0x3a: {  	_ = 	snop  }
0x3b: {  	_ = 	snop  }
0x3c: {  	p2 =	seq.s32 s10, $0x1;
	s10 =	sld [smem:$0x3FB4]  }
0x3d: {  	_ =	shalt  }
0x3e: {  	_ =	shalt  }
0x3f: {  	_ =	shalt  }
0x40: {  	_ =	shalt  }
0x41: {  	_ =	shalt  }
0x42: {  	_ =	shalt  }
0x43: {  	_ =	shalt  }
0x44: {  	_ =	shalt  }
0x45: {  	_ =	shalt  }
0x46: {  	_ =	shalt  }
0x47: {  	_ =	shalt  }
0x48: {  	_ =	shalt  }
0x49: {  	_ =	shalt  }
0x4a: {  	_ =	shalt  }
0x4b: {  	_ =	shalt  }
0x4c: {  	_ =	shalt  }
0x4d: {  	_ =	shalt  }
0x4e: {  	_ =	shalt  }
0x4f: {  	_ =	shalt  }
0x50: {  	_ =	shalt  }
0x51: {  	_ =	shalt  }
0x52: {  	_ =	shalt  }
0x53: {  	_ =	shalt  }
0x54: {  	_ =	shalt  }
0x55: {  	_ =	shalt  }
0x56: {  	_ =	shalt  }
0x57: {  	_ =	shalt  }
0x58: {  	_ =	shalt  }
0x59: {  	_ =	shalt  }
0x5a: {  	_ =	shalt  }
0x5b: {  	_ =	shalt  }
0x5c: {  	_ =	shalt  }
0x5d: {  	_ =	shalt  }
0x5e: {  	_ =	shalt  }
0x5f: {  	_ =	shalt  }
0x60: {  	_ =	shalt  }
0x61: {  	_ =	shalt  }
0x62: {  	_ =	shalt  }
0x63: {  	_ =	shalt  }
0x64: {  	_ =	shalt  }
0x65: {  	_ =	shalt  }
0x66: {  	_ =	shalt  }
0x67: {  	_ =	shalt  }
0x68: {  	_ =	shalt  }
0x69: {  	_ =	shalt  }
0x6a: {  	_ =	shalt  }
0x6b: {  	_ =	shalt  }
0x6c: {  	_ =	shalt  }
0x6d: {  	_ =	shalt  }
0x6e: {  	_ =	shalt  }
0x6f: {  	_ =	shalt  }
0x70: {  	_ =	shalt  }
0x71: {  	_ =	shalt  }
0x72: {  	_ =	shalt  }
0x73: {  	_ =	shalt  }
0x74: {  	_ =	shalt  }
0x75: {  	_ =	shalt  }
0x76: {  	_ =	shalt  }
0x77: {  	_ =	shalt  }
0x78: {  	_ =	shalt  }
0x79: {  	_ =	shalt  }
0x7a: {  	_ =	shalt  }
0x7b: {  	_ =	shalt  }
0x7c: {  	_ =	shalt  }
0x7d: {  	_ =	shalt  }
0x7e: {  	_ =	shalt  }
0x7f: {  	_ =	shalt  }
0x80: {  	_ =	shalt  }
0x81: {  	_ =	shalt  }
0x82: {  	_ =	shalt  }
0x83: {  	_ =	shalt  }
0x84: {  	_ =	shalt  }
0x85: {  	_ =	shalt  }
0x86: {  	_ =	shalt  }
0x87: {  	_ =	shalt  }
.Lfunc_end0:
.L_simem_size_0:
called_computation.1_lowered:
.L_overlay_start_0:
0x88: {  	s2 =	sld [smem:$0x3FD9]  }
0x89: {  	s3 =	sld [smem:$0x3FFE];
	_ =	sdelay $0x1  }
0x8a: {  	s1 =	srdreg.scid  }
0x8b: {  	s0 =	sand.u32 $0x1, s1  }
0x8c: {  	s17 =	sshll.u32 s0, $0xA;
	s2 =	sadd.s32 s3, s2  }
0x8d: {  	s2 =	sadd.s32 s2, s17  }
0x8e: {  	[smem:$0x3FC0] =	sst s2  }
0x8f: {  	_ = 	snop  }
0x90: {  	s2 =	sld [smem:$0x3FD0];
	(tm) =	ssettm $0x1  }
0x91: {  	s18 =	sld [smem:$0x3FFB];
	_ =	sdelay $0x3  }
0x92: {  	_ =	strace s18  }
0x93: {  	s3 =	sld [smem:$0x3FFC];
	_ =	sdelay $0x3  }
0x94: {  	_ =	strace s3  }
0x95: {  	s3 =	sld [smem:$0x3FFD];
	_ =	sdelay $0x3  }
0x96: {  	_ =	strace s3  }
0x97: {  	_ =	strace $0x8FFFFFFF  }
0x98: {  	s19 =	sld [smem:$0x3FDB];
	_ =	sdelay $0x1  }
0x99: {  	s4 =	simm.s32 $_scs_section_size  }
0x9a: {  	s5 =	simm.s32 $_size__tile_overlayer_lowered;
	s6 =	simm.s32 $_tile_overlayer_lowered  }
0x9b: {  	s22 =	simm.s32 $0x1BFF;
	s21 =	sshll.u32 s6, $0x1;
	s3 =	sadd.s32 s4, s19  }
0x9c: {  	s7 =	simm.s32 $0x0;
	s20 =	sshll.u32 s5, $0x1;
	s5 =	sadd.s32 s21, s3  }
0x9d: {  	[timem:s7], [sflag:s22] =	dma.local [hbm:s5], s20  }
0x9e: {  	_ =	swait.ge [sflag:s22], s20  }
0x9f: {  	s4 =	ssub.s32 $0x0, s20;
	[sflag:s22] =	ssyncset.done $0x0  }
0xa0: {  	[sflag:s22] =	ssyncadd.s32 s4;
	_ =	sdelay $0x1  }
0xa1: {  	s23 =	simm.s32 $0x1B8B  }
0xa2: {  	_ =	swait.ge [sflag:s23], $0x1  }
0xa3: {  	[sflag:s23] =	ssyncset.done $0x0  }
0xa4: {  	s25 =	simm.s32 $0x1B8E;
	s24 =	sld [smem:$0x3FFE];
	[sflag:s23] =	ssyncadd.s32 $0xFFFFFFFF  }
0xa5: {  	s26 =	simm.s32 $execute0_lowered;
	[smem:$0x3FD2] =	sst s25  }
0xa6: {  	s5 =	sshll.u32 s26, $0x1;
	_ =	strace $0x80000049;
	[dreg:$0x1] =	wrdreg $0xFFFFFFFF  }
0xa7: {  	s28 =	simm.s32 $_size_execute0_lowered;
	s3 =	sadd.s32 s3, s5;
	[dreg:$0x0] =	wrdreg $0x0  }
0xa8: {  	s5 =	sshll.u32 s28, $0x1;
	[dreg:$0x2] =	wrdreg s3  }
0xa9: {  	[dreg:$0x3] =	wrdreg s5  }
0xaa: {  	[dreg:$0x4] =	wrdreg $0xC0  }
0xab: {  	_ =	task [dreg:s7], $0x5FFFF  }
0xac: {  	[dreg:$0x1] =	wrdreg $0xFFFFFFFF  }
0xad: {  	[dreg:$0x0] =	wrdreg $0x60  }
0xae: {  	[dreg:$0x2] =	wrdreg s24  }
0xaf: {  	[dreg:$0x3] =	wrdreg s2  }
0xb0: {  	[dreg:$0x4] =	wrdreg $0x11D000  }
0xb1: {  	[dreg:$0x5] =	wrdreg $0x9  }
0xb2: {  	_ =	task.clear_ibuf [dreg:s7], $0x6FFFF;
	_ =	strace $0x90000049  }
0xb3: {  	s29 =	simm.s32 $0x9;
	_ =	strace $0x8000004B  }
0xb4: {  	_ =	swait.ge [sflag:s29], $0x1  }
0xb5: {  	[sflag:s29] =	ssyncadd.s32 $0xFFFFFFFF  }
0xb6: {  	_ =	strace $0x9000004B  }
0xb7: {  	_ =	sfence  }
0xb8: {  	s30 =	sld [smem:$0x0];
	_ =	sdelay $0x2  }
0xb9: {  	s31 =	sshll.u32 s1, $0xD;
	s1 =	sshrl.u32 s1, $0x2  }
0xba: {  	s3 =	sand.u32 $0x4000, s31;
	s1 =	sadd.s32 s1, s30  }
0xbb: {  	s0 =	sor.u32 s3, s0;
	s1 =	sshll.u32 s1, $0x11  }
0xbc: {  	s0 =	sor.u32 s1, s0  }
0xbd: {  	s0 =	sadd.s32 $0x8F2B, s0  }
0xbe: {  	[sflag:s0] =	ssyncadd.remote.s32 $0x1  }
0xbf: {  	_ =	sfence.sel $0xFFFF  }
0xc0: {  	[dreg:$0x0] =	wrdreg $0xFFFFFFFF;
	(pc) =	sbr.abs _section_cstart, $3  }
0xc1: {  	[dreg:$0x1] =	wrdreg $0xFFFFFFFF  }
0xc2: {  	_ =	task.clear_ibuf [dreg:s7], $0x2FFFF;
	_ =	strace $0x9FFFFFFF  }
0xc3: {  	(tm) =	ssettm $0x7FFFFFFF  }
tec
execute0_lowered:
.L_overlay_start_1:
0x0: {  	(tag) =	ssettag $0x1  }
0x1: {  	s0 =	rddreg [dreg:$0x0]  }
0x2: {  	s1 =	rddreg [dreg:$0x1]  }
0x3: {  	s3 =	srdreg.scid;
	s9 =	stileid.u32  }
0x4: {  	s2 =	rddreg [dreg:$0x2];
	s14 =	simm.s32 $0xA000;
	s15 =	simm.s32 $0x5  }
0x5: {  	s17 =	simm.s32 $0x7D;
	s19 =	simm.s32 $0xBF40;
	s21 =	simm.s32 $0xDE80  }
0x6: {  	s22 =	simm.s32 $0xFDC0;
	s23 =	simm.s32 $0x1;
	s24 =	simm.s32 $0x2  }
0x7: {  	s25 =	simm.s32 $0x3;
	s26 =	simm.s32 $0x4;
	s10 =	smul.u32 $0x5000, s9  }
0x8: {  	s31 =	simm.s32 $0x9F00;
	s16 =	simm.s32 $0x8;
	s6 =	smul.u32 $0x13880, s9  }
0x9: {  	s5 =	sand.u32 $0x1, s3;
	s3 =	simm.s32 $0x0;
	s9 =	smul.u32 $0x27100, s9  }
0xa: {  	s4 =	smul.u32 $0x50000, s5;
	[smem:$0x7FF] =	sst s3;
	s8 =	sshll.u32 s5, $0x6  }
0xb: {  	s28 =	ssub.s32 $0x2, s5;
	_ =	strace $0x8000004A;
	s6 =	sor.u32 s8, s6  }
0xc: {  	s29 =	sshrl.u32 s9, $0x2;
	s30 =	sshrl.u32 s28, $0x1;
	s12 =	sshrl.u32 s10, $0x3  }
0xd: {  	s4 =	sadd.s32 s10, s4;
	s6 =	sshrl.u32 s6, $0x3;
	s5 =	sadd.s32 s29, s2  }
0xe: {  	s13 =	ssub.s32 s28, s30;
	s7 =	sshrl.u32 s4, $0x3;
	s4 =	sadd.s32 $0x1AE00, s0  }
0xf: {  	s8 =	sadd.s32 $0x5DC0, s5;
	s9 =	sadd.s32 $0x7D00, s5;
	s13 =	smax.u32 s13, $0x1  }
0x10: {  	s11 =	sadd.s32 s7, s0;
	s0 =	sadd.s32 s6, s0;
	s6 =	sadd.s32 $0x1F40, s5  }
0x11: {  	s7 =	sadd.s32 $0x3E80, s5;
	s10 =	sadd.s32 $0x6E00, s11;
	s11 =	sadd.s32 s1, s12  }
0x12: {  	v0 =	vimm.f32 $0.0e+00;
	s12 =	sadd.s32 $0x42000, s0;
	s1 =	simm.s32 $0x9F80;
	s0 =	simm.s32 $0x10  }
.LBB2_1:
0x13: {  	s20 =	simm.s32 $0x100;
	s18 =	simm.s32 $0x0  }
.LBB2_2:
0x14: {  	p0 =	sne.s32 s20, $0x7C00;
	[tilespmem:s18+$0xA030] =	vst v0;
	s28 =	smov.u32 s20;
	s20 =	sadd.s32 $0x100, s20  }
.Ltmp0:
0x15: {  	[tilespmem:s18+$0xA020] =	vst v0;
	(pc) =	sbr.rel @p0 .LBB2_2-.Ltmp0, $3  }
0x16: {  	[tilespmem:s18+$0xA000] =	vst v0  }
0x17: {  	[tilespmem:s18+$0xA010] =	vst v0;
	_ =	sdelay $0x1  }
0x18: {  	s18 =	sshra.s32 s28, $0x2  }
0x19: {  	[tilespmem:s18+$0xA030] =	vst v0  }
0x1a: {  	[tilespmem:s18+$0xA020] =	vst v0  }
0x1b: {  	[tilespmem:s18+$0xA000] =	vst v0  }
0x1c: {  	[tilespmem:s18+$0xA010] =	vst v0  }
0x1d: {  	[spmem:s5] =	stream.linear.scatter [tilespmem:s14], [sflag:$0x5], $0x1F40, $0x38;
	[tilespmem:$0x1B940] =	vst v63  }
0x1e: {  	_ =	swait.ge [sflag:s15], $0x1F40  }
0x1f: {  	[sflag:s15] =	ssyncset.done $0x0  }
0x20: {  	[sflag:s15] =	ssyncadd.s32 $0xFFFFE0C0  }
0x21: {  	[spmem:s6] =	stream.linear.scatter [tilespmem:s14], [sflag:$0x5], $0x1F40, $0x38;
	[tilespmem:$0x1B940] =	vst v63  }
0x22: {  	_ =	swait.ge [sflag:s15], $0x1F40  }
0x23: {  	[sflag:s15] =	ssyncset.done $0x0  }
0x24: {  	[sflag:s15] =	ssyncadd.s32 $0xFFFFE0C0  }
0x25: {  	[spmem:s7] =	stream.linear.scatter [tilespmem:s14], [sflag:$0x5], $0x1F40, $0x38;
	[tilespmem:$0x1B940] =	vst v63  }
0x26: {  	_ =	swait.ge [sflag:s15], $0x1F40  }
0x27: {  	[sflag:s15] =	ssyncset.done $0x0  }
0x28: {  	[sflag:s15] =	ssyncadd.s32 $0xFFFFE0C0  }
0x29: {  	[spmem:s8] =	stream.linear.scatter [tilespmem:s14], [sflag:$0x5], $0x1F40, $0x38;
	[tilespmem:$0x1B940] =	vst v63  }
0x2a: {  	_ =	swait.ge [sflag:s15], $0x1F40  }
0x2b: {  	[sflag:s15] =	ssyncset.done $0x0  }
0x2c: {  	[sflag:s15] =	ssyncadd.s32 $0xFFFFE0C0  }
0x2d: {  	[spmem:s9] =	stream.linear.scatter [tilespmem:s14], [sflag:$0x5], $0x1F40, $0x38;
	[tilespmem:$0x1B940] =	vst v63  }
0x2e: {  	_ =	swait.ge [sflag:s15], $0x1F40  }
0x2f: {  	[sflag:s15] =	ssyncset.done $0x0  }
0x30: {  	s28 =	simm.s32 $0x0;
	[sflag:s15] =	ssyncadd.s32 $0xFFFFE0C0  }
0x31: {  	[tilespmem:s28], [sflag:$0x5] =	stream.linear.gather [hbm4b:s10+s28], $0x5000, $0x38;
	[tilespmem:$0x1B940] =	vst v63  }
0x32: {  	_ =	swait.ge [sflag:s15], $0x5000  }
0x33: {  	[sflag:s15] =	ssyncset.done $0x0  }
0x34: {  	s20 =	simm.s32 $0x5000;
	[sflag:s15] =	ssyncadd.s32 $0xFFFFB000  }
0x35: {  	[tilespmem:s20], [sflag:$0x5] =	stream.linear.gather [hbm4b:s11+s28], $0x5000, $0x38;
	[tilespmem:$0x1B940] =	vst v63  }
0x36: {  	_ =	swait.ge [sflag:s15], $0x5000  }
0x37: {  	[sflag:s15] =	ssyncset.done $0x0  }
0x38: {  	[sflag:s15] =	ssyncadd.s32 $0xFFFFB000  }
0x39: {  	[bflag:$0x0] =	sbarrier.arrive $0xFFFF  }
0x3a: {  	[tilespmem:s14], [sflag:$0x1] =	stream.indirect.gather [hbm4b:s4+s17], $0x40, s28, s17, $0xb8;
	[tilespmem:$0x1B940] =	vst v63  }
0x3b: {  	s29 =	simm.s32 $0x80  }
0x3c: {  	[tilespmem:s19], [sflag:$0x2] =	stream.indirect.gather [hbm4b:s4+s17], $0x40, s29, s17, $0xb8;
	[tilespmem:$0x1B940] =	vst v63  }
0x3d: {  	s30 =	simm.s32 $0x100  }
0x3e: {  	[tilespmem:s21], [sflag:$0x3] =	stream.indirect.gather [hbm4b:s4+s17], $0x40, s30, s17, $0xb8;
	[tilespmem:$0x1B940] =	vst v63  }
0x3f: {  	s20 =	simm.s32 $0x180  }
0x40: {  	[tilespmem:s22], [sflag:$0x4] =	stream.indirect.gather [hbm4b:s4+s17], $0x40, s20, s17, $0xb8;
	[tilespmem:$0x1B940] =	vst v63  }
0x41: {  	_ =	swait.ge [sflag:s23], $0x1F40  }
0x42: {  	[sflag:s23] =	ssyncset.done $0x0  }
0x43: {  	s28 =	simm.s32 $0x5000;
	[sflag:s23] =	ssyncadd.s32 $0xFFFFE0C0  }
0x44: {  	[spmem:s2] =	stream.indirect.scatter.add.f32 [tilespmem:s14], [sflag:$0x5], $0x40, s28, s17, $0xb8;
	[tilespmem:$0x1B940] =	vst v63  }
0x45: {  	_ =	swait.ge [sflag:s15], $0x1F40  }
0x46: {  	[sflag:s15] =	ssyncset.done $0x0  }
0x47: {  	s29 =	simm.s32 $0x200;
	[sflag:s15] =	ssyncadd.s32 $0xFFFFE0C0  }
0x48: {  	[tilespmem:s14], [sflag:$0x1] =	stream.indirect.gather [hbm4b:s4+s17], $0x40, s29, s17, $0xb8;
	[tilespmem:$0x1B940] =	vst v63  }
0x49: {  	_ =	swait.ge [sflag:s24], $0x1F40  }
0x4a: {  	[sflag:s24] =	ssyncset.done $0x0  }
0x4b: {  	s30 =	simm.s32 $0x5080;
	[sflag:s24] =	ssyncadd.s32 $0xFFFFE0C0  }
0x4c: {  	[spmem:s2] =	stream.indirect.scatter.add.f32 [tilespmem:s19], [sflag:$0x5], $0x40, s30, s17, $0xb8;
	[tilespmem:$0x1B940] =	vst v63  }
0x4d: {  	_ =	swait.ge [sflag:s15], $0x1F40  }
0x4e: {  	[sflag:s15] =	ssyncset.done $0x0  }
0x4f: {  	s20 =	simm.s32 $0x280;
	[sflag:s15] =	ssyncadd.s32 $0xFFFFE0C0  }
0x50: {  	[tilespmem:s19], [sflag:$0x2] =	stream.indirect.gather [hbm4b:s4+s17], $0x40, s20, s17, $0xb8;
	[tilespmem:$0x1B940] =	vst v63  }
0x51: {  	_ =	swait.ge [sflag:s25], $0x1F40  }
0x52: {  	[sflag:s25] =	ssyncset.done $0x0  }
0x53: {  	s28 =	simm.s32 $0x5100;
	[sflag:s25] =	ssyncadd.s32 $0xFFFFE0C0  }
0x54: {  	[spmem:s2] =	stream.indirect.scatter.add.f32 [tilespmem:s21], [sflag:$0x5], $0x40, s28, s17, $0xb8;
	[tilespmem:$0x1B940] =	vst v63  }
0x55: {  	_ =	swait.ge [sflag:s15], $0x1F40  }
0x56: {  	[sflag:s15] =	ssyncset.done $0x0  }
0x57: {  	s29 =	simm.s32 $0x300;
	[sflag:s15] =	ssyncadd.s32 $0xFFFFE0C0  }
0x58: {  	[tilespmem:s21], [sflag:$0x3] =	stream.indirect.gather [hbm4b:s4+s17], $0x40, s29, s17, $0xb8;
	[tilespmem:$0x1B940] =	vst v63  }
0x59: {  	_ =	swait.ge [sflag:s26], $0x1F40  }
0x5a: {  	[sflag:s26] =	ssyncset.done $0x0  }
0x5b: {  	s30 =	simm.s32 $0x5180;
	[sflag:s26] =	ssyncadd.s32 $0xFFFFE0C0  }
0x5c: {  	[spmem:s2] =	stream.indirect.scatter.add.f32 [tilespmem:s22], [sflag:$0x5], $0x40, s30, s17, $0xb8;
	[tilespmem:$0x1B940] =	vst v63  }
0x5d: {  	_ =	swait.ge [sflag:s15], $0x1F40  }
0x5e: {  	s18 =	simm.s32 $0x200;
	s20 =	simm.s32 $0x1000;
	[sflag:s15] =	ssyncset.done $0x0  }
.LBB2_4:
0x5f: {  	s30 =	sadd.s32 $0x180, s18  }
0x60: {  	[sflag:s15] =	ssyncadd.s32 $0xFFFFE0C0;
	s28 =	smov.u32 s20;
	s29 =	sadd.s32 $0x800, s20  }
0x61: {  	[tilespmem:s22], [sflag:$0x4] =	stream.indirect.gather [hbm4b:s4+s17], $0x40, s30, s17, $0xb8;
	[tilespmem:$0x1B940] =	vst v63  }
0x62: {  	p0 =	sne.s32 s20, $0x13000;
	_ =	swait.ge [sflag:s23], $0x1F40  }
0x63: {  	[sflag:s23] =	ssyncset.done $0x0  }
0x64: {  	s20 =	sadd.s32 $0x5000, s18;
	[sflag:s23] =	ssyncadd.s32 $0xFFFFE0C0  }
0x65: {  	[spmem:s2] =	stream.indirect.scatter.add.f32 [tilespmem:s14], [sflag:$0x5], $0x40, s20, s17, $0xb8;
	[tilespmem:$0x1B940] =	vst v63  }
0x66: {  	_ =	swait.ge [sflag:s15], $0x1F40  }
0x67: {  	[sflag:s15] =	ssyncset.done $0x0  }
0x68: {  	s20 =	sadd.s32 $0x200, s18;
	[sflag:s15] =	ssyncadd.s32 $0xFFFFE0C0  }
0x69: {  	[tilespmem:s14], [sflag:$0x1] =	stream.indirect.gather [hbm4b:s4+s17], $0x40, s20, s17, $0xb8;
	[tilespmem:$0x1B940] =	vst v63  }
0x6a: {  	_ =	swait.ge [sflag:s24], $0x1F40  }
0x6b: {  	[sflag:s24] =	ssyncset.done $0x0  }
0x6c: {  	s20 =	sadd.s32 $0x5080, s18;
	[sflag:s24] =	ssyncadd.s32 $0xFFFFE0C0  }
0x6d: {  	[spmem:s2] =	stream.indirect.scatter.add.f32 [tilespmem:s19], [sflag:$0x5], $0x40, s20, s17, $0xb8;
	[tilespmem:$0x1B940] =	vst v63  }
0x6e: {  	_ =	swait.ge [sflag:s15], $0x1F40  }
0x6f: {  	[sflag:s15] =	ssyncset.done $0x0  }
0x70: {  	s20 =	sadd.s32 $0x280, s18;
	[sflag:s15] =	ssyncadd.s32 $0xFFFFE0C0  }
0x71: {  	[tilespmem:s19], [sflag:$0x2] =	stream.indirect.gather [hbm4b:s4+s17], $0x40, s20, s17, $0xb8;
	[tilespmem:$0x1B940] =	vst v63  }
0x72: {  	_ =	swait.ge [sflag:s25], $0x1F40  }
0x73: {  	[sflag:s25] =	ssyncset.done $0x0  }
0x74: {  	s20 =	sadd.s32 $0x5100, s18;
	[sflag:s25] =	ssyncadd.s32 $0xFFFFE0C0  }
0x75: {  	[spmem:s2] =	stream.indirect.scatter.add.f32 [tilespmem:s21], [sflag:$0x5], $0x40, s20, s17, $0xb8;
	[tilespmem:$0x1B940] =	vst v63  }
0x76: {  	_ =	swait.ge [sflag:s15], $0x1F40  }
0x77: {  	[sflag:s15] =	ssyncset.done $0x0  }
0x78: {  	s20 =	sadd.s32 $0x300, s18;
	[sflag:s15] =	ssyncadd.s32 $0xFFFFE0C0  }
0x79: {  	[tilespmem:s21], [sflag:$0x3] =	stream.indirect.gather [hbm4b:s4+s17], $0x40, s20, s17, $0xb8;
	[tilespmem:$0x1B940] =	vst v63  }
0x7a: {  	_ =	swait.ge [sflag:s26], $0x1F40  }
.Ltmp1:
0x7b: {  	[sflag:s26] =	ssyncset.done $0x0;
	(pc) =	sbr.rel @p0 .LBB2_4-.Ltmp1, $4  }
0x7c: {  	s18 =	sadd.s32 $0x5180, s18;
	[sflag:s26] =	ssyncadd.s32 $0xFFFFE0C0  }
0x7d: {  	[spmem:s2] =	stream.indirect.scatter.add.f32 [tilespmem:s22], [sflag:$0x5], $0x40, s18, s17, $0xb8;
	[tilespmem:$0x1B940] =	vst v63  }
0x7e: {  	_ =	swait.ge [sflag:s15], $0x1F40  }
0x7f: {  	s20 =	smov.u32 s29;
	s18 =	sshra.s32 s28, $0x2;
	[sflag:s15] =	ssyncset.done $0x0  }
0x80: {  	s20 =	sadd.s32 $0x180, s18;
	[sflag:s15] =	ssyncadd.s32 $0xFFFFE0C0  }
0x81: {  	[tilespmem:s22], [sflag:$0x4] =	stream.indirect.gather [hbm4b:s4+s17], $0x40, s20, s17, $0xb8;
	[tilespmem:$0x1B940] =	vst v63  }
0x82: {  	_ =	swait.ge [sflag:s23], $0x1F40  }
0x83: {  	[sflag:s23] =	ssyncset.done $0x0  }
0x84: {  	s29 =	sadd.s32 $0x5000, s18;
	[sflag:s23] =	ssyncadd.s32 $0xFFFFE0C0  }
0x85: {  	[spmem:s2] =	stream.indirect.scatter.add.f32 [tilespmem:s14], [sflag:$0x5], $0x40, s29, s17, $0xb8;
	[tilespmem:$0x1B940] =	vst v63  }
0x86: {  	_ =	swait.ge [sflag:s15], $0x1F40  }
0x87: {  	[sflag:s15] =	ssyncset.done $0x0  }
0x88: {  	s30 =	sadd.s32 $0x200, s18;
	[sflag:s15] =	ssyncadd.s32 $0xFFFFE0C0  }
0x89: {  	[tilespmem:s14], [sflag:$0x1] =	stream.indirect.gather [hbm4b:s4+s17], $0x40, s30, s17, $0xb8;
	[tilespmem:$0x1B940] =	vst v63  }
0x8a: {  	_ =	swait.ge [sflag:s24], $0x1F40  }
0x8b: {  	[sflag:s24] =	ssyncset.done $0x0  }
0x8c: {  	s28 =	sadd.s32 $0x5080, s18;
	[sflag:s24] =	ssyncadd.s32 $0xFFFFE0C0  }
0x8d: {  	[spmem:s2] =	stream.indirect.scatter.add.f32 [tilespmem:s19], [sflag:$0x5], $0x40, s28, s17, $0xb8;
	[tilespmem:$0x1B940] =	vst v63  }
0x8e: {  	_ =	swait.ge [sflag:s15], $0x1F40  }
0x8f: {  	[sflag:s15] =	ssyncset.done $0x0  }
0x90: {  	s29 =	sadd.s32 $0x280, s18;
	[sflag:s15] =	ssyncadd.s32 $0xFFFFE0C0  }
0x91: {  	[tilespmem:s19], [sflag:$0x2] =	stream.indirect.gather [hbm4b:s4+s17], $0x40, s29, s17, $0xb8;
	[tilespmem:$0x1B940] =	vst v63  }
0x92: {  	_ =	swait.ge [sflag:s25], $0x1F40  }
0x93: {  	[sflag:s25] =	ssyncset.done $0x0  }
0x94: {  	s30 =	sadd.s32 $0x5100, s18;
	[sflag:s25] =	ssyncadd.s32 $0xFFFFE0C0  }
0x95: {  	[spmem:s2] =	stream.indirect.scatter.add.f32 [tilespmem:s21], [sflag:$0x5], $0x40, s30, s17, $0xb8;
	[tilespmem:$0x1B940] =	vst v63  }
0x96: {  	_ =	swait.ge [sflag:s15], $0x1F40  }
0x97: {  	[sflag:s15] =	ssyncset.done $0x0  }
0x98: {  	s28 =	sadd.s32 $0x300, s18;
	[sflag:s15] =	ssyncadd.s32 $0xFFFFE0C0  }
0x99: {  	[tilespmem:s21], [sflag:$0x3] =	stream.indirect.gather [hbm4b:s4+s17], $0x40, s28, s17, $0xb8;
	[tilespmem:$0x1B940] =	vst v63  }
0x9a: {  	_ =	swait.ge [sflag:s26], $0x1F40  }
0x9b: {  	[sflag:s26] =	ssyncset.done $0x0  }
0x9c: {  	s29 =	sadd.s32 $0x5180, s18;
	[sflag:s26] =	ssyncadd.s32 $0xFFFFE0C0  }
0x9d: {  	[spmem:s2] =	stream.indirect.scatter.add.f32 [tilespmem:s22], [sflag:$0x5], $0x40, s29, s17, $0xb8;
	[tilespmem:$0x1B940] =	vst v63  }
0x9e: {  	_ =	swait.ge [sflag:s15], $0x1F40  }
0x9f: {  	[sflag:s15] =	ssyncset.done $0x0  }
0xa0: {  	s30 =	simm.s32 $0x4F80;
	[sflag:s15] =	ssyncadd.s32 $0xFFFFE0C0  }
0xa1: {  	[tilespmem:s22], [sflag:$0x4] =	stream.indirect.gather [hbm4b:s4+s17], $0x40, s30, s17, $0xb8;
	[tilespmem:$0x1B940] =	vst v63  }
0xa2: {  	_ =	swait.ge [sflag:s23], $0x1F40  }
0xa3: {  	[sflag:s23] =	ssyncset.done $0x0  }
0xa4: {  	s20 =	simm.s32 $0x9E00;
	[sflag:s23] =	ssyncadd.s32 $0xFFFFE0C0  }
0xa5: {  	[spmem:s2] =	stream.indirect.scatter.add.f32 [tilespmem:s14], [sflag:$0x5], $0x40, s20, s17, $0xb8;
	[tilespmem:$0x1B940] =	vst v63  }
0xa6: {  	_ =	swait.ge [sflag:s15], $0x1F40  }
0xa7: {  	[sflag:s15] =	ssyncset.done $0x0  }
0xa8: {  	[sflag:s15] =	ssyncadd.s32 $0xFFFFE0C0  }
0xa9: {  	_ =	swait.ge [sflag:s24], $0x1F40  }
0xaa: {  	[sflag:s24] =	ssyncset.done $0x0  }
0xab: {  	s28 =	simm.s32 $0x9E80;
	[sflag:s24] =	ssyncadd.s32 $0xFFFFE0C0  }
0xac: {  	[spmem:s2] =	stream.indirect.scatter.add.f32 [tilespmem:s19], [sflag:$0x5], $0x40, s28, s17, $0xb8;
	[tilespmem:$0x1B940] =	vst v63  }
0xad: {  	_ =	swait.ge [sflag:s15], $0x1F40  }
0xae: {  	[sflag:s15] =	ssyncset.done $0x0  }
0xaf: {  	[sflag:s15] =	ssyncadd.s32 $0xFFFFE0C0  }
0xb0: {  	_ =	swait.ge [sflag:s25], $0x1F40  }
0xb1: {  	[sflag:s25] =	ssyncset.done $0x0  }
0xb2: {  	[sflag:s25] =	ssyncadd.s32 $0xFFFFE0C0  }
0xb3: {  	[spmem:s2] =	stream.indirect.scatter.add.f32 [tilespmem:s21], [sflag:$0x5], $0x40, s31, s17, $0xb8;
	[tilespmem:$0x1B940] =	vst v63  }
0xb4: {  	_ =	swait.ge [sflag:s15], $0x1F40  }
0xb5: {  	[sflag:s15] =	ssyncset.done $0x0  }
0xb6: {  	[sflag:s15] =	ssyncadd.s32 $0xFFFFE0C0  }
0xb7: {  	_ =	swait.ge [sflag:s26], $0x1F40  }
0xb8: {  	[sflag:s26] =	ssyncset.done $0x0  }
0xb9: {  	[sflag:s26] =	ssyncadd.s32 $0xFFFFE0C0  }
0xba: {  	[spmem:s2] =	stream.indirect.scatter.add.f32 [tilespmem:s22], [sflag:$0x5], $0x40, s1, s17, $0xb8;
	[tilespmem:$0x1B940] =	vst v63  }
0xbb: {  	s29 =	stileid.u32;
	_ =	swait.ge [sflag:s15], $0x1F40  }
0xbc: {  	s3 =	sadd.s32 $0x1, s3;
	s18 =	sshll.u32 s29, $0x6;
	[sflag:s15] =	ssyncset.done $0x0  }
0xbd: {  	p0 =	sne.s32 s3, s13;
	s18 =	sor.u32 $0x1C05, s18;
	[sflag:s15] =	ssyncadd.s32 $0xFFFFE0C0  }
.Ltmp2:
0xbe: {  	s30 =	sshrl.u32 s5, $0x3;
	[bflag:$0x0] =	sbarrier.arrive $0xFFFF;
	(pc) =	sbr.rel @p0 .LBB2_1-.Ltmp2, $4  }
0xbf: {  	[hbm:s12@s0], [sflag:s18] =	dma.strided [spmem:s30@s16], $0x1388, s23, $0x8   }
0xc0: {  	_ =	swait.ge [sflag:s15], $0x1388  }
0xc1: {  	[sflag:s15] =	ssyncset.done $0x0  }
0xc2: {  	[sflag:s15] =	ssyncadd.s32 $0xFFFFEC78  }
0xc3: {  	_ =	sfence.sel $0x180000  }
0xc4: {  	[bflag:$0x0] =	sbarrier.arrive $0xFFFF  }
0xc5: {  	_ =	strace $0x9000004A  }
0xc6: {  	s0 =	stileid.u32;
	[bflag:$0x2] =	sbarrier.arrive $0xFFFF  }
0xc7: {  	p0 =	sne.s32 s0, $0x0;
	s0 =	rddreg [dreg:$0x3]  }
0xc8: {  	s0 =	sadd.s32 @!p0 $0x100000, s0  }
0xc9: {  	[sflag:s0] =	ssyncadd.tile.s32 @!p0 $0x1;
	_ =	shalt  }
.Lfunc_end2:
_tile_overlayer_lowered:
.L_overlay_start_2:
0xca: {  	(tag) =	ssettag $0x2  }
0xcb: {  	s0 =	rddreg [dreg:$0x0];
	s2 =	stileid.u32  }
0xcc: {  	s1 =	rddreg [dreg:$0x1];
	p0 =	sne.s32 s2, $0x0  }
0xcd: {  	s3 =	rddreg [dreg:$0x2];
	[bflag:$0x3] =	sbarrier.arrive $0xFFFF;
	s2 =	simm.s32 @!p0 $0x1C05  }
0xce: {  	[timem:s3], [sflag:s2] =	dma.local @!p0 [hbm:s0], s1  }
0xcf: {  	s0 =	simm.s32 @!p0 $0x5  }
0xd0: {  	_ =	swait.ge @!p0 [sflag:s0], s1  }
0xd1: {  	s1 =	ssub.s32 @!p0 $0x0, s1;
	[sflag:s0] =	ssyncset.done @!p0 $0x0  }
0xd2: {  	[sflag:s0] =	ssyncadd.s32 @!p0 s1  }
0xd3: {  	[bflag:$0x3] =	sbarrier.arrive $0xFFFF  }
0xd4: {  	_ =	shalt  }

// kernel: kernel.15.cloned.1.call-start
scs
__scs_entry_jumppad:
0x0: {  	(pc) =	sbr.rel $0x88, $3  }
0x1: {  	(tag) =	ssettag $0x0;
	lr =	simm.s32 $0x1  }
0x2: {  	[smem:$0x3F99] =	sst lr;
	_ =	strace $0xD0000000  }
0x3: {  	_ = 	snop  }
0x4: {  	_ = 	snop  }
0x5: {  	_ = 	snop  }
0x6: {  	_ = 	snop  }
0x7: {  	_ = 	snop  }
__scs_overlays_trampoline_lowered:
0x8: {  	[smem:$0x3FA8] =	sst s0  }
0x9: {  	[smem:$0x3FA9] =	sst s1  }
0xa: {  	[smem:$0x3FAA] =	sst s2  }
0xb: {  	[smem:$0x3FAB] =	sst s3  }
0xc: {  	[smem:$0x3FAC] =	sst s4  }
0xd: {  	[smem:$0x3FAD] =	sst s5  }
0xe: {  	[smem:$0x3FAE] =	sst s6  }
0xf: {  	[smem:$0x3FAF] =	sst s7  }
0x10: {  	[smem:$0x3FB0] =	sst s8  }
0x11: {  	[smem:$0x3FB1] =	sst s9;
	s0 =	simm.s32 @!p0 $0x0  }
0x12: {  	s1 =	sld [smem:$0x3F97];
	s0 =	simm.s32 @p0 $0x1  }
0x13: {  	[smem:$0x3FB2] =	sst s0;
	s0 =	simm.s32 @!p1 $0x0  }
0x14: {  	s2 =	sld [smem:$0x3F96];
	s0 =	simm.s32 @p1 $0x1  }
0x15: {  	[smem:$0x3FB3] =	sst s0;
	s0 =	simm.s32 @!p2 $0x0  }
0x16: {  	s3 =	sld [smem:$0x3FDB];
	s0 =	simm.s32 @p2 $0x1  }
0x17: {  	s4 =	simm.s32 $0x1BF5;
	[smem:$0x3FB5] =	sst s0  }
0x18: {  	s0 =	sld [smem:$0x3F98];
	_ =	swait.ge [sflag:s4], $0x0  }
0x19: {  	s7 =	sld [smem:$0x3F99]  }
0x1a: {  	s8 =	sadd.s32 $0xFFFFE003, lr  }
0x1b: {  	s9 =	sadd.s32 $0xFFFFFEF7, lr;
	s5 =	simm.s32 $0xFFFFFFFF;
	p2 =	slt.u32 s8, $0xFFFFF086  }
0x1c: {  	p1 =	slt.u32 s9, $0xF7A;
	s5 =	simm.s32 @!p2 $0x0  }
0x1d: {  	s5 =	simm.s32 @p1 $0x1;
	p0 =	seq.s32 s7, s2  }
0x1e: {  	s7 =	smul.u32 @!p0 $0xF7A, s2;
	p2 =	seq.s32 @!p0 s5, $0x0  }
0x1f: {  	s9 =	smul.u32 $0xF7A, s1;
	s8 =	simm.s32 @!p0 $0x1BF5;
	p2 =	por !p2, p0  }
0x20: {  	[sflag:s8] =	ssyncset.s32 @!p0 $0xFFFFF086;
	s6 =	sadd.s32 @!p0 s3, s7;
	s7 =	simm.s32 @!p0 $0x108  }
0x21: {  	s3 =	sadd.s32 s3, s9;
	s6 =	sadd.s32 @!p0 $0x88, s6;
	s7 =	simm.s32 @p2 $0x1082  }
0x22: {  	[simem:s7], [sflag:s8] =	dma.local @!p0 [hbm:s6], $0xF7A  }
0x23: {  	s9 =	sor.u32 $0xD0000000, s2;
	s6 =	simm.s32 $0x108;
	_ =	swait.ge @!p0 [sflag:s8], $0x0  }
0x24: {  	s3 =	sadd.s32 $0x88, s3;
	s6 =	simm.s32 @!p1 $0x1082;
	[sflag:s4] =	ssyncset.s32 $0xFFFFF086  }
0x25: {  	[simem:s6], [sflag:s4] =	dma.local [hbm:s3], $0xF7A  }
0x26: {  	[smem:$0x3F99] =	sst s1;
	(tag) =	ssettag s2;
	_ =	strace s9  }
0x27: {  	s1 =	sld [smem:$0x3FA9]  }
0x28: {  	s2 =	sld [smem:$0x3FAA]  }
0x29: {  	s4 =	sld [smem:$0x3FAC]  }
0x2a: {  	p0 =	seq.s32 s5, $0x0;
	s5 =	sld [smem:$0x3FAD]  }
0x2b: {  	s6 =	sld [smem:$0x3FAE]  }
0x2c: {  	s7 =	sld [smem:$0x3FAF]  }
0x2d: {  	s3 =	simm.s32 $0x108;
	s8 =	sld [smem:$0x3FB0]  }
0x2e: {  	s3 =	simm.s32 @!p0 $0x1082;
	s9 =	sld [smem:$0x3FB1]  }
0x2f: {  	lr =	sadd.s32 s0, s3;
	s0 =	sld [smem:$0x3FA8]  }
0x30: {  	s3 =	sld [smem:$0x3FAB]  }
0x31: {  	[smem:$0x3FB4] =	sst s10  }
0x32: {  	s10 =	sld [smem:$0x3FB2];
	_ =	sdelay $0x3  }
0x33: {  	p0 =	seq.s32 s10, $0x1;
	s10 =	sld [smem:$0x3FB4];
	_ =	sdelay $0x3  }
0x34: {  	[smem:$0x3FB4] =	sst s10  }
0x35: {  	s10 =	sld [smem:$0x3FB3];
	_ =	sdelay $0x3  }
0x36: {  	p1 =	seq.s32 s10, $0x1;
	s10 =	sld [smem:$0x3FB4];
	_ =	sdelay $0x3  }
0x37: {  	[smem:$0x3FB4] =	sst s10  }
0x38: {  	s10 =	sld [smem:$0x3FB5]  }
0x39: {  	_ = 	snop;
	(pc) =	sbr.ind lr, $3  }
0x3a: {  	_ = 	snop  }
0x3b: {  	_ = 	snop  }
0x3c: {  	p2 =	seq.s32 s10, $0x1;
	s10 =	sld [smem:$0x3FB4]  }
0x3d: {  	_ =	shalt  }
0x3e: {  	_ =	shalt  }
0x3f: {  	_ =	shalt  }
0x40: {  	_ =	shalt  }
0x41: {  	_ =	shalt  }
0x42: {  	_ =	shalt  }
0x43: {  	_ =	shalt  }
0x44: {  	_ =	shalt  }
0x45: {  	_ =	shalt  }
0x46: {  	_ =	shalt  }
0x47: {  	_ =	shalt  }
0x48: {  	_ =	shalt  }
0x49: {  	_ =	shalt  }
0x4a: {  	_ =	shalt  }
0x4b: {  	_ =	shalt  }
0x4c: {  	_ =	shalt  }
0x4d: {  	_ =	shalt  }
0x4e: {  	_ =	shalt  }
0x4f: {  	_ =	shalt  }
0x50: {  	_ =	shalt  }
0x51: {  	_ =	shalt  }
0x52: {  	_ =	shalt  }
0x53: {  	_ =	shalt  }
0x54: {  	_ =	shalt  }
0x55: {  	_ =	shalt  }
0x56: {  	_ =	shalt  }
0x57: {  	_ =	shalt  }
0x58: {  	_ =	shalt  }
0x59: {  	_ =	shalt  }
0x5a: {  	_ =	shalt  }
0x5b: {  	_ =	shalt  }
0x5c: {  	_ =	shalt  }
0x5d: {  	_ =	shalt  }
0x5e: {  	_ =	shalt  }
0x5f: {  	_ =	shalt  }
0x60: {  	_ =	shalt  }
0x61: {  	_ =	shalt  }
0x62: {  	_ =	shalt  }
0x63: {  	_ =	shalt  }
0x64: {  	_ =	shalt  }
0x65: {  	_ =	shalt  }
0x66: {  	_ =	shalt  }
0x67: {  	_ =	shalt  }
0x68: {  	_ =	shalt  }
0x69: {  	_ =	shalt  }
0x6a: {  	_ =	shalt  }
0x6b: {  	_ =	shalt  }
0x6c: {  	_ =	shalt  }
0x6d: {  	_ =	shalt  }
0x6e: {  	_ =	shalt  }
0x6f: {  	_ =	shalt  }
0x70: {  	_ =	shalt  }
0x71: {  	_ =	shalt  }
0x72: {  	_ =	shalt  }
0x73: {  	_ =	shalt  }
0x74: {  	_ =	shalt  }
0x75: {  	_ =	shalt  }
0x76: {  	_ =	shalt  }
0x77: {  	_ =	shalt  }
0x78: {  	_ =	shalt  }
0x79: {  	_ =	shalt  }
0x7a: {  	_ =	shalt  }
0x7b: {  	_ =	shalt  }
0x7c: {  	_ =	shalt  }
0x7d: {  	_ =	shalt  }
0x7e: {  	_ =	shalt  }
0x7f: {  	_ =	shalt  }
0x80: {  	_ =	shalt  }
0x81: {  	_ =	shalt  }
0x82: {  	_ =	shalt  }
0x83: {  	_ =	shalt  }
0x84: {  	_ =	shalt  }
0x85: {  	_ =	shalt  }
0x86: {  	_ =	shalt  }
0x87: {  	_ =	shalt  }
.Lfunc_end0:
.L_simem_size_0:
called_computation.2_lowered:
.L_overlay_start_0:
0x88: {  	s2 =	sld [smem:$0x3FD9]  }
0x89: {  	s3 =	sld [smem:$0x3FFE];
	_ =	sdelay $0x1  }
0x8a: {  	s1 =	srdreg.scid  }
0x8b: {  	s0 =	sand.u32 $0x1, s1  }
0x8c: {  	s17 =	sshll.u32 s0, $0xA;
	s2 =	sadd.s32 s3, s2  }
0x8d: {  	s2 =	sadd.s32 s2, s17  }
0x8e: {  	[smem:$0x3FC0] =	sst s2  }
0x8f: {  	_ = 	snop  }
0x90: {  	s2 =	sld [smem:$0x3FD0];
	(tm) =	ssettm $0x1  }
0x91: {  	s18 =	sld [smem:$0x3FFB];
	_ =	sdelay $0x3  }
0x92: {  	_ =	strace s18  }
0x93: {  	s3 =	sld [smem:$0x3FFC];
	_ =	sdelay $0x3  }
0x94: {  	_ =	strace s3  }
0x95: {  	s3 =	sld [smem:$0x3FFD];
	_ =	sdelay $0x3  }
0x96: {  	_ =	strace s3  }
0x97: {  	_ =	strace $0x8FFFFFFF  }
0x98: {  	s19 =	sld [smem:$0x3FDB];
	_ =	sdelay $0x1  }
0x99: {  	s4 =	simm.s32 $_scs_section_size  }
0x9a: {  	s5 =	simm.s32 $_size__tile_overlayer_lowered;
	s6 =	simm.s32 $_tile_overlayer_lowered  }
0x9b: {  	s22 =	simm.s32 $0x1BFF;
	s21 =	sshll.u32 s6, $0x1;
	s3 =	sadd.s32 s4, s19  }
0x9c: {  	s7 =	simm.s32 $0x0;
	s20 =	sshll.u32 s5, $0x1;
	s5 =	sadd.s32 s21, s3  }
0x9d: {  	[timem:s7], [sflag:s22] =	dma.local [hbm:s5], s20  }
0x9e: {  	_ =	swait.ge [sflag:s22], s20  }
0x9f: {  	s4 =	ssub.s32 $0x0, s20;
	[sflag:s22] =	ssyncset.done $0x0  }
0xa0: {  	[sflag:s22] =	ssyncadd.s32 s4;
	_ =	sdelay $0x1  }
0xa1: {  	s23 =	simm.s32 $0x1B8B  }
0xa2: {  	_ =	swait.ge [sflag:s23], $0x1  }
0xa3: {  	[sflag:s23] =	ssyncset.done $0x0  }
0xa4: {  	s25 =	simm.s32 $0x1B8E;
	s24 =	sld [smem:$0x3FFE];
	[sflag:s23] =	ssyncadd.s32 $0xFFFFFFFF  }
0xa5: {  	s26 =	simm.s32 $execute0_lowered;
	[smem:$0x3FD2] =	sst s25  }
0xa6: {  	s5 =	sshll.u32 s26, $0x1;
	_ =	strace $0x8000004C;
	[dreg:$0x1] =	wrdreg $0xFFFFFFFF  }
0xa7: {  	s28 =	simm.s32 $_size_execute0_lowered;
	s3 =	sadd.s32 s3, s5;
	[dreg:$0x0] =	wrdreg $0x0  }
0xa8: {  	s5 =	sshll.u32 s28, $0x1;
	[dreg:$0x2] =	wrdreg s3  }
0xa9: {  	[dreg:$0x3] =	wrdreg s5  }
0xaa: {  	[dreg:$0x4] =	wrdreg $0xC0  }
0xab: {  	_ =	task [dreg:s7], $0x5FFFF  }
0xac: {  	[dreg:$0x1] =	wrdreg $0xFFFFFFFF  }
0xad: {  	[dreg:$0x0] =	wrdreg $0x60  }
0xae: {  	[dreg:$0x2] =	wrdreg s24  }
0xaf: {  	[dreg:$0x3] =	wrdreg s2  }
0xb0: {  	[dreg:$0x4] =	wrdreg $0xCEE00  }
0xb1: {  	[dreg:$0x5] =	wrdreg $0x9  }
0xb2: {  	_ =	task.clear_ibuf [dreg:s7], $0x6FFFF;
	_ =	strace $0x9000004C  }
0xb3: {  	s29 =	simm.s32 $0x9;
	_ =	strace $0x8000004E  }
0xb4: {  	_ =	swait.ge [sflag:s29], $0x1  }
0xb5: {  	[sflag:s29] =	ssyncadd.s32 $0xFFFFFFFF  }
0xb6: {  	_ =	strace $0x9000004E  }
0xb7: {  	_ =	sfence  }
0xb8: {  	s30 =	sld [smem:$0x0];
	_ =	sdelay $0x2  }
0xb9: {  	s31 =	sshll.u32 s1, $0xD;
	s1 =	sshrl.u32 s1, $0x2  }
0xba: {  	s3 =	sand.u32 $0x4000, s31;
	s1 =	sadd.s32 s1, s30  }
0xbb: {  	s0 =	sor.u32 s3, s0;
	s1 =	sshll.u32 s1, $0x11  }
0xbc: {  	s0 =	sor.u32 s1, s0  }
0xbd: {  	s0 =	sadd.s32 $0x8F2B, s0  }
0xbe: {  	[sflag:s0] =	ssyncadd.remote.s32 $0x1  }
0xbf: {  	_ =	sfence.sel $0xFFFF  }
0xc0: {  	[dreg:$0x0] =	wrdreg $0xFFFFFFFF;
	(pc) =	sbr.abs _section_cstart, $3  }
0xc1: {  	[dreg:$0x1] =	wrdreg $0xFFFFFFFF  }
0xc2: {  	_ =	task.clear_ibuf [dreg:s7], $0x2FFFF;
	_ =	strace $0x9FFFFFFF  }
0xc3: {  	(tm) =	ssettm $0x7FFFFFFF  }
tec
execute0_lowered:
.L_overlay_start_1:
0x0: {  	(tag) =	ssettag $0x1  }
0x1: {  	s0 =	rddreg [dreg:$0x0];
	s1 =	srdreg.scid  }
0x2: {  	s8 =	stileid.u32;
	s11 =	rddreg [dreg:$0x1]  }
0x3: {  	s2 =	rddreg [dreg:$0x2];
	s3 =	simm.s32 $0x0;
	s14 =	simm.s32 $0xA000  }
0x4: {  	s15 =	simm.s32 $0x5;
	s17 =	simm.s32 $0x7D;
	s19 =	simm.s32 $0xABB8  }
0x5: {  	s21 =	simm.s32 $0xB770;
	s22 =	simm.s32 $0xC328;
	s9 =	smul.u32 $0x5000, s8  }
0x6: {  	s23 =	simm.s32 $0x1;
	s24 =	simm.s32 $0x2;
	s5 =	smul.u32 $0x7530, s8  }
0x7: {  	s25 =	simm.s32 $0x3;
	s1 =	sand.u32 $0x1, s1;
	s8 =	smul.u32 $0xEA60, s8  }
0x8: {  	s30 =	simm.s32 $0x9E80;
	s31 =	simm.s32 $0x9F00;
	s4 =	smul.u32 $0x50000, s1  }
0x9: {  	[smem:$0x7FF] =	sst s3;
	s6 =	smul.u32 $0x18, s1;
	s1 =	ssub.s32 $0x2, s1  }
0xa: {  	_ =	strace $0x8000004D;
	s26 =	sshrl.u32 s8, $0x2;
	s29 =	sshrl.u32 s1, $0x1  }
0xb: {  	s12 =	sshrl.u32 s9, $0x3;
	s4 =	sadd.s32 s9, s4;
	s5 =	sadd.s32 s6, s5  }
0xc: {  	s1 =	ssub.s32 s1, s29;
	s11 =	sadd.s32 s11, s12;
	s7 =	sshrl.u32 s4, $0x3  }
0xd: {  	s4 =	sadd.s32 $0x1AE00, s0;
	s28 =	sshrl.u32 s5, $0x3;
	s5 =	sadd.s32 s26, s2  }
0xe: {  	s13 =	smax.u32 s1, $0x1;
	s26 =	simm.s32 $0x4;
	s1 =	simm.s32 $0x9F80  }
0xf: {  	s10 =	sadd.s32 s7, s0;
	s0 =	sadd.s32 s28, s0;
	s6 =	sadd.s32 $0xBB8, s5  }
0x10: {  	s7 =	sadd.s32 $0x1770, s5;
	s8 =	sadd.s32 $0x2328, s5;
	s9 =	sadd.s32 $0x2EE0, s5  }
0x11: {  	v0 =	vimm.f32 $0.0e+00;
	s10 =	sadd.s32 $0x6E00, s10;
	s12 =	sadd.s32 $0x29A00, s0;
	s0 =	simm.s32 $0x6  }
.LBB2_1:
0x12: {  	s18 =	simm.s32 $0x0  }
0x13: {  	s16 =	simm.s32 $0x60;
	[tilespmem:s18+$0xA000] =	vst v0  }
.LBB2_2:
0x14: {  	p0 =	sne.s32 s16, $0x2E80;
	[tilespmem:s18+$0xA008] =	vst v0;
	s18 =	smov.u32 s16;
	s16 =	sadd.s32 $0x60, s16  }
.Ltmp0:
0x15: {  	(pc) =	sbr.rel @p0 .LBB2_2-.Ltmp0, $3  }
0x16: {  	_ =	sdelay $0x1  }
0x17: {  	s18 =	sshra.s32 s18, $0x2  }
0x18: {  	[tilespmem:s18+$0xA000] =	vst v0  }
0x19: {  	[tilespmem:s18+$0xA008] =	vst v0  }
0x1a: {  	[spmem:s5] =	stream.linear.scatter [tilespmem:s14], [sflag:$0x5], $0xBB8, $0x38;
	[tilespmem:$0x10978] =	vst v63  }
0x1b: {  	_ =	swait.ge [sflag:s15], $0xBB8  }
0x1c: {  	[sflag:s15] =	ssyncset.done $0x0  }
0x1d: {  	[sflag:s15] =	ssyncadd.s32 $0xFFFFF448  }
0x1e: {  	[spmem:s6] =	stream.linear.scatter [tilespmem:s14], [sflag:$0x5], $0xBB8, $0x38;
	[tilespmem:$0x10978] =	vst v63  }
0x1f: {  	_ =	swait.ge [sflag:s15], $0xBB8  }
0x20: {  	[sflag:s15] =	ssyncset.done $0x0  }
0x21: {  	[sflag:s15] =	ssyncadd.s32 $0xFFFFF448  }
0x22: {  	[spmem:s7] =	stream.linear.scatter [tilespmem:s14], [sflag:$0x5], $0xBB8, $0x38;
	[tilespmem:$0x10978] =	vst v63  }
0x23: {  	_ =	swait.ge [sflag:s15], $0xBB8  }
0x24: {  	[sflag:s15] =	ssyncset.done $0x0  }
0x25: {  	[sflag:s15] =	ssyncadd.s32 $0xFFFFF448  }
0x26: {  	[spmem:s8] =	stream.linear.scatter [tilespmem:s14], [sflag:$0x5], $0xBB8, $0x38;
	[tilespmem:$0x10978] =	vst v63  }
0x27: {  	_ =	swait.ge [sflag:s15], $0xBB8  }
0x28: {  	[sflag:s15] =	ssyncset.done $0x0  }
0x29: {  	[sflag:s15] =	ssyncadd.s32 $0xFFFFF448  }
0x2a: {  	[spmem:s9] =	stream.linear.scatter [tilespmem:s14], [sflag:$0x5], $0xBB8, $0x38;
	[tilespmem:$0x10978] =	vst v63  }
0x2b: {  	_ =	swait.ge [sflag:s15], $0xBB8  }
0x2c: {  	[sflag:s15] =	ssyncset.done $0x0  }
0x2d: {  	s16 =	simm.s32 $0x0;
	[sflag:s15] =	ssyncadd.s32 $0xFFFFF448  }
0x2e: {  	[tilespmem:s16], [sflag:$0x5] =	stream.linear.gather [hbm4b:s10+s16], $0x5000, $0x38;
	[tilespmem:$0x10978] =	vst v63  }
0x2f: {  	_ =	swait.ge [sflag:s15], $0x5000  }
0x30: {  	[sflag:s15] =	ssyncset.done $0x0  }
0x31: {  	s20 =	simm.s32 $0x5000;
	[sflag:s15] =	ssyncadd.s32 $0xFFFFB000  }
0x32: {  	[tilespmem:s20], [sflag:$0x5] =	stream.linear.gather [hbm4b:s11+s16], $0x5000, $0x38;
	[tilespmem:$0x10978] =	vst v63  }
0x33: {  	_ =	swait.ge [sflag:s15], $0x5000  }
0x34: {  	[sflag:s15] =	ssyncset.done $0x0  }
0x35: {  	[sflag:s15] =	ssyncadd.s32 $0xFFFFB000  }
0x36: {  	[bflag:$0x0] =	sbarrier.arrive $0xFFFF  }
0x37: {  	[tilespmem:s14], [sflag:$0x1] =	stream.indirect.gather [hbm4b:s4+s17], $0x18, s16, s17, $0xb8;
	[tilespmem:$0x10978] =	vst v63  }
0x38: {  	s28 =	simm.s32 $0x80  }
0x39: {  	[tilespmem:s19], [sflag:$0x2] =	stream.indirect.gather [hbm4b:s4+s17], $0x18, s28, s17, $0xb8;
	[tilespmem:$0x10978] =	vst v63  }
0x3a: {  	s29 =	simm.s32 $0x100  }
0x3b: {  	[tilespmem:s21], [sflag:$0x3] =	stream.indirect.gather [hbm4b:s4+s17], $0x18, s29, s17, $0xb8;
	[tilespmem:$0x10978] =	vst v63  }
0x3c: {  	s18 =	simm.s32 $0x180  }
0x3d: {  	[tilespmem:s22], [sflag:$0x4] =	stream.indirect.gather [hbm4b:s4+s17], $0x18, s18, s17, $0xb8;
	[tilespmem:$0x10978] =	vst v63  }
0x3e: {  	_ =	swait.ge [sflag:s23], $0xBB8  }
0x3f: {  	[sflag:s23] =	ssyncset.done $0x0  }
0x40: {  	s20 =	simm.s32 $0x5000;
	[sflag:s23] =	ssyncadd.s32 $0xFFFFF448  }
0x41: {  	[spmem:s2] =	stream.indirect.scatter.add.f32 [tilespmem:s14], [sflag:$0x5], $0x18, s20, s17, $0xb8;
	[tilespmem:$0x10978] =	vst v63  }
0x42: {  	_ =	swait.ge [sflag:s15], $0xBB8  }
0x43: {  	[sflag:s15] =	ssyncset.done $0x0  }
0x44: {  	s28 =	simm.s32 $0x200;
	[sflag:s15] =	ssyncadd.s32 $0xFFFFF448  }
0x45: {  	[tilespmem:s14], [sflag:$0x1] =	stream.indirect.gather [hbm4b:s4+s17], $0x18, s28, s17, $0xb8;
	[tilespmem:$0x10978] =	vst v63  }
0x46: {  	_ =	swait.ge [sflag:s24], $0xBB8  }
0x47: {  	[sflag:s24] =	ssyncset.done $0x0  }
0x48: {  	s29 =	simm.s32 $0x5080;
	[sflag:s24] =	ssyncadd.s32 $0xFFFFF448  }
0x49: {  	[spmem:s2] =	stream.indirect.scatter.add.f32 [tilespmem:s19], [sflag:$0x5], $0x18, s29, s17, $0xb8;
	[tilespmem:$0x10978] =	vst v63  }
0x4a: {  	_ =	swait.ge [sflag:s15], $0xBB8  }
0x4b: {  	[sflag:s15] =	ssyncset.done $0x0  }
0x4c: {  	s18 =	simm.s32 $0x280;
	[sflag:s15] =	ssyncadd.s32 $0xFFFFF448  }
0x4d: {  	[tilespmem:s19], [sflag:$0x2] =	stream.indirect.gather [hbm4b:s4+s17], $0x18, s18, s17, $0xb8;
	[tilespmem:$0x10978] =	vst v63  }
0x4e: {  	_ =	swait.ge [sflag:s25], $0xBB8  }
0x4f: {  	[sflag:s25] =	ssyncset.done $0x0  }
0x50: {  	s20 =	simm.s32 $0x5100;
	[sflag:s25] =	ssyncadd.s32 $0xFFFFF448  }
0x51: {  	[spmem:s2] =	stream.indirect.scatter.add.f32 [tilespmem:s21], [sflag:$0x5], $0x18, s20, s17, $0xb8;
	[tilespmem:$0x10978] =	vst v63  }
0x52: {  	_ =	swait.ge [sflag:s15], $0xBB8  }
0x53: {  	[sflag:s15] =	ssyncset.done $0x0  }
0x54: {  	s28 =	simm.s32 $0x300;
	[sflag:s15] =	ssyncadd.s32 $0xFFFFF448  }
0x55: {  	[tilespmem:s21], [sflag:$0x3] =	stream.indirect.gather [hbm4b:s4+s17], $0x18, s28, s17, $0xb8;
	[tilespmem:$0x10978] =	vst v63  }
0x56: {  	_ =	swait.ge [sflag:s26], $0xBB8  }
0x57: {  	[sflag:s26] =	ssyncset.done $0x0  }
0x58: {  	s29 =	simm.s32 $0x5180;
	[sflag:s26] =	ssyncadd.s32 $0xFFFFF448  }
0x59: {  	[spmem:s2] =	stream.indirect.scatter.add.f32 [tilespmem:s22], [sflag:$0x5], $0x18, s29, s17, $0xb8;
	[tilespmem:$0x10978] =	vst v63  }
0x5a: {  	_ =	swait.ge [sflag:s15], $0xBB8  }
0x5b: {  	s16 =	simm.s32 $0x200;
	s18 =	simm.s32 $0x1000;
	[sflag:s15] =	ssyncset.done $0x0  }
.LBB2_4:
0x5c: {  	s29 =	sadd.s32 $0x180, s16  }
0x5d: {  	[sflag:s15] =	ssyncadd.s32 $0xFFFFF448;
	s20 =	smov.u32 s18;
	s28 =	sadd.s32 $0x800, s18  }
0x5e: {  	[tilespmem:s22], [sflag:$0x4] =	stream.indirect.gather [hbm4b:s4+s17], $0x18, s29, s17, $0xb8;
	[tilespmem:$0x10978] =	vst v63  }
0x5f: {  	p0 =	sne.s32 s18, $0x13000;
	_ =	swait.ge [sflag:s23], $0xBB8  }
0x60: {  	[sflag:s23] =	ssyncset.done $0x0  }
0x61: {  	s18 =	sadd.s32 $0x5000, s16;
	[sflag:s23] =	ssyncadd.s32 $0xFFFFF448  }
0x62: {  	[spmem:s2] =	stream.indirect.scatter.add.f32 [tilespmem:s14], [sflag:$0x5], $0x18, s18, s17, $0xb8;
	[tilespmem:$0x10978] =	vst v63  }
0x63: {  	_ =	swait.ge [sflag:s15], $0xBB8  }
0x64: {  	[sflag:s15] =	ssyncset.done $0x0  }
0x65: {  	s18 =	sadd.s32 $0x200, s16;
	[sflag:s15] =	ssyncadd.s32 $0xFFFFF448  }
0x66: {  	[tilespmem:s14], [sflag:$0x1] =	stream.indirect.gather [hbm4b:s4+s17], $0x18, s18, s17, $0xb8;
	[tilespmem:$0x10978] =	vst v63  }
0x67: {  	_ =	swait.ge [sflag:s24], $0xBB8  }
0x68: {  	[sflag:s24] =	ssyncset.done $0x0  }
0x69: {  	s18 =	sadd.s32 $0x5080, s16;
	[sflag:s24] =	ssyncadd.s32 $0xFFFFF448  }
0x6a: {  	[spmem:s2] =	stream.indirect.scatter.add.f32 [tilespmem:s19], [sflag:$0x5], $0x18, s18, s17, $0xb8;
	[tilespmem:$0x10978] =	vst v63  }
0x6b: {  	_ =	swait.ge [sflag:s15], $0xBB8  }
0x6c: {  	[sflag:s15] =	ssyncset.done $0x0  }
0x6d: {  	s18 =	sadd.s32 $0x280, s16;
	[sflag:s15] =	ssyncadd.s32 $0xFFFFF448  }
0x6e: {  	[tilespmem:s19], [sflag:$0x2] =	stream.indirect.gather [hbm4b:s4+s17], $0x18, s18, s17, $0xb8;
	[tilespmem:$0x10978] =	vst v63  }
0x6f: {  	_ =	swait.ge [sflag:s25], $0xBB8  }
0x70: {  	[sflag:s25] =	ssyncset.done $0x0  }
0x71: {  	s18 =	sadd.s32 $0x5100, s16;
	[sflag:s25] =	ssyncadd.s32 $0xFFFFF448  }
0x72: {  	[spmem:s2] =	stream.indirect.scatter.add.f32 [tilespmem:s21], [sflag:$0x5], $0x18, s18, s17, $0xb8;
	[tilespmem:$0x10978] =	vst v63  }
0x73: {  	_ =	swait.ge [sflag:s15], $0xBB8  }
0x74: {  	[sflag:s15] =	ssyncset.done $0x0  }
0x75: {  	s18 =	sadd.s32 $0x300, s16;
	[sflag:s15] =	ssyncadd.s32 $0xFFFFF448  }
0x76: {  	[tilespmem:s21], [sflag:$0x3] =	stream.indirect.gather [hbm4b:s4+s17], $0x18, s18, s17, $0xb8;
	[tilespmem:$0x10978] =	vst v63  }
0x77: {  	_ =	swait.ge [sflag:s26], $0xBB8  }
.Ltmp1:
0x78: {  	[sflag:s26] =	ssyncset.done $0x0;
	(pc) =	sbr.rel @p0 .LBB2_4-.Ltmp1, $4  }
0x79: {  	s16 =	sadd.s32 $0x5180, s16;
	[sflag:s26] =	ssyncadd.s32 $0xFFFFF448  }
0x7a: {  	[spmem:s2] =	stream.indirect.scatter.add.f32 [tilespmem:s22], [sflag:$0x5], $0x18, s16, s17, $0xb8;
	[tilespmem:$0x10978] =	vst v63  }
0x7b: {  	_ =	swait.ge [sflag:s15], $0xBB8  }
0x7c: {  	s18 =	smov.u32 s28;
	s16 =	sshra.s32 s20, $0x2;
	[sflag:s15] =	ssyncset.done $0x0  }
0x7d: {  	s18 =	sadd.s32 $0x180, s16;
	[sflag:s15] =	ssyncadd.s32 $0xFFFFF448  }
0x7e: {  	[tilespmem:s22], [sflag:$0x4] =	stream.indirect.gather [hbm4b:s4+s17], $0x18, s18, s17, $0xb8;
	[tilespmem:$0x10978] =	vst v63  }
0x7f: {  	_ =	swait.ge [sflag:s23], $0xBB8  }
0x80: {  	[sflag:s23] =	ssyncset.done $0x0  }
0x81: {  	s29 =	sadd.s32 $0x5000, s16;
	[sflag:s23] =	ssyncadd.s32 $0xFFFFF448  }
0x82: {  	[spmem:s2] =	stream.indirect.scatter.add.f32 [tilespmem:s14], [sflag:$0x5], $0x18, s29, s17, $0xb8;
	[tilespmem:$0x10978] =	vst v63  }
0x83: {  	_ =	swait.ge [sflag:s15], $0xBB8  }
0x84: {  	[sflag:s15] =	ssyncset.done $0x0  }
0x85: {  	s20 =	sadd.s32 $0x200, s16;
	[sflag:s15] =	ssyncadd.s32 $0xFFFFF448  }
0x86: {  	[tilespmem:s14], [sflag:$0x1] =	stream.indirect.gather [hbm4b:s4+s17], $0x18, s20, s17, $0xb8;
	[tilespmem:$0x10978] =	vst v63  }
0x87: {  	_ =	swait.ge [sflag:s24], $0xBB8  }
0x88: {  	[sflag:s24] =	ssyncset.done $0x0  }
0x89: {  	s28 =	sadd.s32 $0x5080, s16;
	[sflag:s24] =	ssyncadd.s32 $0xFFFFF448  }
0x8a: {  	[spmem:s2] =	stream.indirect.scatter.add.f32 [tilespmem:s19], [sflag:$0x5], $0x18, s28, s17, $0xb8;
	[tilespmem:$0x10978] =	vst v63  }
0x8b: {  	_ =	swait.ge [sflag:s15], $0xBB8  }
0x8c: {  	[sflag:s15] =	ssyncset.done $0x0  }
0x8d: {  	s29 =	sadd.s32 $0x280, s16;
	[sflag:s15] =	ssyncadd.s32 $0xFFFFF448  }
0x8e: {  	[tilespmem:s19], [sflag:$0x2] =	stream.indirect.gather [hbm4b:s4+s17], $0x18, s29, s17, $0xb8;
	[tilespmem:$0x10978] =	vst v63  }
0x8f: {  	_ =	swait.ge [sflag:s25], $0xBB8  }
0x90: {  	[sflag:s25] =	ssyncset.done $0x0  }
0x91: {  	s20 =	sadd.s32 $0x5100, s16;
	[sflag:s25] =	ssyncadd.s32 $0xFFFFF448  }
0x92: {  	[spmem:s2] =	stream.indirect.scatter.add.f32 [tilespmem:s21], [sflag:$0x5], $0x18, s20, s17, $0xb8;
	[tilespmem:$0x10978] =	vst v63  }
0x93: {  	_ =	swait.ge [sflag:s15], $0xBB8  }
0x94: {  	[sflag:s15] =	ssyncset.done $0x0  }
0x95: {  	s28 =	sadd.s32 $0x300, s16;
	[sflag:s15] =	ssyncadd.s32 $0xFFFFF448  }
0x96: {  	[tilespmem:s21], [sflag:$0x3] =	stream.indirect.gather [hbm4b:s4+s17], $0x18, s28, s17, $0xb8;
	[tilespmem:$0x10978] =	vst v63  }
0x97: {  	_ =	swait.ge [sflag:s26], $0xBB8  }
0x98: {  	[sflag:s26] =	ssyncset.done $0x0  }
0x99: {  	s29 =	sadd.s32 $0x5180, s16;
	[sflag:s26] =	ssyncadd.s32 $0xFFFFF448  }
0x9a: {  	[spmem:s2] =	stream.indirect.scatter.add.f32 [tilespmem:s22], [sflag:$0x5], $0x18, s29, s17, $0xb8;
	[tilespmem:$0x10978] =	vst v63  }
0x9b: {  	_ =	swait.ge [sflag:s15], $0xBB8  }
0x9c: {  	[sflag:s15] =	ssyncset.done $0x0  }
0x9d: {  	s18 =	simm.s32 $0x4F80;
	[sflag:s15] =	ssyncadd.s32 $0xFFFFF448  }
0x9e: {  	[tilespmem:s22], [sflag:$0x4] =	stream.indirect.gather [hbm4b:s4+s17], $0x18, s18, s17, $0xb8;
	[tilespmem:$0x10978] =	vst v63  }
0x9f: {  	_ =	swait.ge [sflag:s23], $0xBB8  }
0xa0: {  	[sflag:s23] =	ssyncset.done $0x0  }
0xa1: {  	s20 =	simm.s32 $0x9E00;
	[sflag:s23] =	ssyncadd.s32 $0xFFFFF448  }
0xa2: {  	[spmem:s2] =	stream.indirect.scatter.add.f32 [tilespmem:s14], [sflag:$0x5], $0x18, s20, s17, $0xb8;
	[tilespmem:$0x10978] =	vst v63  }
0xa3: {  	_ =	swait.ge [sflag:s15], $0xBB8  }
0xa4: {  	[sflag:s15] =	ssyncset.done $0x0  }
0xa5: {  	[sflag:s15] =	ssyncadd.s32 $0xFFFFF448  }
0xa6: {  	_ =	swait.ge [sflag:s24], $0xBB8  }
0xa7: {  	[sflag:s24] =	ssyncset.done $0x0  }
0xa8: {  	[sflag:s24] =	ssyncadd.s32 $0xFFFFF448  }
0xa9: {  	[spmem:s2] =	stream.indirect.scatter.add.f32 [tilespmem:s19], [sflag:$0x5], $0x18, s30, s17, $0xb8;
	[tilespmem:$0x10978] =	vst v63  }
0xaa: {  	_ =	swait.ge [sflag:s15], $0xBB8  }
0xab: {  	[sflag:s15] =	ssyncset.done $0x0  }
0xac: {  	[sflag:s15] =	ssyncadd.s32 $0xFFFFF448  }
0xad: {  	_ =	swait.ge [sflag:s25], $0xBB8  }
0xae: {  	[sflag:s25] =	ssyncset.done $0x0  }
0xaf: {  	[sflag:s25] =	ssyncadd.s32 $0xFFFFF448  }
0xb0: {  	[spmem:s2] =	stream.indirect.scatter.add.f32 [tilespmem:s21], [sflag:$0x5], $0x18, s31, s17, $0xb8;
	[tilespmem:$0x10978] =	vst v63  }
0xb1: {  	_ =	swait.ge [sflag:s15], $0xBB8  }
0xb2: {  	[sflag:s15] =	ssyncset.done $0x0  }
0xb3: {  	[sflag:s15] =	ssyncadd.s32 $0xFFFFF448  }
0xb4: {  	_ =	swait.ge [sflag:s26], $0xBB8  }
0xb5: {  	[sflag:s26] =	ssyncset.done $0x0  }
0xb6: {  	[sflag:s26] =	ssyncadd.s32 $0xFFFFF448  }
0xb7: {  	[spmem:s2] =	stream.indirect.scatter.add.f32 [tilespmem:s22], [sflag:$0x5], $0x18, s1, s17, $0xb8;
	[tilespmem:$0x10978] =	vst v63  }
0xb8: {  	s28 =	stileid.u32;
	_ =	swait.ge [sflag:s15], $0xBB8  }
0xb9: {  	s3 =	sadd.s32 $0x1, s3;
	s16 =	sshll.u32 s28, $0x6;
	[sflag:s15] =	ssyncset.done $0x0  }
0xba: {  	p0 =	sne.s32 s3, s13;
	s16 =	sor.u32 $0x1C05, s16;
	[sflag:s15] =	ssyncadd.s32 $0xFFFFF448  }
.Ltmp2:
0xbb: {  	s29 =	sshrl.u32 s5, $0x3;
	[bflag:$0x0] =	sbarrier.arrive $0xFFFF;
	(pc) =	sbr.rel @p0 .LBB2_1-.Ltmp2, $4  }
0xbc: {  	[hbm:s12@s0], [sflag:s16] =	dma.strided [spmem:s29@s25], $0x753, s23, $0x3   }
0xbd: {  	_ =	swait.ge [sflag:s15], $0x753  }
0xbe: {  	[sflag:s15] =	ssyncset.done $0x0  }
0xbf: {  	[sflag:s15] =	ssyncadd.s32 $0xFFFFF8AD  }
0xc0: {  	_ =	sfence.sel $0x180000  }
0xc1: {  	[bflag:$0x0] =	sbarrier.arrive $0xFFFF  }
0xc2: {  	_ =	strace $0x9000004D  }
0xc3: {  	s0 =	stileid.u32;
	[bflag:$0x2] =	sbarrier.arrive $0xFFFF  }
0xc4: {  	p0 =	sne.s32 s0, $0x0;
	s0 =	rddreg [dreg:$0x3]  }
0xc5: {  	s0 =	sadd.s32 @!p0 $0x100000, s0  }
0xc6: {  	[sflag:s0] =	ssyncadd.tile.s32 @!p0 $0x1;
	_ =	shalt  }
.Lfunc_end2:
_tile_overlayer_lowered:
.L_overlay_start_2:
0xc7: {  	(tag) =	ssettag $0x2  }
0xc8: {  	s0 =	rddreg [dreg:$0x0];
	s2 =	stileid.u32  }
0xc9: {  	s1 =	rddreg [dreg:$0x1];
	p0 =	sne.s32 s2, $0x0  }
0xca: {  	s3 =	rddreg [dreg:$0x2];
	[bflag:$0x3] =	sbarrier.arrive $0xFFFF;
	s2 =	simm.s32 @!p0 $0x1C05  }
0xcb: {  	[timem:s3], [sflag:s2] =	dma.local @!p0 [hbm:s0], s1  }
0xcc: {  	s0 =	simm.s32 @!p0 $0x5  }
0xcd: {  	_ =	swait.ge @!p0 [sflag:s0], s1  }
0xce: {  	s1 =	ssub.s32 @!p0 $0x0, s1;
	[sflag:s0] =	ssyncset.done @!p0 $0x0  }
0xcf: {  	[sflag:s0] =	ssyncadd.s32 @!p0 s1  }
0xd0: {  	[bflag:$0x3] =	sbarrier.arrive $0xFFFF  }
0xd1: {  	_ =	shalt  }

// kernel: kernel.9.cloned.1.call-start
scs
__scs_entry_jumppad:
0x0: {  	(pc) =	sbr.rel $0x88, $3  }
0x1: {  	(tag) =	ssettag $0x0;
	lr =	simm.s32 $0x1  }
0x2: {  	[smem:$0x3F99] =	sst lr;
	_ =	strace $0xD0000000  }
0x3: {  	_ = 	snop  }
0x4: {  	_ = 	snop  }
0x5: {  	_ = 	snop  }
0x6: {  	_ = 	snop  }
0x7: {  	_ = 	snop  }
__scs_overlays_trampoline_lowered:
0x8: {  	[smem:$0x3FA8] =	sst s0  }
0x9: {  	[smem:$0x3FA9] =	sst s1  }
0xa: {  	[smem:$0x3FAA] =	sst s2  }
0xb: {  	[smem:$0x3FAB] =	sst s3  }
0xc: {  	[smem:$0x3FAC] =	sst s4  }
0xd: {  	[smem:$0x3FAD] =	sst s5  }
0xe: {  	[smem:$0x3FAE] =	sst s6  }
0xf: {  	[smem:$0x3FAF] =	sst s7  }
0x10: {  	[smem:$0x3FB0] =	sst s8  }
0x11: {  	[smem:$0x3FB1] =	sst s9;
	s0 =	simm.s32 @!p0 $0x0  }
0x12: {  	s1 =	sld [smem:$0x3F97];
	s0 =	simm.s32 @p0 $0x1  }
0x13: {  	[smem:$0x3FB2] =	sst s0;
	s0 =	simm.s32 @!p1 $0x0  }
0x14: {  	s2 =	sld [smem:$0x3F96];
	s0 =	simm.s32 @p1 $0x1  }
0x15: {  	[smem:$0x3FB3] =	sst s0;
	s0 =	simm.s32 @!p2 $0x0  }
0x16: {  	s3 =	sld [smem:$0x3FDB];
	s0 =	simm.s32 @p2 $0x1  }
0x17: {  	s4 =	simm.s32 $0x1BF5;
	[smem:$0x3FB5] =	sst s0  }
0x18: {  	s0 =	sld [smem:$0x3F98];
	_ =	swait.ge [sflag:s4], $0x0  }
0x19: {  	s7 =	sld [smem:$0x3F99]  }
0x1a: {  	s8 =	sadd.s32 $0xFFFFE003, lr  }
0x1b: {  	s9 =	sadd.s32 $0xFFFFFEF7, lr;
	s5 =	simm.s32 $0xFFFFFFFF;
	p2 =	slt.u32 s8, $0xFFFFF086  }
0x1c: {  	p1 =	slt.u32 s9, $0xF7A;
	s5 =	simm.s32 @!p2 $0x0  }
0x1d: {  	s5 =	simm.s32 @p1 $0x1;
	p0 =	seq.s32 s7, s2  }
0x1e: {  	s7 =	smul.u32 @!p0 $0xF7A, s2;
	p2 =	seq.s32 @!p0 s5, $0x0  }
0x1f: {  	s9 =	smul.u32 $0xF7A, s1;
	s8 =	simm.s32 @!p0 $0x1BF5;
	p2 =	por !p2, p0  }
0x20: {  	[sflag:s8] =	ssyncset.s32 @!p0 $0xFFFFF086;
	s6 =	sadd.s32 @!p0 s3, s7;
	s7 =	simm.s32 @!p0 $0x108  }
0x21: {  	s3 =	sadd.s32 s3, s9;
	s6 =	sadd.s32 @!p0 $0x88, s6;
	s7 =	simm.s32 @p2 $0x1082  }
0x22: {  	[simem:s7], [sflag:s8] =	dma.local @!p0 [hbm:s6], $0xF7A  }
0x23: {  	s9 =	sor.u32 $0xD0000000, s2;
	s6 =	simm.s32 $0x108;
	_ =	swait.ge @!p0 [sflag:s8], $0x0  }
0x24: {  	s3 =	sadd.s32 $0x88, s3;
	s6 =	simm.s32 @!p1 $0x1082;
	[sflag:s4] =	ssyncset.s32 $0xFFFFF086  }
0x25: {  	[simem:s6], [sflag:s4] =	dma.local [hbm:s3], $0xF7A  }
0x26: {  	[smem:$0x3F99] =	sst s1;
	(tag) =	ssettag s2;
	_ =	strace s9  }
0x27: {  	s1 =	sld [smem:$0x3FA9]  }
0x28: {  	s2 =	sld [smem:$0x3FAA]  }
0x29: {  	s4 =	sld [smem:$0x3FAC]  }
0x2a: {  	p0 =	seq.s32 s5, $0x0;
	s5 =	sld [smem:$0x3FAD]  }
0x2b: {  	s6 =	sld [smem:$0x3FAE]  }
0x2c: {  	s7 =	sld [smem:$0x3FAF]  }
0x2d: {  	s3 =	simm.s32 $0x108;
	s8 =	sld [smem:$0x3FB0]  }
0x2e: {  	s3 =	simm.s32 @!p0 $0x1082;
	s9 =	sld [smem:$0x3FB1]  }
0x2f: {  	lr =	sadd.s32 s0, s3;
	s0 =	sld [smem:$0x3FA8]  }
0x30: {  	s3 =	sld [smem:$0x3FAB]  }
0x31: {  	[smem:$0x3FB4] =	sst s10  }
0x32: {  	s10 =	sld [smem:$0x3FB2];
	_ =	sdelay $0x3  }
0x33: {  	p0 =	seq.s32 s10, $0x1;
	s10 =	sld [smem:$0x3FB4];
	_ =	sdelay $0x3  }
0x34: {  	[smem:$0x3FB4] =	sst s10  }
0x35: {  	s10 =	sld [smem:$0x3FB3];
	_ =	sdelay $0x3  }
0x36: {  	p1 =	seq.s32 s10, $0x1;
	s10 =	sld [smem:$0x3FB4];
	_ =	sdelay $0x3  }
0x37: {  	[smem:$0x3FB4] =	sst s10  }
0x38: {  	s10 =	sld [smem:$0x3FB5]  }
0x39: {  	_ = 	snop;
	(pc) =	sbr.ind lr, $3  }
0x3a: {  	_ = 	snop  }
0x3b: {  	_ = 	snop  }
0x3c: {  	p2 =	seq.s32 s10, $0x1;
	s10 =	sld [smem:$0x3FB4]  }
0x3d: {  	_ =	shalt  }
0x3e: {  	_ =	shalt  }
0x3f: {  	_ =	shalt  }
0x40: {  	_ =	shalt  }
0x41: {  	_ =	shalt  }
0x42: {  	_ =	shalt  }
0x43: {  	_ =	shalt  }
0x44: {  	_ =	shalt  }
0x45: {  	_ =	shalt  }
0x46: {  	_ =	shalt  }
0x47: {  	_ =	shalt  }
0x48: {  	_ =	shalt  }
0x49: {  	_ =	shalt  }
0x4a: {  	_ =	shalt  }
0x4b: {  	_ =	shalt  }
0x4c: {  	_ =	shalt  }
0x4d: {  	_ =	shalt  }
0x4e: {  	_ =	shalt  }
0x4f: {  	_ =	shalt  }
0x50: {  	_ =	shalt  }
0x51: {  	_ =	shalt  }
0x52: {  	_ =	shalt  }
0x53: {  	_ =	shalt  }
0x54: {  	_ =	shalt  }
0x55: {  	_ =	shalt  }
0x56: {  	_ =	shalt  }
0x57: {  	_ =	shalt  }
0x58: {  	_ =	shalt  }
0x59: {  	_ =	shalt  }
0x5a: {  	_ =	shalt  }
0x5b: {  	_ =	shalt  }
0x5c: {  	_ =	shalt  }
0x5d: {  	_ =	shalt  }
0x5e: {  	_ =	shalt  }
0x5f: {  	_ =	shalt  }
0x60: {  	_ =	shalt  }
0x61: {  	_ =	shalt  }
0x62: {  	_ =	shalt  }
0x63: {  	_ =	shalt  }
0x64: {  	_ =	shalt  }
0x65: {  	_ =	shalt  }
0x66: {  	_ =	shalt  }
0x67: {  	_ =	shalt  }
0x68: {  	_ =	shalt  }
0x69: {  	_ =	shalt  }
0x6a: {  	_ =	shalt  }
0x6b: {  	_ =	shalt  }
0x6c: {  	_ =	shalt  }
0x6d: {  	_ =	shalt  }
0x6e: {  	_ =	shalt  }
0x6f: {  	_ =	shalt  }
0x70: {  	_ =	shalt  }
0x71: {  	_ =	shalt  }
0x72: {  	_ =	shalt  }
0x73: {  	_ =	shalt  }
0x74: {  	_ =	shalt  }
0x75: {  	_ =	shalt  }
0x76: {  	_ =	shalt  }
0x77: {  	_ =	shalt  }
0x78: {  	_ =	shalt  }
0x79: {  	_ =	shalt  }
0x7a: {  	_ =	shalt  }
0x7b: {  	_ =	shalt  }
0x7c: {  	_ =	shalt  }
0x7d: {  	_ =	shalt  }
0x7e: {  	_ =	shalt  }
0x7f: {  	_ =	shalt  }
0x80: {  	_ =	shalt  }
0x81: {  	_ =	shalt  }
0x82: {  	_ =	shalt  }
0x83: {  	_ =	shalt  }
0x84: {  	_ =	shalt  }
0x85: {  	_ =	shalt  }
0x86: {  	_ =	shalt  }
0x87: {  	_ =	shalt  }
.Lfunc_end0:
.L_simem_size_0:
called_computation_lowered:
.L_overlay_start_0:
0x88: {  	s0 =	sld [smem:$0x3FD9]  }
0x89: {  	s1 =	sld [smem:$0x3FFE];
	_ =	sdelay $0x3  }
0x8a: {  	s0 =	sadd.s32 s1, s0  }
0x8b: {  	[smem:$0x3FC0] =	sst s0  }
0x8c: {  	_ = 	snop  }
0x8d: {  	s0 =	sld [smem:$0x3FD0];
	(tm) =	ssettm $0x1  }
0x8e: {  	s16 =	sld [smem:$0x3FFB];
	_ =	sdelay $0x3  }
0x8f: {  	_ =	strace s16  }
0x90: {  	s1 =	sld [smem:$0x3FFC];
	_ =	sdelay $0x3  }
0x91: {  	_ =	strace s1  }
0x92: {  	s1 =	sld [smem:$0x3FFD];
	_ =	sdelay $0x3  }
0x93: {  	_ =	strace s1  }
0x94: {  	_ =	strace $0x8FFFFFFF  }
0x95: {  	s17 =	sld [smem:$0x3FDB];
	_ =	sdelay $0x1  }
0x96: {  	s2 =	simm.s32 $_scs_section_size  }
0x97: {  	s3 =	simm.s32 $_size__tile_overlayer_lowered;
	s4 =	simm.s32 $_tile_overlayer_lowered  }
0x98: {  	s20 =	simm.s32 $0x1BFF;
	s19 =	sshll.u32 s4, $0x1;
	s1 =	sadd.s32 s2, s17  }
0x99: {  	s5 =	simm.s32 $0x0;
	s18 =	sshll.u32 s3, $0x1;
	s3 =	sadd.s32 s19, s1  }
0x9a: {  	[timem:s5], [sflag:s20] =	dma.local [hbm:s3], s18  }
0x9b: {  	_ =	swait.ge [sflag:s20], s18  }
0x9c: {  	s2 =	ssub.s32 $0x0, s18;
	[sflag:s20] =	ssyncset.done $0x0  }
0x9d: {  	[sflag:s20] =	ssyncadd.s32 s2;
	_ =	sdelay $0x1  }
0x9e: {  	s21 =	simm.s32 $0x1B8B  }
0x9f: {  	_ =	swait.ge [sflag:s21], $0x1  }
0xa0: {  	[sflag:s21] =	ssyncset.done $0x0  }
0xa1: {  	s23 =	simm.s32 $0x1B8E;
	s22 =	sld [smem:$0x3FFE];
	[sflag:s21] =	ssyncadd.s32 $0xFFFFFFFF  }
0xa2: {  	s24 =	simm.s32 $execute0_lowered;
	[smem:$0x3FD2] =	sst s23  }
0xa3: {  	s3 =	sshll.u32 s24, $0x1;
	_ =	strace $0x80000046;
	[dreg:$0x1] =	wrdreg $0xFFFFFFFF  }
0xa4: {  	s25 =	simm.s32 $_size_execute0_lowered;
	s1 =	sadd.s32 s1, s3;
	[dreg:$0x0] =	wrdreg $0x0  }
0xa5: {  	s3 =	sshll.u32 s25, $0x1;
	[dreg:$0x2] =	wrdreg s1  }
0xa6: {  	[dreg:$0x3] =	wrdreg s3  }
0xa7: {  	[dreg:$0x4] =	wrdreg $0xC0  }
0xa8: {  	_ =	task [dreg:s5], $0x5FFFF  }
0xa9: {  	[dreg:$0x1] =	wrdreg $0xFFFFFFFF  }
0xaa: {  	[dreg:$0x0] =	wrdreg $0x60  }
0xab: {  	[dreg:$0x2] =	wrdreg s0  }
0xac: {  	[dreg:$0x3] =	wrdreg s22  }
0xad: {  	[dreg:$0x4] =	wrdreg $0x57D00  }
0xae: {  	[dreg:$0x5] =	wrdreg $0x9  }
0xaf: {  	_ =	task.clear_ibuf [dreg:s5], $0x6FFFF;
	_ =	strace $0x90000046  }
0xb0: {  	s26 =	simm.s32 $0x9;
	_ =	strace $0x80000048  }
0xb1: {  	_ =	swait.ge [sflag:s26], $0x1  }
0xb2: {  	[sflag:s26] =	ssyncadd.s32 $0xFFFFFFFF  }
0xb3: {  	_ =	strace $0x90000048  }
0xb4: {  	_ =	sfence  }
0xb5: {  	s28 =	sld [smem:$0x0];
	_ =	sdelay $0x1  }
0xb6: {  	s29 =	srdreg.scid  }
0xb7: {  	s30 =	sshll.u32 s29, $0xD;
	s31 =	sshrl.u32 s29, $0x2  }
0xb8: {  	s2 =	sand.u32 $0x4000, s30;
	s1 =	sand.u32 $0x1, s29;
	s0 =	sadd.s32 s31, s28  }
0xb9: {  	s1 =	sor.u32 s2, s1;
	s0 =	sshll.u32 s0, $0x11  }
0xba: {  	s0 =	sor.u32 s0, s1  }
0xbb: {  	s0 =	sadd.s32 $0x8F2B, s0  }
0xbc: {  	[sflag:s0] =	ssyncadd.remote.s32 $0x1  }
0xbd: {  	_ =	sfence.sel $0xFFFF  }
0xbe: {  	[dreg:$0x0] =	wrdreg $0xFFFFFFFF;
	(pc) =	sbr.abs _section_cstart, $3  }
0xbf: {  	[dreg:$0x1] =	wrdreg $0xFFFFFFFF  }
0xc0: {  	_ =	task.clear_ibuf [dreg:s5], $0x2FFFF;
	_ =	strace $0x9FFFFFFF  }
0xc1: {  	(tm) =	ssettm $0x7FFFFFFF  }
tec
execute0_lowered:
.L_overlay_start_1:
0x0: {  	(tag) =	ssettag $0x1  }
0x1: {  	s6 =	rddreg [dreg:$0x0]  }
0x2: {  	s1 =	rddreg [dreg:$0x1]  }
0x3: {  	s2 =	rddreg [dreg:$0x2]  }
0x4: {  	s0 =	rddreg [dreg:$0x3];
	s3 =	simm.s32 $0x0  }
0x5: {  	s4 =	simm.s32 $0x40;
	s7 =	simm.s32 $0x0;
	[smem:$0x7FF] =	sst s3  }
0x6: {  	v0 =	vimm.f32 $1.000000000e+00;
	s3 =	sadd.s32 $0x1E00, s1;
	s1 =	stileid.u32;
	_ =	strace $0x80000047  }
.LBB2_1:
0x7: {  	p0 =	sne.s32 s4, $0x1F00;
	[tilespmem:s7+$0x5000] =	vst v0;
	s5 =	smov.u32 s4;
	s4 =	sadd.s32 $0x40, s4  }
.Ltmp0:
0x8: {  	(pc) =	sbr.rel @p0 .LBB2_1-.Ltmp0, $2  }
0x9: {  	_ =	sdelay $0x2  }
0xa: {  	s7 =	sshra.s32 s5, $0x2  }
0xb: {  	s5 =	smul.u32 $0x2710, s1  }
0xc: {  	s9 =	smul.u32 $0x9C40, s1  }
0xd: {  	[tilespmem:s7+$0x5000] =	vst v0;
	s8 =	simm.s32 $0x5000;
	s7 =	simm.s32 $0x1;
	s4 =	sadd.s32 s5, s2  }
0xe: {  	[spmem:s4] =	stream.linear.scatter [tilespmem:s8], [sflag:$0x1], $0x7D0, $0x38;
	[tilespmem:$0x7EE0] =	vst v63  }
0xf: {  	s9 =	sshrl.u32 s9, $0x2;
	_ =	swait.ge [sflag:s7], $0x7D0  }
0x10: {  	s9 =	sadd.s32 s9, s2;
	[sflag:s7] =	ssyncset.done $0x0  }
0x11: {  	s10 =	sadd.s32 $0x7D0, s9;
	[sflag:s7] =	ssyncadd.s32 $0xFFFFF830  }
0x12: {  	[spmem:s10] =	stream.linear.scatter [tilespmem:s8], [sflag:$0x1], $0x7D0, $0x38;
	[tilespmem:$0x7EE0] =	vst v63  }
0x13: {  	_ =	swait.ge [sflag:s7], $0x7D0  }
0x14: {  	[sflag:s7] =	ssyncset.done $0x0  }
0x15: {  	s26 =	sadd.s32 $0xFA0, s9;
	[sflag:s7] =	ssyncadd.s32 $0xFFFFF830  }
0x16: {  	[spmem:s26] =	stream.linear.scatter [tilespmem:s8], [sflag:$0x1], $0x7D0, $0x38;
	[tilespmem:$0x7EE0] =	vst v63  }
0x17: {  	_ =	swait.ge [sflag:s7], $0x7D0  }
0x18: {  	[sflag:s7] =	ssyncset.done $0x0  }
0x19: {  	s28 =	sadd.s32 $0x1770, s9;
	[sflag:s7] =	ssyncadd.s32 $0xFFFFF830  }
0x1a: {  	[spmem:s28] =	stream.linear.scatter [tilespmem:s8], [sflag:$0x1], $0x7D0, $0x38;
	[tilespmem:$0x7EE0] =	vst v63  }
0x1b: {  	_ =	swait.ge [sflag:s7], $0x7D0  }
0x1c: {  	[sflag:s7] =	ssyncset.done $0x0  }
0x1d: {  	s9 =	sadd.s32 $0x1F40, s9;
	[sflag:s7] =	ssyncadd.s32 $0xFFFFF830  }
0x1e: {  	[spmem:s9] =	stream.linear.scatter [tilespmem:s8], [sflag:$0x1], $0x7D0, $0x38;
	[tilespmem:$0x7EE0] =	vst v63  }
0x1f: {  	s29 =	smul.u32 $0xA00, s1;
	_ =	swait.ge [sflag:s7], $0x7D0  }
0x20: {  	[sflag:s7] =	ssyncset.done $0x0  }
0x21: {  	s30 =	simm.s32 $0x0;
	s6 =	sadd.s32 s6, s29;
	[sflag:s7] =	ssyncadd.s32 $0xFFFFF830  }
0x22: {  	[tilespmem:s30], [sflag:$0x1] =	stream.linear.gather [hbm4b:s6+s30], $0x5000, $0x38;
	[tilespmem:$0x7EE0] =	vst v63  }
0x23: {  	_ =	swait.ge [sflag:s7], $0x5000  }
0x24: {  	[sflag:s7] =	ssyncset.done $0x0  }
0x25: {  	[sflag:s7] =	ssyncadd.s32 $0xFFFFB000  }
0x26: {  	s31 =	simm.s32 $0x0;
	s6 =	simm.s32 $0x7D;
	[bflag:$0x0] =	sbarrier.arrive $0xFFFF  }
0x27: {  	[spmem:s2] =	stream.indirect.scatter.add.f32 [tilespmem:s8], [sflag:$0x1], $0x10, s31, s6, $0xb8;
	[tilespmem:$0x7EE0] =	vst v63  }
0x28: {  	_ =	swait.ge [sflag:s7], $0x7D0  }
0x29: {  	s9 =	simm.s32 $0x200;
	[sflag:s7] =	ssyncset.done $0x0  }
.LBB2_3:
0x2a: {  	s10 =	sshra.s32 s9, $0x2;
	[sflag:s7] =	ssyncadd.s32 $0xFFFFF830;
	p0 =	sne.s32 s9, $0x13E00  }
0x2b: {  	[spmem:s2] =	stream.indirect.scatter.add.f32 [tilespmem:s8], [sflag:$0x1], $0x10, s10, s6, $0xb8;
	[tilespmem:$0x7EE0] =	vst v63  }
.Ltmp1:
0x2c: {  	_ = 	snop;
	(pc) =	sbr.rel @p0 .LBB2_3-.Ltmp1, $4  }
0x2d: {  	_ = 	snop  }
0x2e: {  	s9 =	sadd.s32 $0x200, s9  }
0x2f: {  	_ =	swait.ge [sflag:s7], $0x7D0  }
0x30: {  	[sflag:s7] =	ssyncset.done $0x0  }
0x31: {  	s2 =	sshrl.u32 s5, $0x3;
	[sflag:s7] =	ssyncadd.s32 $0xFFFFF830  }
0x32: {  	s30 =	sshll.u32 s1, $0x6;
	s4 =	sshrl.u32 s4, $0x3;
	s31 =	simm.s32 $0x1  }
0x33: {  	s2 =	sadd.s32 s3, s2;
	[bflag:$0x0] =	sbarrier.arrive $0xFFFF;
	s3 =	sor.u32 $0x1C01, s30  }
0x34: {  	[hbm:s2], [sflag:s3] =	dma.local [spmem:s4], $0x4E2  }
0x35: {  	_ =	swait.ge [sflag:s31], $0x4E2  }
0x36: {  	[sflag:s31] =	ssyncset.done $0x0  }
0x37: {  	[sflag:s31] =	ssyncadd.s32 $0xFFFFFB1E  }
0x38: {  	_ =	sfence.sel $0x180000  }
0x39: {  	[bflag:$0x0] =	sbarrier.arrive $0xFFFF  }
0x3a: {  	p0 =	sne.s32 s1, $0x0;
	_ =	strace $0x90000047  }
0x3b: {  	s0 =	sadd.s32 @!p0 $0x100000, s0;
	[bflag:$0x2] =	sbarrier.arrive $0xFFFF  }
0x3c: {  	[sflag:s0] =	ssyncadd.tile.s32 @!p0 $0x1;
	_ =	shalt  }
.Lfunc_end2:
_tile_overlayer_lowered:
.L_overlay_start_2:
0x3d: {  	(tag) =	ssettag $0x2  }
0x3e: {  	s0 =	rddreg [dreg:$0x0];
	s2 =	stileid.u32  }
0x3f: {  	s1 =	rddreg [dreg:$0x1];
	p0 =	sne.s32 s2, $0x0  }
0x40: {  	s3 =	rddreg [dreg:$0x2];
	[bflag:$0x3] =	sbarrier.arrive $0xFFFF;
	s2 =	simm.s32 @!p0 $0x1C01  }
0x41: {  	[timem:s3], [sflag:s2] =	dma.local @!p0 [hbm:s0], s1  }
0x42: {  	s0 =	simm.s32 @!p0 $0x1  }
0x43: {  	_ =	swait.ge @!p0 [sflag:s0], s1  }
0x44: {  	s1 =	ssub.s32 @!p0 $0x0, s1;
	[sflag:s0] =	ssyncset.done @!p0 $0x0  }
0x45: {  	[sflag:s0] =	ssyncadd.s32 @!p0 s1  }
0x46: {  	[bflag:$0x3] =	sbarrier.arrive $0xFFFF  }
0x47: {  	_ =	shalt  }

</sc_bundles>
